<compile_context>
chip_gen: v7x
topology: tpu7x:2x2x1
jax: 0.10.2.dev20260603
libtpu: 0.0.44.dev20260713+nightly
codegen_flags: <defaults>
</compile_context>

<pallas_src>
import jax
import jax.numpy as jnp
from jax import lax
from jax.experimental import pallas as pl
from jax.experimental.pallas import tpu as pltpu
from jax.experimental.pallas import tpu_sc as plsc

BATCH = 128
NCAT = 100000
RB = 8

SC_ROWS = 24
TC_ROWS = BATCH - SC_ROWS
NRB_H = TC_ROWS // RB
NRB_L = SC_ROWS // RB

CW = 2048
NFULL_H = NCAT // CW
TAIL_H = NCAT - NFULL_H * CW

CWL = 1024
NFULL_L = NCAT // CWL
TAIL_L = NCAT - NFULL_L * CWL

NWORK = 32
CHK = 1600
NCHUNK = SC_ROWS * NCAT // CHK
NITER = -(-NCHUNK // NWORK)
VPG = 10

_K2 = 1234
_KS2 = _K2 ^ 0x1BD11BDA
_ROT0 = (13, 15, 26, 6)
_ROT1 = (17, 29, 16, 24)


def _rotl(x, d):
    return (x << jnp.uint32(d)) | (x >> jnp.uint32(32 - d))


def _threefry_bits(x1):
    x0 = x1
    x1 = _rotl(x1, 13) ^ x0
    for r in _ROT0[1:]:
        x0 = x0 + x1
        x1 = _rotl(x1, r) ^ x0
    x0 = x0 + jnp.uint32(_K2)
    x1 = x1 + jnp.uint32(_KS2 + 1)
    for r in _ROT1:
        x0 = x0 + x1
        x1 = _rotl(x1, r) ^ x0
    x0 = x0 + jnp.uint32(_KS2)
    x1 = x1 + jnp.uint32(2)
    for r in _ROT0:
        x0 = x0 + x1
        x1 = _rotl(x1, r) ^ x0
    x1 = x1 + jnp.uint32(_K2 + 3)
    for r in _ROT1:
        x0 = x0 + x1
        x1 = _rotl(x1, r) ^ x0
    x0 = x0 + jnp.uint32(_K2)
    x1 = x1 + jnp.uint32(_KS2 + 4)
    for r in _ROT0:
        x0 = x0 + x1
        x1 = _rotl(x1, r) ^ x0
    x0 = x0 + jnp.uint32(_KS2)
    x1 = x1 + jnp.uint32(5)
    return x0 ^ x1


def _gumbel_from_bits(bits):
    fb = (bits >> jnp.uint32(9)) | jnp.uint32(0x3F800000)
    floats = lax.bitcast_convert_type(fb, jnp.float32) - jnp.float32(1.0)
    u = jnp.maximum(jnp.float32(1.1754943508222875e-38), floats)
    return -jnp.log(-jnp.log(u))



_SC_CNT_BASE = TC_ROWS * NCAT + _K2


def _sc_bits_body(out_hbm, buf, lane):
    wid = lax.axis_index("s") * 2 + lax.axis_index("c")
    lane[...] = lax.iota(jnp.int32, 16)

    def chunk(t, _):
        c = wid + t * NWORK

        @pl.when(c < NCHUNK)
        def _():
            cnt0 = _SC_CNT_BASE + c * CHK

            def group(i, _):
                for u in range(VPG):
                    off = i * (VPG * 16) + u * 16
                    x1 = (cnt0 + off + lane[...]).astype(jnp.uint32)
                    buf[pl.ds(off, 16)] = lax.bitcast_convert_type(
                        _threefry_bits(x1), jnp.int32)
                return 0

            lax.fori_loop(0, CHK // (VPG * 16), group, 0)
            pltpu.sync_copy(buf, out_hbm.at[pl.ds(c * CHK, CHK)])

        return 0

    lax.fori_loop(0, NITER, chunk, 0)


def _sc_bits():
    kern = pl.kernel(
        _sc_bits_body,
        out_type=jax.ShapeDtypeStruct((SC_ROWS * NCAT,), jnp.int32),
        mesh=plsc.VectorSubcoreMesh(core_axis_name="c", subcore_axis_name="s"),
        scratch_types=[
            pltpu.VMEM((CHK,), jnp.int32),
            pltpu.VMEM((16,), jnp.int32),
        ],
    )
    return kern().reshape(SC_ROWS, NCAT)



def _heavy_body(x_ref, idx_ref):
    s = pl.program_id(0)

    def _argmax():
        row = s * RB + lax.broadcasted_iota(jnp.int32, (RB, CW), 0)
        basep = row * NCAT + jnp.int32(_K2)
        col0 = lax.broadcasted_iota(jnp.int32, (RB, CW), 1)

        def body(j, carry):
            run_z, run_c = carry
            col = j * CW + col0
            x1 = (basep + col).astype(jnp.uint32)
            x = x_ref[:, pl.ds(j * CW, CW)]
            z = x + _gumbel_from_bits(_threefry_bits(x1))
            better = z > run_z
            return (jnp.where(better, z, run_z), jnp.where(better, col, run_c))

        init = (jnp.full((RB, CW), -jnp.inf, jnp.float32),
                jnp.zeros((RB, CW), jnp.int32))
        run_z, run_c = lax.fori_loop(0, NFULL_H, body, init)

        colt = NFULL_H * CW + lax.broadcasted_iota(jnp.int32, (RB, TAIL_H), 1)
        rowt = s * RB + lax.broadcasted_iota(jnp.int32, (RB, TAIL_H), 0)
        x1t = (rowt * NCAT + jnp.int32(_K2) + colt).astype(jnp.uint32)
        xt = x_ref[:, pl.ds(NFULL_H * CW, TAIL_H)]
        zt = xt + _gumbel_from_bits(_threefry_bits(x1t))

        big = jnp.int32(2**31 - 1)
        rmax = jnp.maximum(jnp.max(run_z, axis=1, keepdims=True),
                           jnp.max(zt, axis=1, keepdims=True))
        cand = jnp.min(jnp.where(run_z == rmax, run_c, big),
                       axis=1, keepdims=True)
        candt = jnp.min(jnp.where(zt == rmax, colt, big),
                        axis=1, keepdims=True)
        idx_ref[...] = jnp.minimum(cand, candt)

    _argmax()


def _heavy(dist_params):
    return pl.pallas_call(
        _heavy_body,
        grid=(NRB_H,),
        in_specs=[pl.BlockSpec((RB, NCAT), lambda s: (s, 0))],
        out_specs=pl.BlockSpec((RB, 1), lambda s: (s, 0)),
        out_shape=jax.ShapeDtypeStruct((TC_ROWS, 1), jnp.int32),
    )(dist_params)



def _light_body(x_ref, bits_ref, idxh_ref, out_ref, idx_scr):
    s = pl.program_id(0)

    @pl.when(s == 0)
    def _seed():
        idx_scr[pl.ds(0, TC_ROWS), :] = idxh_ref[...]

    @pl.when(s < NRB_L)
    def _argmax():
        col0 = lax.broadcasted_iota(jnp.int32, (RB, CWL), 1)

        def body(j, carry):
            run_z, run_c = carry
            col = j * CWL + col0
            bits = lax.bitcast_convert_type(bits_ref[:, pl.ds(j * CWL, CWL)],
                                            jnp.uint32)
            x = x_ref[:, pl.ds(j * CWL, CWL)]
            z = x + _gumbel_from_bits(bits)
            better = z > run_z
            return (jnp.where(better, z, run_z), jnp.where(better, col, run_c))

        init = (jnp.full((RB, CWL), -jnp.inf, jnp.float32),
                jnp.zeros((RB, CWL), jnp.int32))
        run_z, run_c = lax.fori_loop(0, NFULL_L, body, init)

        colt = NFULL_L * CWL + lax.broadcasted_iota(jnp.int32, (RB, TAIL_L), 1)
        bt = lax.bitcast_convert_type(bits_ref[:, pl.ds(NFULL_L * CWL, TAIL_L)],
                                      jnp.uint32)
        xt = x_ref[:, pl.ds(NFULL_L * CWL, TAIL_L)]
        zt = xt + _gumbel_from_bits(bt)

        big = jnp.int32(2**31 - 1)
        rmax = jnp.maximum(jnp.max(run_z, axis=1, keepdims=True),
                           jnp.max(zt, axis=1, keepdims=True))
        cand = jnp.min(jnp.where(run_z == rmax, run_c, big),
                       axis=1, keepdims=True)
        candt = jnp.min(jnp.where(zt == rmax, colt, big),
                        axis=1, keepdims=True)
        idx_scr[pl.ds(TC_ROWS + s * RB, RB), :] = jnp.minimum(cand, candt)

    @pl.when(s >= NRB_L)
    def _onehot():
        idx = idx_scr[pl.ds((s - NRB_L) * RB, RB), :]
        col = lax.broadcasted_iota(jnp.int32, (RB, NCAT), 1)
        out_ref[...] = (col == idx).astype(jnp.float32)


def _finish(x_bot, bits, idx_heavy):
    return pl.pallas_call(
        _light_body,
        grid=(NRB_L + BATCH // RB,),
        in_specs=[
            pl.BlockSpec((RB, NCAT), lambda s: (jnp.minimum(s, NRB_L - 1), 0)),
            pl.BlockSpec((RB, NCAT), lambda s: (jnp.minimum(s, NRB_L - 1), 0)),
            pl.BlockSpec((TC_ROWS, 1), lambda s: (0, 0)),
        ],
        out_specs=pl.BlockSpec((RB, NCAT),
                               lambda s: (jnp.maximum(s - NRB_L, 0), 0)),
        out_shape=jax.ShapeDtypeStruct((BATCH, NCAT), jnp.float32),
        scratch_shapes=[pltpu.VMEM((BATCH, 1), jnp.int32)],
    )(x_bot, bits, idx_heavy)


@jax.jit
def kernel(dist_params):
    bits = _sc_bits()
    idx_heavy = _heavy(dist_params)
    x_bot = lax.slice(dist_params, (TC_ROWS, 0), (BATCH, NCAT))
    return _finish(x_bot, bits, idx_heavy)

# --- scband reference (transcript-rebuilt; emitter-appended) ---
"""Pipeline reference for scband-categorical-variable-22024592293967 (READ-ONLY COPY).

The authoritative reference and input builder live on the scoring server;
editing this copy changes nothing except your own understanding.
"""

import jax, jax.numpy as jnp
import numpy as np

NUM_CATEGORIES = 100000
BATCH = 128


def setup_inputs(seed: int = 0) -> dict:
    key = jax.random.key(seed)
    dist_params = jax.random.normal(key, (BATCH, NUM_CATEGORIES), dtype=jnp.float32)
    return {"dist_params": dist_params}


def _gumbel_softmax(logits, key, hard=False, axis=-1):
    # torch: gumbels = -torch.empty_like(logits).exponential_().log()  (standard Gumbel(0,1) noise, detached)
    gumbels = jax.lax.stop_gradient(jax.random.gumbel(key, logits.shape, dtype=logits.dtype))
    y_soft = jax.nn.softmax(logits + gumbels, axis=axis)
    if hard:
        index = jnp.argmax(y_soft, axis=axis)
        y_hard = jax.nn.one_hot(index, logits.shape[axis], dtype=logits.dtype)
        # straight-through: y_hard - y_soft.detach() + y_soft
        return y_hard - jax.lax.stop_gradient(y_soft) + y_soft
    return y_soft


def reference(dist_params):
    # CategoricalVariable.forward(dist_params, gt=None, SGD_rather_than_EM=True):
    # unsupervised path -> draw a Monte Carlo sample of the categorical variable
    # via hard gumbel-softmax over the category axis; output is a one-hot sample
    # of shape [B, num_categories] (float32).
    key = jax.random.key(1234)
    return _gumbel_softmax(dist_params, key, hard=True, axis=-1)

if __name__ == "__main__":
    import jax
    _d = setup_inputs()
    print(jax.jit(kernel)(*tuple(_d.values())))

</pallas_src>

<mosaic_0001>
#map = affine_map<(d0, d1) -> (0)>
module attributes {stable_mosaic.version = 14 : i64} {
  func.func @_sc_bits_body(%arg0: i32, %arg1: i32, %arg2: memref<2400000xi32, #tpu.memory_space<hbm>>, %arg3: memref<1600xi32, #tpu.memory_space<vmem>>, %arg4: memref<16xi32, #tpu.memory_space<vmem>>) attributes {dimension_semantics = [#tpu.dimension_semantics<core_parallel>, #tpu.dimension_semantics<subcore_parallel>], iteration_bounds = array<i64: 2, 16>, scalar_prefetch = 0 : i64, scratch_operands = 2 : i64, tpu.core_type = #tpu.core_type<sc_vector_subcore>, window_params = [{transform_indices = #map}]} {
    %mul3A = arith.constant 2 : i32
    %mul3A_0 = arith.muli %arg1, %mul3A : i32
    %add3A = arith.addi %mul3A_0, %arg0 : i32
    %iota3A = tpu.iota {dimensions = array<i32: 0>} : vector<16xi32>
    %swap3A = arith.constant 0 : index
    %swap3A_1 = tpu.vector_load %arg4[%swap3A] {strides = array<i32>} : memref<16xi32, #tpu.memory_space<vmem>>, vector<16xi32>,
    %swap3A_2 = vector.shape_cast %swap3A_1 : vector<16xi32> to vector<16xi32>
    %swap3A_3 = vector.shape_cast %iota3A : vector<16xi32> to vector<16xi32>
    tpu.vector_store %arg4[%swap3A], %swap3A_3 {strides = array<i32>} : memref<16xi32, #tpu.memory_space<vmem>>, vector<16xi32>,
    %scan3A = arith.constant 0 : i32
    %scan3A_4 = arith.constant 0 : i32
    %scan3A_5 = arith.constant 47 : i32
    %scan3A_6 = arith.addi %scan3A_4, %scan3A_5 : i32
    %scan3A_7 = arith.constant 1 : i32
    %scan3A_8 = scf.for %scan3A_10 = %scan3A_4 to %scan3A_6 step %scan3A_7 iter_args(%scan3A_11 = %scan3A) -> (i32)  : i32 {
      %mul3A_12 = arith.constant 32 : i32
      %mul3A_13 = arith.muli %scan3A_10, %mul3A_12 : i32
      %add3A_14 = arith.addi %add3A, %mul3A_13 : i32
      %lt3A = arith.constant 1500 : i32
      %lt3A_15 = arith.cmpi slt, %add3A_14, %lt3A : i32
      %convert_element_type3A = arith.extui %lt3A_15 : i1 to i32
      %cond3A = arith.constant 0 : i32
      %cond3A_16 = arith.cmpi ne, %convert_element_type3A, %cond3A : i32
      scf.if %cond3A_16 {
        %mul3A_18 = arith.constant 1600 : i32
        %mul3A_19 = arith.muli %add3A_14, %mul3A_18 : i32
        %add3A_20 = arith.constant 10401234 : i32
        %add3A_21 = arith.addi %add3A_20, %mul3A_19 : i32
        %scan3A_22 = arith.constant 0 : i32
        %scan3A_23 = arith.constant 0 : i32
        %scan3A_24 = arith.constant 10 : i32
        %scan3A_25 = arith.addi %scan3A_23, %scan3A_24 : i32
        %scan3A_26 = arith.constant 1 : i32
        %scan3A_27 = scf.for %scan3A_31 = %scan3A_23 to %scan3A_25 step %scan3A_26 iter_args(%scan3A_32 = %scan3A_22) -> (i32)  : i32 {
          %mul3A_33 = arith.constant 160 : i32
          %mul3A_34 = arith.muli %scan3A_31, %mul3A_33 : i32
          %add3A_35 = arith.constant 0 : i32
          %add3A_36 = arith.addi %mul3A_34, %add3A_35 : i32
          %add3A_37 = arith.addi %add3A_21, %add3A_36 : i32
          %get3A = arith.constant 0 : index
          %get3A_38 = tpu.vector_load %arg4[%get3A] {strides = array<i32>} : memref<16xi32, #tpu.memory_space<vmem>>, vector<16xi32>,
          %get3A_39 = vector.shape_cast %get3A_38 : vector<16xi32> to vector<16xi32>
          %add3A_40 = vector.broadcast %add3A_37 : i32 to vector<16xi32>
          %add3A_41 = arith.addi %add3A_40, %get3A_39 : vector<16xi32>
          %shift_left3A = arith.constant 13 : i32
          %shift_left3A_42 = vector.broadcast %shift_left3A : i32 to vector<16xi32>
          %shift_left3A_43 = arith.shli %add3A_41, %shift_left3A_42 : vector<16xi32>
          %shift_right_logical3A = arith.constant 19 : i32
          %shift_right_logical3A_44 = vector.broadcast %shift_right_logical3A : i32 to vector<16xi32>
          %shift_right_logical3A_45 = arith.shrui %add3A_41, %shift_right_logical3A_44 : vector<16xi32>
          %or3A = arith.ori %shift_left3A_43, %shift_right_logical3A_45 : vector<16xi32>
          %xor3A = arith.xori %or3A, %add3A_41 : vector<16xi32>
          %add3A_46 = arith.addi %add3A_41, %xor3A : vector<16xi32>
          %shift_left3A_47 = arith.constant 15 : i32
          %shift_left3A_48 = vector.broadcast %shift_left3A_47 : i32 to vector<16xi32>
          %shift_left3A_49 = arith.shli %xor3A, %shift_left3A_48 : vector<16xi32>
          %shift_right_logical3A_50 = arith.constant 17 : i32
          %shift_right_logical3A_51 = vector.broadcast %shift_right_logical3A_50 : i32 to vector<16xi32>
          %shift_right_logical3A_52 = arith.shrui %xor3A, %shift_right_logical3A_51 : vector<16xi32>
          %or3A_53 = arith.ori %shift_left3A_49, %shift_right_logical3A_52 : vector<16xi32>
          %xor3A_54 = arith.xori %or3A_53, %add3A_46 : vector<16xi32>
          %add3A_55 = arith.addi %add3A_46, %xor3A_54 : vector<16xi32>
          %shift_left3A_56 = arith.constant 26 : i32
          %shift_left3A_57 = vector.broadcast %shift_left3A_56 : i32 to vector<16xi32>
          %shift_left3A_58 = arith.shli %xor3A_54, %shift_left3A_57 : vector<16xi32>
          %shift_right_logical3A_59 = arith.constant 6 : i32
          %shift_right_logical3A_60 = vector.broadcast %shift_right_logical3A_59 : i32 to vector<16xi32>
          %shift_right_logical3A_61 = arith.shrui %xor3A_54, %shift_right_logical3A_60 : vector<16xi32>
          %or3A_62 = arith.ori %shift_left3A_58, %shift_right_logical3A_61 : vector<16xi32>
          %xor3A_63 = arith.xori %or3A_62, %add3A_55 : vector<16xi32>
          %add3A_64 = arith.addi %add3A_55, %xor3A_63 : vector<16xi32>
          %shift_left3A_65 = arith.constant 6 : i32
          %shift_left3A_66 = vector.broadcast %shift_left3A_65 : i32 to vector<16xi32>
          %shift_left3A_67 = arith.shli %xor3A_63, %shift_left3A_66 : vector<16xi32>
          %shift_right_logical3A_68 = arith.constant 26 : i32
          %shift_right_logical3A_69 = vector.broadcast %shift_right_logical3A_68 : i32 to vector<16xi32>
          %shift_right_logical3A_70 = arith.shrui %xor3A_63, %shift_right_logical3A_69 : vector<16xi32>
          %or3A_71 = arith.ori %shift_left3A_67, %shift_right_logical3A_70 : vector<16xi32>
          %xor3A_72 = arith.xori %or3A_71, %add3A_64 : vector<16xi32>
          %add3A_73 = arith.constant 1234 : i32
          %add3A_74 = vector.broadcast %add3A_73 : i32 to vector<16xi32>
          %add3A_75 = arith.addi %add3A_64, %add3A_74 : vector<16xi32>
          %add3A_76 = arith.constant 466689801 : i32
          %add3A_77 = vector.broadcast %add3A_76 : i32 to vector<16xi32>
          %add3A_78 = arith.addi %xor3A_72, %add3A_77 : vector<16xi32>
          %add3A_79 = arith.addi %add3A_75, %add3A_78 : vector<16xi32>
          %shift_left3A_80 = arith.constant 17 : i32
          %shift_left3A_81 = vector.broadcast %shift_left3A_80 : i32 to vector<16xi32>
          %shift_left3A_82 = arith.shli %add3A_78, %shift_left3A_81 : vector<16xi32>
          %shift_right_logical3A_83 = arith.constant 15 : i32
          %shift_right_logical3A_84 = vector.broadcast %shift_right_logical3A_83 : i32 to vector<16xi32>
          %shift_right_logical3A_85 = arith.shrui %add3A_78, %shift_right_logical3A_84 : vector<16xi32>
          %or3A_86 = arith.ori %shift_left3A_82, %shift_right_logical3A_85 : vector<16xi32>
          %xor3A_87 = arith.xori %or3A_86, %add3A_79 : vector<16xi32>
          %add3A_88 = arith.addi %add3A_79, %xor3A_87 : vector<16xi32>
          %shift_left3A_89 = arith.constant 29 : i32
          %shift_left3A_90 = vector.broadcast %shift_left3A_89 : i32 to vector<16xi32>
          %shift_left3A_91 = arith.shli %xor3A_87, %shift_left3A_90 : vector<16xi32>
          %shift_right_logical3A_92 = arith.constant 3 : i32
          %shift_right_logical3A_93 = vector.broadcast %shift_right_logical3A_92 : i32 to vector<16xi32>
          %shift_right_logical3A_94 = arith.shrui %xor3A_87, %shift_right_logical3A_93 : vector<16xi32>
          %or3A_95 = arith.ori %shift_left3A_91, %shift_right_logical3A_94 : vector<16xi32>
          %xor3A_96 = arith.xori %or3A_95, %add3A_88 : vector<16xi32>
          %add3A_97 = arith.addi %add3A_88, %xor3A_96 : vector<16xi32>
          %shift_left3A_98 = arith.constant 16 : i32
          %shift_left3A_99 = vector.broadcast %shift_left3A_98 : i32 to vector<16xi32>
          %shift_left3A_100 = arith.shli %xor3A_96, %shift_left3A_99 : vector<16xi32>
          %shift_right_logical3A_101 = arith.constant 16 : i32
          %shift_right_logical3A_102 = vector.broadcast %shift_right_logical3A_101 : i32 to vector<16xi32>
          %shift_right_logical3A_103 = arith.shrui %xor3A_96, %shift_right_logical3A_102 : vector<16xi32>
          %or3A_104 = arith.ori %shift_left3A_100, %shift_right_logical3A_103 : vector<16xi32>
          %xor3A_105 = arith.xori %or3A_104, %add3A_97 : vector<16xi32>
          %add3A_106 = arith.addi %add3A_97, %xor3A_105 : vector<16xi32>
          %shift_left3A_107 = arith.constant 24 : i32
          %shift_left3A_108 = vector.broadcast %shift_left3A_107 : i32 to vector<16xi32>
          %shift_left3A_109 = arith.shli %xor3A_105, %shift_left3A_108 : vector<16xi32>
          %shift_right_logical3A_110 = arith.constant 8 : i32
          %shift_right_logical3A_111 = vector.broadcast %shift_right_logical3A_110 : i32 to vector<16xi32>
          %shift_right_logical3A_112 = arith.shrui %xor3A_105, %shift_right_logical3A_111 : vector<16xi32>
          %or3A_113 = arith.ori %shift_left3A_109, %shift_right_logical3A_112 : vector<16xi32>
          %xor3A_114 = arith.xori %or3A_113, %add3A_106 : vector<16xi32>
          %add3A_115 = arith.constant 466689800 : i32
          %add3A_116 = vector.broadcast %add3A_115 : i32 to vector<16xi32>
          %add3A_117 = arith.addi %add3A_106, %add3A_116 : vector<16xi32>
          %add3A_118 = arith.constant 2 : i32
          %add3A_119 = vector.broadcast %add3A_118 : i32 to vector<16xi32>
          %add3A_120 = arith.addi %xor3A_114, %add3A_119 : vector<16xi32>
          %add3A_121 = arith.addi %add3A_117, %add3A_120 : vector<16xi32>
          %shift_left3A_122 = arith.constant 13 : i32
          %shift_left3A_123 = vector.broadcast %shift_left3A_122 : i32 to vector<16xi32>
          %shift_left3A_124 = arith.shli %add3A_120, %shift_left3A_123 : vector<16xi32>
          %shift_right_logical3A_125 = arith.constant 19 : i32
          %shift_right_logical3A_126 = vector.broadcast %shift_right_logical3A_125 : i32 to vector<16xi32>
          %shift_right_logical3A_127 = arith.shrui %add3A_120, %shift_right_logical3A_126 : vector<16xi32>
          %or3A_128 = arith.ori %shift_left3A_124, %shift_right_logical3A_127 : vector<16xi32>
          %xor3A_129 = arith.xori %or3A_128, %add3A_121 : vector<16xi32>
          %add3A_130 = arith.addi %add3A_121, %xor3A_129 : vector<16xi32>
          %shift_left3A_131 = arith.constant 15 : i32
          %shift_left3A_132 = vector.broadcast %shift_left3A_131 : i32 to vector<16xi32>
          %shift_left3A_133 = arith.shli %xor3A_129, %shift_left3A_132 : vector<16xi32>
          %shift_right_logical3A_134 = arith.constant 17 : i32
          %shift_right_logical3A_135 = vector.broadcast %shift_right_logical3A_134 : i32 to vector<16xi32>
          %shift_right_logical3A_136 = arith.shrui %xor3A_129, %shift_right_logical3A_135 : vector<16xi32>
          %or3A_137 = arith.ori %shift_left3A_133, %shift_right_logical3A_136 : vector<16xi32>
          %xor3A_138 = arith.xori %or3A_137, %add3A_130 : vector<16xi32>
          %add3A_139 = arith.addi %add3A_130, %xor3A_138 : vector<16xi32>
          %shift_left3A_140 = arith.constant 26 : i32
          %shift_left3A_141 = vector.broadcast %shift_left3A_140 : i32 to vector<16xi32>
          %shift_left3A_142 = arith.shli %xor3A_138, %shift_left3A_141 : vector<16xi32>
          %shift_right_logical3A_143 = arith.constant 6 : i32
          %shift_right_logical3A_144 = vector.broadcast %shift_right_logical3A_143 : i32 to vector<16xi32>
          %shift_right_logical3A_145 = arith.shrui %xor3A_138, %shift_right_logical3A_144 : vector<16xi32>
          %or3A_146 = arith.ori %shift_left3A_142, %shift_right_logical3A_145 : vector<16xi32>
          %xor3A_147 = arith.xori %or3A_146, %add3A_139 : vector<16xi32>
          %add3A_148 = arith.addi %add3A_139, %xor3A_147 : vector<16xi32>
          %shift_left3A_149 = arith.constant 6 : i32
          %shift_left3A_150 = vector.broadcast %shift_left3A_149 : i32 to vector<16xi32>
          %shift_left3A_151 = arith.shli %xor3A_147, %shift_left3A_150 : vector<16xi32>
          %shift_right_logical3A_152 = arith.constant 26 : i32
          %shift_right_logical3A_153 = vector.broadcast %shift_right_logical3A_152 : i32 to vector<16xi32>
          %shift_right_logical3A_154 = arith.shrui %xor3A_147, %shift_right_logical3A_153 : vector<16xi32>
          %or3A_155 = arith.ori %shift_left3A_151, %shift_right_logical3A_154 : vector<16xi32>
          %xor3A_156 = arith.xori %or3A_155, %add3A_148 : vector<16xi32>
          %add3A_157 = arith.constant 1237 : i32
          %add3A_158 = vector.broadcast %add3A_157 : i32 to vector<16xi32>
          %add3A_159 = arith.addi %xor3A_156, %add3A_158 : vector<16xi32>
          %add3A_160 = arith.addi %add3A_148, %add3A_159 : vector<16xi32>
          %shift_left3A_161 = arith.constant 17 : i32
          %shift_left3A_162 = vector.broadcast %shift_left3A_161 : i32 to vector<16xi32>
          %shift_left3A_163 = arith.shli %add3A_159, %shift_left3A_162 : vector<16xi32>
          %shift_right_logical3A_164 = arith.constant 15 : i32
          %shift_right_logical3A_165 = vector.broadcast %shift_right_logical3A_164 : i32 to vector<16xi32>
          %shift_right_logical3A_166 = arith.shrui %add3A_159, %shift_right_logical3A_165 : vector<16xi32>
          %or3A_167 = arith.ori %shift_left3A_163, %shift_right_logical3A_166 : vector<16xi32>
          %xor3A_168 = arith.xori %or3A_167, %add3A_160 : vector<16xi32>
          %add3A_169 = arith.addi %add3A_160, %xor3A_168 : vector<16xi32>
          %shift_left3A_170 = arith.constant 29 : i32
          %shift_left3A_171 = vector.broadcast %shift_left3A_170 : i32 to vector<16xi32>
          %shift_left3A_172 = arith.shli %xor3A_168, %shift_left3A_171 : vector<16xi32>
          %shift_right_logical3A_173 = arith.constant 3 : i32
          %shift_right_logical3A_174 = vector.broadcast %shift_right_logical3A_173 : i32 to vector<16xi32>
          %shift_right_logical3A_175 = arith.shrui %xor3A_168, %shift_right_logical3A_174 : vector<16xi32>
          %or3A_176 = arith.ori %shift_left3A_172, %shift_right_logical3A_175 : vector<16xi32>
          %xor3A_177 = arith.xori %or3A_176, %add3A_169 : vector<16xi32>
          %add3A_178 = arith.addi %add3A_169, %xor3A_177 : vector<16xi32>
          %shift_left3A_179 = arith.constant 16 : i32
          %shift_left3A_180 = vector.broadcast %shift_left3A_179 : i32 to vector<16xi32>
          %shift_left3A_181 = arith.shli %xor3A_177, %shift_left3A_180 : vector<16xi32>
          %shift_right_logical3A_182 = arith.constant 16 : i32
          %shift_right_logical3A_183 = vector.broadcast %shift_right_logical3A_182 : i32 to vector<16xi32>
          %shift_right_logical3A_184 = arith.shrui %xor3A_177, %shift_right_logical3A_183 : vector<16xi32>
          %or3A_185 = arith.ori %shift_left3A_181, %shift_right_logical3A_184 : vector<16xi32>
          %xor3A_186 = arith.xori %or3A_185, %add3A_178 : vector<16xi32>
          %add3A_187 = arith.addi %add3A_178, %xor3A_186 : vector<16xi32>
          %shift_left3A_188 = arith.constant 24 : i32
          %shift_left3A_189 = vector.broadcast %shift_left3A_188 : i32 to vector<16xi32>
          %shift_left3A_190 = arith.shli %xor3A_186, %shift_left3A_189 : vector<16xi32>
          %shift_right_logical3A_191 = arith.constant 8 : i32
          %shift_right_logical3A_192 = vector.broadcast %shift_right_logical3A_191 : i32 to vector<16xi32>
          %shift_right_logical3A_193 = arith.shrui %xor3A_186, %shift_right_logical3A_192 : vector<16xi32>
          %or3A_194 = arith.ori %shift_left3A_190, %shift_right_logical3A_193 : vector<16xi32>
          %xor3A_195 = arith.xori %or3A_194, %add3A_187 : vector<16xi32>
          %add3A_196 = arith.constant 1234 : i32
          %add3A_197 = vector.broadcast %add3A_196 : i32 to vector<16xi32>
          %add3A_198 = arith.addi %add3A_187, %add3A_197 : vector<16xi32>
          %add3A_199 = arith.constant 466689804 : i32
          %add3A_200 = vector.broadcast %add3A_199 : i32 to vector<16xi32>
          %add3A_201 = arith.addi %xor3A_195, %add3A_200 : vector<16xi32>
          %add3A_202 = arith.addi %add3A_198, %add3A_201 : vector<16xi32>
          %shift_left3A_203 = arith.constant 13 : i32
          %shift_left3A_204 = vector.broadcast %shift_left3A_203 : i32 to vector<16xi32>
          %shift_left3A_205 = arith.shli %add3A_201, %shift_left3A_204 : vector<16xi32>
          %shift_right_logical3A_206 = arith.constant 19 : i32
          %shift_right_logical3A_207 = vector.broadcast %shift_right_logical3A_206 : i32 to vector<16xi32>
          %shift_right_logical3A_208 = arith.shrui %add3A_201, %shift_right_logical3A_207 : vector<16xi32>
          %or3A_209 = arith.ori %shift_left3A_205, %shift_right_logical3A_208 : vector<16xi32>
          %xor3A_210 = arith.xori %or3A_209, %add3A_202 : vector<16xi32>
          %add3A_211 = arith.addi %add3A_202, %xor3A_210 : vector<16xi32>
          %shift_left3A_212 = arith.constant 15 : i32
          %shift_left3A_213 = vector.broadcast %shift_left3A_212 : i32 to vector<16xi32>
          %shift_left3A_214 = arith.shli %xor3A_210, %shift_left3A_213 : vector<16xi32>
          %shift_right_logical3A_215 = arith.constant 17 : i32
          %shift_right_logical3A_216 = vector.broadcast %shift_right_logical3A_215 : i32 to vector<16xi32>
          %shift_right_logical3A_217 = arith.shrui %xor3A_210, %shift_right_logical3A_216 : vector<16xi32>
          %or3A_218 = arith.ori %shift_left3A_214, %shift_right_logical3A_217 : vector<16xi32>
          %xor3A_219 = arith.xori %or3A_218, %add3A_211 : vector<16xi32>
          %add3A_220 = arith.addi %add3A_211, %xor3A_219 : vector<16xi32>
          %shift_left3A_221 = arith.constant 26 : i32
          %shift_left3A_222 = vector.broadcast %shift_left3A_221 : i32 to vector<16xi32>
          %shift_left3A_223 = arith.shli %xor3A_219, %shift_left3A_222 : vector<16xi32>
          %shift_right_logical3A_224 = arith.constant 6 : i32
          %shift_right_logical3A_225 = vector.broadcast %shift_right_logical3A_224 : i32 to vector<16xi32>
          %shift_right_logical3A_226 = arith.shrui %xor3A_219, %shift_right_logical3A_225 : vector<16xi32>
          %or3A_227 = arith.ori %shift_left3A_223, %shift_right_logical3A_226 : vector<16xi32>
          %xor3A_228 = arith.xori %or3A_227, %add3A_220 : vector<16xi32>
          %add3A_229 = arith.addi %add3A_220, %xor3A_228 : vector<16xi32>
          %shift_left3A_230 = arith.constant 6 : i32
          %shift_left3A_231 = vector.broadcast %shift_left3A_230 : i32 to vector<16xi32>
          %shift_left3A_232 = arith.shli %xor3A_228, %shift_left3A_231 : vector<16xi32>
          %shift_right_logical3A_233 = arith.constant 26 : i32
          %shift_right_logical3A_234 = vector.broadcast %shift_right_logical3A_233 : i32 to vector<16xi32>
          %shift_right_logical3A_235 = arith.shrui %xor3A_228, %shift_right_logical3A_234 : vector<16xi32>
          %or3A_236 = arith.ori %shift_left3A_232, %shift_right_logical3A_235 : vector<16xi32>
          %xor3A_237 = arith.xori %or3A_236, %add3A_229 : vector<16xi32>
          %add3A_238 = arith.constant 466689800 : i32
          %add3A_239 = vector.broadcast %add3A_238 : i32 to vector<16xi32>
          %add3A_240 = arith.addi %add3A_229, %add3A_239 : vector<16xi32>
          %add3A_241 = arith.constant 5 : i32
          %add3A_242 = vector.broadcast %add3A_241 : i32 to vector<16xi32>
          %add3A_243 = arith.addi %xor3A_237, %add3A_242 : vector<16xi32>
          %xor3A_244 = arith.xori %add3A_240, %add3A_243 : vector<16xi32>
          %bitcast_convert_type3A = tpu.bitcast %xor3A_244 : vector<16xi32> -> vector<16xi32>
          %swap3A_245 = arith.index_cast %add3A_36 : i32 to index
          %swap3A_246 = tpu.vector_load %arg3[%swap3A_245] {strides = array<i32>} : memref<1600xi32, #tpu.memory_space<vmem>>, vector<16xi32>,
          %swap3A_247 = vector.shape_cast %swap3A_246 : vector<16xi32> to vector<16xi32>
          %swap3A_248 = vector.shape_cast %bitcast_convert_type3A : vector<16xi32> to vector<16xi32>
          tpu.vector_store %arg3[%swap3A_245], %swap3A_248 {strides = array<i32>} : memref<1600xi32, #tpu.memory_space<vmem>>, vector<16xi32>,
          %mul3A_249 = arith.constant 160 : i32
          %mul3A_250 = arith.muli %scan3A_31, %mul3A_249 : i32
          %add3A_251 = arith.constant 16 : i32
          %add3A_252 = arith.addi %mul3A_250, %add3A_251 : i32
          %add3A_253 = arith.addi %add3A_21, %add3A_252 : i32
          %get3A_254 = arith.constant 0 : index
          %get3A_255 = tpu.vector_load %arg4[%get3A_254] {strides = array<i32>} : memref<16xi32, #tpu.memory_space<vmem>>, vector<16xi32>,
          %get3A_256 = vector.shape_cast %get3A_255 : vector<16xi32> to vector<16xi32>
          %add3A_257 = vector.broadcast %add3A_253 : i32 to vector<16xi32>
          %add3A_258 = arith.addi %add3A_257, %get3A_256 : vector<16xi32>
          %shift_left3A_259 = arith.constant 13 : i32
          %shift_left3A_260 = vector.broadcast %shift_left3A_259 : i32 to vector<16xi32>
          %shift_left3A_261 = arith.shli %add3A_258, %shift_left3A_260 : vector<16xi32>
          %shift_right_logical3A_262 = arith.constant 19 : i32
          %shift_right_logical3A_263 = vector.broadcast %shift_right_logical3A_262 : i32 to vector<16xi32>
          %shift_right_logical3A_264 = arith.shrui %add3A_258, %shift_right_logical3A_263 : vector<16xi32>
          %or3A_265 = arith.ori %shift_left3A_261, %shift_right_logical3A_264 : vector<16xi32>
          %xor3A_266 = arith.xori %or3A_265, %add3A_258 : vector<16xi32>
          %add3A_267 = arith.addi %add3A_258, %xor3A_266 : vector<16xi32>
          %shift_left3A_268 = arith.constant 15 : i32
          %shift_left3A_269 = vector.broadcast %shift_left3A_268 : i32 to vector<16xi32>
          %shift_left3A_270 = arith.shli %xor3A_266, %shift_left3A_269 : vector<16xi32>
          %shift_right_logical3A_271 = arith.constant 17 : i32
          %shift_right_logical3A_272 = vector.broadcast %shift_right_logical3A_271 : i32 to vector<16xi32>
          %shift_right_logical3A_273 = arith.shrui %xor3A_266, %shift_right_logical3A_272 : vector<16xi32>
          %or3A_274 = arith.ori %shift_left3A_270, %shift_right_logical3A_273 : vector<16xi32>
          %xor3A_275 = arith.xori %or3A_274, %add3A_267 : vector<16xi32>
          %add3A_276 = arith.addi %add3A_267, %xor3A_275 : vector<16xi32>
          %shift_left3A_277 = arith.constant 26 : i32
          %shift_left3A_278 = vector.broadcast %shift_left3A_277 : i32 to vector<16xi32>
          %shift_left3A_279 = arith.shli %xor3A_275, %shift_left3A_278 : vector<16xi32>
          %shift_right_logical3A_280 = arith.constant 6 : i32
          %shift_right_logical3A_281 = vector.broadcast %shift_right_logical3A_280 : i32 to vector<16xi32>
          %shift_right_logical3A_282 = arith.shrui %xor3A_275, %shift_right_logical3A_281 : vector<16xi32>
          %or3A_283 = arith.ori %shift_left3A_279, %shift_right_logical3A_282 : vector<16xi32>
          %xor3A_284 = arith.xori %or3A_283, %add3A_276 : vector<16xi32>
          %add3A_285 = arith.addi %add3A_276, %xor3A_284 : vector<16xi32>
          %shift_left3A_286 = arith.constant 6 : i32
          %shift_left3A_287 = vector.broadcast %shift_left3A_286 : i32 to vector<16xi32>
          %shift_left3A_288 = arith.shli %xor3A_284, %shift_left3A_287 : vector<16xi32>
          %shift_right_logical3A_289 = arith.constant 26 : i32
          %shift_right_logical3A_290 = vector.broadcast %shift_right_logical3A_289 : i32 to vector<16xi32>
          %shift_right_logical3A_291 = arith.shrui %xor3A_284, %shift_right_logical3A_290 : vector<16xi32>
          %or3A_292 = arith.ori %shift_left3A_288, %shift_right_logical3A_291 : vector<16xi32>
          %xor3A_293 = arith.xori %or3A_292, %add3A_285 : vector<16xi32>
          %add3A_294 = arith.constant 1234 : i32
          %add3A_295 = vector.broadcast %add3A_294 : i32 to vector<16xi32>
          %add3A_296 = arith.addi %add3A_285, %add3A_295 : vector<16xi32>
          %add3A_297 = arith.constant 466689801 : i32
          %add3A_298 = vector.broadcast %add3A_297 : i32 to vector<16xi32>
          %add3A_299 = arith.addi %xor3A_293, %add3A_298 : vector<16xi32>
          %add3A_300 = arith.addi %add3A_296, %add3A_299 : vector<16xi32>
          %shift_left3A_301 = arith.constant 17 : i32
          %shift_left3A_302 = vector.broadcast %shift_left3A_301 : i32 to vector<16xi32>
          %shift_left3A_303 = arith.shli %add3A_299, %shift_left3A_302 : vector<16xi32>
          %shift_right_logical3A_304 = arith.constant 15 : i32
          %shift_right_logical3A_305 = vector.broadcast %shift_right_logical3A_304 : i32 to vector<16xi32>
          %shift_right_logical3A_306 = arith.shrui %add3A_299, %shift_right_logical3A_305 : vector<16xi32>
          %or3A_307 = arith.ori %shift_left3A_303, %shift_right_logical3A_306 : vector<16xi32>
          %xor3A_308 = arith.xori %or3A_307, %add3A_300 : vector<16xi32>
          %add3A_309 = arith.addi %add3A_300, %xor3A_308 : vector<16xi32>
          %shift_left3A_310 = arith.constant 29 : i32
          %shift_left3A_311 = vector.broadcast %shift_left3A_310 : i32 to vector<16xi32>
          %shift_left3A_312 = arith.shli %xor3A_308, %shift_left3A_311 : vector<16xi32>
          %shift_right_logical3A_313 = arith.constant 3 : i32
          %shift_right_logical3A_314 = vector.broadcast %shift_right_logical3A_313 : i32 to vector<16xi32>
          %shift_right_logical3A_315 = arith.shrui %xor3A_308, %shift_right_logical3A_314 : vector<16xi32>
          %or3A_316 = arith.ori %shift_left3A_312, %shift_right_logical3A_315 : vector<16xi32>
          %xor3A_317 = arith.xori %or3A_316, %add3A_309 : vector<16xi32>
          %add3A_318 = arith.addi %add3A_309, %xor3A_317 : vector<16xi32>
          %shift_left3A_319 = arith.constant 16 : i32
          %shift_left3A_320 = vector.broadcast %shift_left3A_319 : i32 to vector<16xi32>
          %shift_left3A_321 = arith.shli %xor3A_317, %shift_left3A_320 : vector<16xi32>
          %shift_right_logical3A_322 = arith.constant 16 : i32
          %shift_right_logical3A_323 = vector.broadcast %shift_right_logical3A_322 : i32 to vector<16xi32>
          %shift_right_logical3A_324 = arith.shrui %xor3A_317, %shift_right_logical3A_323 : vector<16xi32>
          %or3A_325 = arith.ori %shift_left3A_321, %shift_right_logical3A_324 : vector<16xi32>
          %xor3A_326 = arith.xori %or3A_325, %add3A_318 : vector<16xi32>
          %add3A_327 = arith.addi %add3A_318, %xor3A_326 : vector<16xi32>
          %shift_left3A_328 = arith.constant 24 : i32
          %shift_left3A_329 = vector.broadcast %shift_left3A_328 : i32 to vector<16xi32>
          %shift_left3A_330 = arith.shli %xor3A_326, %shift_left3A_329 : vector<16xi32>
          %shift_right_logical3A_331 = arith.constant 8 : i32
          %shift_right_logical3A_332 = vector.broadcast %shift_right_logical3A_331 : i32 to vector<16xi32>
          %shift_right_logical3A_333 = arith.shrui %xor3A_326, %shift_right_logical3A_332 : vector<16xi32>
          %or3A_334 = arith.ori %shift_left3A_330, %shift_right_logical3A_333 : vector<16xi32>
          %xor3A_335 = arith.xori %or3A_334, %add3A_327 : vector<16xi32>
          %add3A_336 = arith.constant 466689800 : i32
          %add3A_337 = vector.broadcast %add3A_336 : i32 to vector<16xi32>
          %add3A_338 = arith.addi %add3A_327, %add3A_337 : vector<16xi32>
          %add3A_339 = arith.constant 2 : i32
          %add3A_340 = vector.broadcast %add3A_339 : i32 to vector<16xi32>
          %add3A_341 = arith.addi %xor3A_335, %add3A_340 : vector<16xi32>
          %add3A_342 = arith.addi %add3A_338, %add3A_341 : vector<16xi32>
          %shift_left3A_343 = arith.constant 13 : i32
          %shift_left3A_344 = vector.broadcast %shift_left3A_343 : i32 to vector<16xi32>
          %shift_left3A_345 = arith.shli %add3A_341, %shift_left3A_344 : vector<16xi32>
          %shift_right_logical3A_346 = arith.constant 19 : i32
          %shift_right_logical3A_347 = vector.broadcast %shift_right_logical3A_346 : i32 to vector<16xi32>
          %shift_right_logical3A_348 = arith.shrui %add3A_341, %shift_right_logical3A_347 : vector<16xi32>
          %or3A_349 = arith.ori %shift_left3A_345, %shift_right_logical3A_348 : vector<16xi32>
          %xor3A_350 = arith.xori %or3A_349, %add3A_342 : vector<16xi32>
          %add3A_351 = arith.addi %add3A_342, %xor3A_350 : vector<16xi32>
          %shift_left3A_352 = arith.constant 15 : i32
          %shift_left3A_353 = vector.broadcast %shift_left3A_352 : i32 to vector<16xi32>
          %shift_left3A_354 = arith.shli %xor3A_350, %shift_left3A_353 : vector<16xi32>
          %shift_right_logical3A_355 = arith.constant 17 : i32
          %shift_right_logical3A_356 = vector.broadcast %shift_right_logical3A_355 : i32 to vector<16xi32>
          %shift_right_logical3A_357 = arith.shrui %xor3A_350, %shift_right_logical3A_356 : vector<16xi32>
          %or3A_358 = arith.ori %shift_left3A_354, %shift_right_logical3A_357 : vector<16xi32>
          %xor3A_359 = arith.xori %or3A_358, %add3A_351 : vector<16xi32>
          %add3A_360 = arith.addi %add3A_351, %xor3A_359 : vector<16xi32>
          %shift_left3A_361 = arith.constant 26 : i32
          %shift_left3A_362 = vector.broadcast %shift_left3A_361 : i32 to vector<16xi32>
          %shift_left3A_363 = arith.shli %xor3A_359, %shift_left3A_362 : vector<16xi32>
          %shift_right_logical3A_364 = arith.constant 6 : i32
          %shift_right_logical3A_365 = vector.broadcast %shift_right_logical3A_364 : i32 to vector<16xi32>
          %shift_right_logical3A_366 = arith.shrui %xor3A_359, %shift_right_logical3A_365 : vector<16xi32>
          %or3A_367 = arith.ori %shift_left3A_363, %shift_right_logical3A_366 : vector<16xi32>
          %xor3A_368 = arith.xori %or3A_367, %add3A_360 : vector<16xi32>
          %add3A_369 = arith.addi %add3A_360, %xor3A_368 : vector<16xi32>
          %shift_left3A_370 = arith.constant 6 : i32
          %shift_left3A_371 = vector.broadcast %shift_left3A_370 : i32 to vector<16xi32>
          %shift_left3A_372 = arith.shli %xor3A_368, %shift_left3A_371 : vector<16xi32>
          %shift_right_logical3A_373 = arith.constant 26 : i32
          %shift_right_logical3A_374 = vector.broadcast %shift_right_logical3A_373 : i32 to vector<16xi32>
          %shift_right_logical3A_375 = arith.shrui %xor3A_368, %shift_right_logical3A_374 : vector<16xi32>
          %or3A_376 = arith.ori %shift_left3A_372, %shift_right_logical3A_375 : vector<16xi32>
          %xor3A_377 = arith.xori %or3A_376, %add3A_369 : vector<16xi32>
          %add3A_378 = arith.constant 1237 : i32
          %add3A_379 = vector.broadcast %add3A_378 : i32 to vector<16xi32>
          %add3A_380 = arith.addi %xor3A_377, %add3A_379 : vector<16xi32>
          %add3A_381 = arith.addi %add3A_369, %add3A_380 : vector<16xi32>
          %shift_left3A_382 = arith.constant 17 : i32
          %shift_left3A_383 = vector.broadcast %shift_left3A_382 : i32 to vector<16xi32>
          %shift_left3A_384 = arith.shli %add3A_380, %shift_left3A_383 : vector<16xi32>
          %shift_right_logical3A_385 = arith.constant 15 : i32
          %shift_right_logical3A_386 = vector.broadcast %shift_right_logical3A_385 : i32 to vector<16xi32>
          %shift_right_logical3A_387 = arith.shrui %add3A_380, %shift_right_logical3A_386 : vector<16xi32>
          %or3A_388 = arith.ori %shift_left3A_384, %shift_right_logical3A_387 : vector<16xi32>
          %xor3A_389 = arith.xori %or3A_388, %add3A_381 : vector<16xi32>
          %add3A_390 = arith.addi %add3A_381, %xor3A_389 : vector<16xi32>
          %shift_left3A_391 = arith.constant 29 : i32
          %shift_left3A_392 = vector.broadcast %shift_left3A_391 : i32 to vector<16xi32>
          %shift_left3A_393 = arith.shli %xor3A_389, %shift_left3A_392 : vector<16xi32>
          %shift_right_logical3A_394 = arith.constant 3 : i32
          %shift_right_logical3A_395 = vector.broadcast %shift_right_logical3A_394 : i32 to vector<16xi32>
          %shift_right_logical3A_396 = arith.shrui %xor3A_389, %shift_right_logical3A_395 : vector<16xi32>
          %or3A_397 = arith.ori %shift_left3A_393, %shift_right_logical3A_396 : vector<16xi32>
          %xor3A_398 = arith.xori %or3A_397, %add3A_390 : vector<16xi32>
          %add3A_399 = arith.addi %add3A_390, %xor3A_398 : vector<16xi32>
          %shift_left3A_400 = arith.constant 16 : i32
          %shift_left3A_401 = vector.broadcast %shift_left3A_400 : i32 to vector<16xi32>
          %shift_left3A_402 = arith.shli %xor3A_398, %shift_left3A_401 : vector<16xi32>
          %shift_right_logical3A_403 = arith.constant 16 : i32
          %shift_right_logical3A_404 = vector.broadcast %shift_right_logical3A_403 : i32 to vector<16xi32>
          %shift_right_logical3A_405 = arith.shrui %xor3A_398, %shift_right_logical3A_404 : vector<16xi32>
          %or3A_406 = arith.ori %shift_left3A_402, %shift_right_logical3A_405 : vector<16xi32>
          %xor3A_407 = arith.xori %or3A_406, %add3A_399 : vector<16xi32>
          %add3A_408 = arith.addi %add3A_399, %xor3A_407 : vector<16xi32>
          %shift_left3A_409 = arith.constant 24 : i32
          %shift_left3A_410 = vector.broadcast %shift_left3A_409 : i32 to vector<16xi32>
          %shift_left3A_411 = arith.shli %xor3A_407, %shift_left3A_410 : vector<16xi32>
          %shift_right_logical3A_412 = arith.constant 8 : i32
          %shift_right_logical3A_413 = vector.broadcast %shift_right_logical3A_412 : i32 to vector<16xi32>
          %shift_right_logical3A_414 = arith.shrui %xor3A_407, %shift_right_logical3A_413 : vector<16xi32>
          %or3A_415 = arith.ori %shift_left3A_411, %shift_right_logical3A_414 : vector<16xi32>
          %xor3A_416 = arith.xori %or3A_415, %add3A_408 : vector<16xi32>
          %add3A_417 = arith.constant 1234 : i32
          %add3A_418 = vector.broadcast %add3A_417 : i32 to vector<16xi32>
          %add3A_419 = arith.addi %add3A_408, %add3A_418 : vector<16xi32>
          %add3A_420 = arith.constant 466689804 : i32
          %add3A_421 = vector.broadcast %add3A_420 : i32 to vector<16xi32>
          %add3A_422 = arith.addi %xor3A_416, %add3A_421 : vector<16xi32>
          %add3A_423 = arith.addi %add3A_419, %add3A_422 : vector<16xi32>
          %shift_left3A_424 = arith.constant 13 : i32
          %shift_left3A_425 = vector.broadcast %shift_left3A_424 : i32 to vector<16xi32>
          %shift_left3A_426 = arith.shli %add3A_422, %shift_left3A_425 : vector<16xi32>
          %shift_right_logical3A_427 = arith.constant 19 : i32
          %shift_right_logical3A_428 = vector.broadcast %shift_right_logical3A_427 : i32 to vector<16xi32>
          %shift_right_logical3A_429 = arith.shrui %add3A_422, %shift_right_logical3A_428 : vector<16xi32>
          %or3A_430 = arith.ori %shift_left3A_426, %shift_right_logical3A_429 : vector<16xi32>
          %xor3A_431 = arith.xori %or3A_430, %add3A_423 : vector<16xi32>
          %add3A_432 = arith.addi %add3A_423, %xor3A_431 : vector<16xi32>
          %shift_left3A_433 = arith.constant 15 : i32
          %shift_left3A_434 = vector.broadcast %shift_left3A_433 : i32 to vector<16xi32>
          %shift_left3A_435 = arith.shli %xor3A_431, %shift_left3A_434 : vector<16xi32>
          %shift_right_logical3A_436 = arith.constant 17 : i32
          %shift_right_logical3A_437 = vector.broadcast %shift_right_logical3A_436 : i32 to vector<16xi32>
          %shift_right_logical3A_438 = arith.shrui %xor3A_431, %shift_right_logical3A_437 : vector<16xi32>
          %or3A_439 = arith.ori %shift_left3A_435, %shift_right_logical3A_438 : vector<16xi32>
          %xor3A_440 = arith.xori %or3A_439, %add3A_432 : vector<16xi32>
          %add3A_441 = arith.addi %add3A_432, %xor3A_440 : vector<16xi32>
          %shift_left3A_442 = arith.constant 26 : i32
          %shift_left3A_443 = vector.broadcast %shift_left3A_442 : i32 to vector<16xi32>
          %shift_left3A_444 = arith.shli %xor3A_440, %shift_left3A_443 : vector<16xi32>
          %shift_right_logical3A_445 = arith.constant 6 : i32
          %shift_right_logical3A_446 = vector.broadcast %shift_right_logical3A_445 : i32 to vector<16xi32>
          %shift_right_logical3A_447 = arith.shrui %xor3A_440, %shift_right_logical3A_446 : vector<16xi32>
          %or3A_448 = arith.ori %shift_left3A_444, %shift_right_logical3A_447 : vector<16xi32>
          %xor3A_449 = arith.xori %or3A_448, %add3A_441 : vector<16xi32>
          %add3A_450 = arith.addi %add3A_441, %xor3A_449 : vector<16xi32>
          %shift_left3A_451 = arith.constant 6 : i32
          %shift_left3A_452 = vector.broadcast %shift_left3A_451 : i32 to vector<16xi32>
          %shift_left3A_453 = arith.shli %xor3A_449, %shift_left3A_452 : vector<16xi32>
          %shift_right_logical3A_454 = arith.constant 26 : i32
          %shift_right_logical3A_455 = vector.broadcast %shift_right_logical3A_454 : i32 to vector<16xi32>
          %shift_right_logical3A_456 = arith.shrui %xor3A_449, %shift_right_logical3A_455 : vector<16xi32>
          %or3A_457 = arith.ori %shift_left3A_453, %shift_right_logical3A_456 : vector<16xi32>
          %xor3A_458 = arith.xori %or3A_457, %add3A_450 : vector<16xi32>
          %add3A_459 = arith.constant 466689800 : i32
          %add3A_460 = vector.broadcast %add3A_459 : i32 to vector<16xi32>
          %add3A_461 = arith.addi %add3A_450, %add3A_460 : vector<16xi32>
          %add3A_462 = arith.constant 5 : i32
          %add3A_463 = vector.broadcast %add3A_462 : i32 to vector<16xi32>
          %add3A_464 = arith.addi %xor3A_458, %add3A_463 : vector<16xi32>
          %xor3A_465 = arith.xori %add3A_461, %add3A_464 : vector<16xi32>
          %bitcast_convert_type3A_466 = tpu.bitcast %xor3A_465 : vector<16xi32> -> vector<16xi32>
          %swap3A_467 = arith.index_cast %add3A_252 : i32 to index
          %swap3A_468 = tpu.vector_load %arg3[%swap3A_467] {strides = array<i32>} : memref<1600xi32, #tpu.memory_space<vmem>>, vector<16xi32>,
          %swap3A_469 = vector.shape_cast %swap3A_468 : vector<16xi32> to vector<16xi32>
          %swap3A_470 = vector.shape_cast %bitcast_convert_type3A_466 : vector<16xi32> to vector<16xi32>
          tpu.vector_store %arg3[%swap3A_467], %swap3A_470 {strides = array<i32>} : memref<1600xi32, #tpu.memory_space<vmem>>, vector<16xi32>,
          %mul3A_471 = arith.constant 160 : i32
          %mul3A_472 = arith.muli %scan3A_31, %mul3A_471 : i32
          %add3A_473 = arith.constant 32 : i32
          %add3A_474 = arith.addi %mul3A_472, %add3A_473 : i32
          %add3A_475 = arith.addi %add3A_21, %add3A_474 : i32
          %get3A_476 = arith.constant 0 : index
          %get3A_477 = tpu.vector_load %arg4[%get3A_476] {strides = array<i32>} : memref<16xi32, #tpu.memory_space<vmem>>, vector<16xi32>,
          %get3A_478 = vector.shape_cast %get3A_477 : vector<16xi32> to vector<16xi32>
          %add3A_479 = vector.broadcast %add3A_475 : i32 to vector<16xi32>
          %add3A_480 = arith.addi %add3A_479, %get3A_478 : vector<16xi32>
          %shift_left3A_481 = arith.constant 13 : i32
          %shift_left3A_482 = vector.broadcast %shift_left3A_481 : i32 to vector<16xi32>
          %shift_left3A_483 = arith.shli %add3A_480, %shift_left3A_482 : vector<16xi32>
          %shift_right_logical3A_484 = arith.constant 19 : i32
          %shift_right_logical3A_485 = vector.broadcast %shift_right_logical3A_484 : i32 to vector<16xi32>
          %shift_right_logical3A_486 = arith.shrui %add3A_480, %shift_right_logical3A_485 : vector<16xi32>
          %or3A_487 = arith.ori %shift_left3A_483, %shift_right_logical3A_486 : vector<16xi32>
          %xor3A_488 = arith.xori %or3A_487, %add3A_480 : vector<16xi32>
          %add3A_489 = arith.addi %add3A_480, %xor3A_488 : vector<16xi32>
          %shift_left3A_490 = arith.constant 15 : i32
          %shift_left3A_491 = vector.broadcast %shift_left3A_490 : i32 to vector<16xi32>
          %shift_left3A_492 = arith.shli %xor3A_488, %shift_left3A_491 : vector<16xi32>
          %shift_right_logical3A_493 = arith.constant 17 : i32
          %shift_right_logical3A_494 = vector.broadcast %shift_right_logical3A_493 : i32 to vector<16xi32>
          %shift_right_logical3A_495 = arith.shrui %xor3A_488, %shift_right_logical3A_494 : vector<16xi32>
          %or3A_496 = arith.ori %shift_left3A_492, %shift_right_logical3A_495 : vector<16xi32>
          %xor3A_497 = arith.xori %or3A_496, %add3A_489 : vector<16xi32>
          %add3A_498 = arith.addi %add3A_489, %xor3A_497 : vector<16xi32>
          %shift_left3A_499 = arith.constant 26 : i32
          %shift_left3A_500 = vector.broadcast %shift_left3A_499 : i32 to vector<16xi32>
          %shift_left3A_501 = arith.shli %xor3A_497, %shift_left3A_500 : vector<16xi32>
          %shift_right_logical3A_502 = arith.constant 6 : i32
          %shift_right_logical3A_503 = vector.broadcast %shift_right_logical3A_502 : i32 to vector<16xi32>
          %shift_right_logical3A_504 = arith.shrui %xor3A_497, %shift_right_logical3A_503 : vector<16xi32>
          %or3A_505 = arith.ori %shift_left3A_501, %shift_right_logical3A_504 : vector<16xi32>
          %xor3A_506 = arith.xori %or3A_505, %add3A_498 : vector<16xi32>
          %add3A_507 = arith.addi %add3A_498, %xor3A_506 : vector<16xi32>
          %shift_left3A_508 = arith.constant 6 : i32
          %shift_left3A_509 = vector.broadcast %shift_left3A_508 : i32 to vector<16xi32>
          %shift_left3A_510 = arith.shli %xor3A_506, %shift_left3A_509 : vector<16xi32>
          %shift_right_logical3A_511 = arith.constant 26 : i32
          %shift_right_logical3A_512 = vector.broadcast %shift_right_logical3A_511 : i32 to vector<16xi32>
          %shift_right_logical3A_513 = arith.shrui %xor3A_506, %shift_right_logical3A_512 : vector<16xi32>
          %or3A_514 = arith.ori %shift_left3A_510, %shift_right_logical3A_513 : vector<16xi32>
          %xor3A_515 = arith.xori %or3A_514, %add3A_507 : vector<16xi32>
          %add3A_516 = arith.constant 1234 : i32
          %add3A_517 = vector.broadcast %add3A_516 : i32 to vector<16xi32>
          %add3A_518 = arith.addi %add3A_507, %add3A_517 : vector<16xi32>
          %add3A_519 = arith.constant 466689801 : i32
          %add3A_520 = vector.broadcast %add3A_519 : i32 to vector<16xi32>
          %add3A_521 = arith.addi %xor3A_515, %add3A_520 : vector<16xi32>
          %add3A_522 = arith.addi %add3A_518, %add3A_521 : vector<16xi32>
          %shift_left3A_523 = arith.constant 17 : i32
          %shift_left3A_524 = vector.broadcast %shift_left3A_523 : i32 to vector<16xi32>
          %shift_left3A_525 = arith.shli %add3A_521, %shift_left3A_524 : vector<16xi32>
          %shift_right_logical3A_526 = arith.constant 15 : i32
          %shift_right_logical3A_527 = vector.broadcast %shift_right_logical3A_526 : i32 to vector<16xi32>
          %shift_right_logical3A_528 = arith.shrui %add3A_521, %shift_right_logical3A_527 : vector<16xi32>
          %or3A_529 = arith.ori %shift_left3A_525, %shift_right_logical3A_528 : vector<16xi32>
          %xor3A_530 = arith.xori %or3A_529, %add3A_522 : vector<16xi32>
          %add3A_531 = arith.addi %add3A_522, %xor3A_530 : vector<16xi32>
          %shift_left3A_532 = arith.constant 29 : i32
          %shift_left3A_533 = vector.broadcast %shift_left3A_532 : i32 to vector<16xi32>
          %shift_left3A_534 = arith.shli %xor3A_530, %shift_left3A_533 : vector<16xi32>
          %shift_right_logical3A_535 = arith.constant 3 : i32
          %shift_right_logical3A_536 = vector.broadcast %shift_right_logical3A_535 : i32 to vector<16xi32>
          %shift_right_logical3A_537 = arith.shrui %xor3A_530, %shift_right_logical3A_536 : vector<16xi32>
          %or3A_538 = arith.ori %shift_left3A_534, %shift_right_logical3A_537 : vector<16xi32>
          %xor3A_539 = arith.xori %or3A_538, %add3A_531 : vector<16xi32>
          %add3A_540 = arith.addi %add3A_531, %xor3A_539 : vector<16xi32>
          %shift_left3A_541 = arith.constant 16 : i32
          %shift_left3A_542 = vector.broadcast %shift_left3A_541 : i32 to vector<16xi32>
          %shift_left3A_543 = arith.shli %xor3A_539, %shift_left3A_542 : vector<16xi32>
          %shift_right_logical3A_544 = arith.constant 16 : i32
          %shift_right_logical3A_545 = vector.broadcast %shift_right_logical3A_544 : i32 to vector<16xi32>
          %shift_right_logical3A_546 = arith.shrui %xor3A_539, %shift_right_logical3A_545 : vector<16xi32>
          %or3A_547 = arith.ori %shift_left3A_543, %shift_right_logical3A_546 : vector<16xi32>
          %xor3A_548 = arith.xori %or3A_547, %add3A_540 : vector<16xi32>
          %add3A_549 = arith.addi %add3A_540, %xor3A_548 : vector<16xi32>
          %shift_left3A_550 = arith.constant 24 : i32
          %shift_left3A_551 = vector.broadcast %shift_left3A_550 : i32 to vector<16xi32>
          %shift_left3A_552 = arith.shli %xor3A_548, %shift_left3A_551 : vector<16xi32>
          %shift_right_logical3A_553 = arith.constant 8 : i32
          %shift_right_logical3A_554 = vector.broadcast %shift_right_logical3A_553 : i32 to vector<16xi32>
          %shift_right_logical3A_555 = arith.shrui %xor3A_548, %shift_right_logical3A_554 : vector<16xi32>
          %or3A_556 = arith.ori %shift_left3A_552, %shift_right_logical3A_555 : vector<16xi32>
          %xor3A_557 = arith.xori %or3A_556, %add3A_549 : vector<16xi32>
          %add3A_558 = arith.constant 466689800 : i32
          %add3A_559 = vector.broadcast %add3A_558 : i32 to vector<16xi32>
          %add3A_560 = arith.addi %add3A_549, %add3A_559 : vector<16xi32>
          %add3A_561 = arith.constant 2 : i32
          %add3A_562 = vector.broadcast %add3A_561 : i32 to vector<16xi32>
          %add3A_563 = arith.addi %xor3A_557, %add3A_562 : vector<16xi32>
          %add3A_564 = arith.addi %add3A_560, %add3A_563 : vector<16xi32>
          %shift_left3A_565 = arith.constant 13 : i32
          %shift_left3A_566 = vector.broadcast %shift_left3A_565 : i32 to vector<16xi32>
          %shift_left3A_567 = arith.shli %add3A_563, %shift_left3A_566 : vector<16xi32>
          %shift_right_logical3A_568 = arith.constant 19 : i32
          %shift_right_logical3A_569 = vector.broadcast %shift_right_logical3A_568 : i32 to vector<16xi32>
          %shift_right_logical3A_570 = arith.shrui %add3A_563, %shift_right_logical3A_569 : vector<16xi32>
          %or3A_571 = arith.ori %shift_left3A_567, %shift_right_logical3A_570 : vector<16xi32>
          %xor3A_572 = arith.xori %or3A_571, %add3A_564 : vector<16xi32>
          %add3A_573 = arith.addi %add3A_564, %xor3A_572 : vector<16xi32>
          %shift_left3A_574 = arith.constant 15 : i32
          %shift_left3A_575 = vector.broadcast %shift_left3A_574 : i32 to vector<16xi32>
          %shift_left3A_576 = arith.shli %xor3A_572, %shift_left3A_575 : vector<16xi32>
          %shift_right_logical3A_577 = arith.constant 17 : i32
          %shift_right_logical3A_578 = vector.broadcast %shift_right_logical3A_577 : i32 to vector<16xi32>
          %shift_right_logical3A_579 = arith.shrui %xor3A_572, %shift_right_logical3A_578 : vector<16xi32>
          %or3A_580 = arith.ori %shift_left3A_576, %shift_right_logical3A_579 : vector<16xi32>
          %xor3A_581 = arith.xori %or3A_580, %add3A_573 : vector<16xi32>
          %add3A_582 = arith.addi %add3A_573, %xor3A_581 : vector<16xi32>
          %shift_left3A_583 = arith.constant 26 : i32
          %shift_left3A_584 = vector.broadcast %shift_left3A_583 : i32 to vector<16xi32>
          %shift_left3A_585 = arith.shli %xor3A_581, %shift_left3A_584 : vector<16xi32>
          %shift_right_logical3A_586 = arith.constant 6 : i32
          %shift_right_logical3A_587 = vector.broadcast %shift_right_logical3A_586 : i32 to vector<16xi32>
          %shift_right_logical3A_588 = arith.shrui %xor3A_581, %shift_right_logical3A_587 : vector<16xi32>
          %or3A_589 = arith.ori %shift_left3A_585, %shift_right_logical3A_588 : vector<16xi32>
          %xor3A_590 = arith.xori %or3A_589, %add3A_582 : vector<16xi32>
          %add3A_591 = arith.addi %add3A_582, %xor3A_590 : vector<16xi32>
          %shift_left3A_592 = arith.constant 6 : i32
          %shift_left3A_593 = vector.broadcast %shift_left3A_592 : i32 to vector<16xi32>
          %shift_left3A_594 = arith.shli %xor3A_590, %shift_left3A_593 : vector<16xi32>
          %shift_right_logical3A_595 = arith.constant 26 : i32
          %shift_right_logical3A_596 = vector.broadcast %shift_right_logical3A_595 : i32 to vector<16xi32>
          %shift_right_logical3A_597 = arith.shrui %xor3A_590, %shift_right_logical3A_596 : vector<16xi32>
          %or3A_598 = arith.ori %shift_left3A_594, %shift_right_logical3A_597 : vector<16xi32>
          %xor3A_599 = arith.xori %or3A_598, %add3A_591 : vector<16xi32>
          %add3A_600 = arith.constant 1237 : i32
          %add3A_601 = vector.broadcast %add3A_600 : i32 to vector<16xi32>
          %add3A_602 = arith.addi %xor3A_599, %add3A_601 : vector<16xi32>
          %add3A_603 = arith.addi %add3A_591, %add3A_602 : vector<16xi32>
          %shift_left3A_604 = arith.constant 17 : i32
          %shift_left3A_605 = vector.broadcast %shift_left3A_604 : i32 to vector<16xi32>
          %shift_left3A_606 = arith.shli %add3A_602, %shift_left3A_605 : vector<16xi32>
          %shift_right_logical3A_607 = arith.constant 15 : i32
          %shift_right_logical3A_608 = vector.broadcast %shift_right_logical3A_607 : i32 to vector<16xi32>
          %shift_right_logical3A_609 = arith.shrui %add3A_602, %shift_right_logical3A_608 : vector<16xi32>
          %or3A_610 = arith.ori %shift_left3A_606, %shift_right_logical3A_609 : vector<16xi32>
          %xor3A_611 = arith.xori %or3A_610, %add3A_603 : vector<16xi32>
          %add3A_612 = arith.addi %add3A_603, %xor3A_611 : vector<16xi32>
          %shift_left3A_613 = arith.constant 29 : i32
          %shift_left3A_614 = vector.broadcast %shift_left3A_613 : i32 to vector<16xi32>
          %shift_left3A_615 = arith.shli %xor3A_611, %shift_left3A_614 : vector<16xi32>
          %shift_right_logical3A_616 = arith.constant 3 : i32
          %shift_right_logical3A_617 = vector.broadcast %shift_right_logical3A_616 : i32 to vector<16xi32>
          %shift_right_logical3A_618 = arith.shrui %xor3A_611, %shift_right_logical3A_617 : vector<16xi32>
          %or3A_619 = arith.ori %shift_left3A_615, %shift_right_logical3A_618 : vector<16xi32>
          %xor3A_620 = arith.xori %or3A_619, %add3A_612 : vector<16xi32>
          %add3A_621 = arith.addi %add3A_612, %xor3A_620 : vector<16xi32>
          %shift_left3A_622 = arith.constant 16 : i32
          %shift_left3A_623 = vector.broadcast %shift_left3A_622 : i32 to vector<16xi32>
          %shift_left3A_624 = arith.shli %xor3A_620, %shift_left3A_623 : vector<16xi32>
          %shift_right_logical3A_625 = arith.constant 16 : i32
          %shift_right_logical3A_626 = vector.broadcast %shift_right_logical3A_625 : i32 to vector<16xi32>
          %shift_right_logical3A_627 = arith.shrui %xor3A_620, %shift_right_logical3A_626 : vector<16xi32>
          %or3A_628 = arith.ori %shift_left3A_624, %shift_right_logical3A_627 : vector<16xi32>
          %xor3A_629 = arith.xori %or3A_628, %add3A_621 : vector<16xi32>
          %add3A_630 = arith.addi %add3A_621, %xor3A_629 : vector<16xi32>
          %shift_left3A_631 = arith.constant 24 : i32
          %shift_left3A_632 = vector.broadcast %shift_left3A_631 : i32 to vector<16xi32>
          %shift_left3A_633 = arith.shli %xor3A_629, %shift_left3A_632 : vector<16xi32>
          %shift_right_logical3A_634 = arith.constant 8 : i32
          %shift_right_logical3A_635 = vector.broadcast %shift_right_logical3A_634 : i32 to vector<16xi32>
          %shift_right_logical3A_636 = arith.shrui %xor3A_629, %shift_right_logical3A_635 : vector<16xi32>
          %or3A_637 = arith.ori %shift_left3A_633, %shift_right_logical3A_636 : vector<16xi32>
          %xor3A_638 = arith.xori %or3A_637, %add3A_630 : vector<16xi32>
          %add3A_639 = arith.constant 1234 : i32
          %add3A_640 = vector.broadcast %add3A_639 : i32 to vector<16xi32>
          %add3A_641 = arith.addi %add3A_630, %add3A_640 : vector<16xi32>
          %add3A_642 = arith.constant 466689804 : i32
          %add3A_643 = vector.broadcast %add3A_642 : i32 to vector<16xi32>
          %add3A_644 = arith.addi %xor3A_638, %add3A_643 : vector<16xi32>
          %add3A_645 = arith.addi %add3A_641, %add3A_644 : vector<16xi32>
          %shift_left3A_646 = arith.constant 13 : i32
          %shift_left3A_647 = vector.broadcast %shift_left3A_646 : i32 to vector<16xi32>
          %shift_left3A_648 = arith.shli %add3A_644, %shift_left3A_647 : vector<16xi32>
          %shift_right_logical3A_649 = arith.constant 19 : i32
          %shift_right_logical3A_650 = vector.broadcast %shift_right_logical3A_649 : i32 to vector<16xi32>
          %shift_right_logical3A_651 = arith.shrui %add3A_644, %shift_right_logical3A_650 : vector<16xi32>
          %or3A_652 = arith.ori %shift_left3A_648, %shift_right_logical3A_651 : vector<16xi32>
          %xor3A_653 = arith.xori %or3A_652, %add3A_645 : vector<16xi32>
          %add3A_654 = arith.addi %add3A_645, %xor3A_653 : vector<16xi32>
          %shift_left3A_655 = arith.constant 15 : i32
          %shift_left3A_656 = vector.broadcast %shift_left3A_655 : i32 to vector<16xi32>
          %shift_left3A_657 = arith.shli %xor3A_653, %shift_left3A_656 : vector<16xi32>
          %shift_right_logical3A_658 = arith.constant 17 : i32
          %shift_right_logical3A_659 = vector.broadcast %shift_right_logical3A_658 : i32 to vector<16xi32>
          %shift_right_logical3A_660 = arith.shrui %xor3A_653, %shift_right_logical3A_659 : vector<16xi32>
          %or3A_661 = arith.ori %shift_left3A_657, %shift_right_logical3A_660 : vector<16xi32>
          %xor3A_662 = arith.xori %or3A_661, %add3A_654 : vector<16xi32>
          %add3A_663 = arith.addi %add3A_654, %xor3A_662 : vector<16xi32>
          %shift_left3A_664 = arith.constant 26 : i32
          %shift_left3A_665 = vector.broadcast %shift_left3A_664 : i32 to vector<16xi32>
          %shift_left3A_666 = arith.shli %xor3A_662, %shift_left3A_665 : vector<16xi32>
          %shift_right_logical3A_667 = arith.constant 6 : i32
          %shift_right_logical3A_668 = vector.broadcast %shift_right_logical3A_667 : i32 to vector<16xi32>
          %shift_right_logical3A_669 = arith.shrui %xor3A_662, %shift_right_logical3A_668 : vector<16xi32>
          %or3A_670 = arith.ori %shift_left3A_666, %shift_right_logical3A_669 : vector<16xi32>
          %xor3A_671 = arith.xori %or3A_670, %add3A_663 : vector<16xi32>
          %add3A_672 = arith.addi %add3A_663, %xor3A_671 : vector<16xi32>
          %shift_left3A_673 = arith.constant 6 : i32
          %shift_left3A_674 = vector.broadcast %shift_left3A_673 : i32 to vector<16xi32>
          %shift_left3A_675 = arith.shli %xor3A_671, %shift_left3A_674 : vector<16xi32>
          %shift_right_logical3A_676 = arith.constant 26 : i32
          %shift_right_logical3A_677 = vector.broadcast %shift_right_logical3A_676 : i32 to vector<16xi32>
          %shift_right_logical3A_678 = arith.shrui %xor3A_671, %shift_right_logical3A_677 : vector<16xi32>
          %or3A_679 = arith.ori %shift_left3A_675, %shift_right_logical3A_678 : vector<16xi32>
          %xor3A_680 = arith.xori %or3A_679, %add3A_672 : vector<16xi32>
          %add3A_681 = arith.constant 466689800 : i32
          %add3A_682 = vector.broadcast %add3A_681 : i32 to vector<16xi32>
          %add3A_683 = arith.addi %add3A_672, %add3A_682 : vector<16xi32>
          %add3A_684 = arith.constant 5 : i32
          %add3A_685 = vector.broadcast %add3A_684 : i32 to vector<16xi32>
          %add3A_686 = arith.addi %xor3A_680, %add3A_685 : vector<16xi32>
          %xor3A_687 = arith.xori %add3A_683, %add3A_686 : vector<16xi32>
          %bitcast_convert_type3A_688 = tpu.bitcast %xor3A_687 : vector<16xi32> -> vector<16xi32>
          %swap3A_689 = arith.index_cast %add3A_474 : i32 to index
          %swap3A_690 = tpu.vector_load %arg3[%swap3A_689] {strides = array<i32>} : memref<1600xi32, #tpu.memory_space<vmem>>, vector<16xi32>,
          %swap3A_691 = vector.shape_cast %swap3A_690 : vector<16xi32> to vector<16xi32>
          %swap3A_692 = vector.shape_cast %bitcast_convert_type3A_688 : vector<16xi32> to vector<16xi32>
          tpu.vector_store %arg3[%swap3A_689], %swap3A_692 {strides = array<i32>} : memref<1600xi32, #tpu.memory_space<vmem>>, vector<16xi32>,
          %mul3A_693 = arith.constant 160 : i32
          %mul3A_694 = arith.muli %scan3A_31, %mul3A_693 : i32
          %add3A_695 = arith.constant 48 : i32
          %add3A_696 = arith.addi %mul3A_694, %add3A_695 : i32
          %add3A_697 = arith.addi %add3A_21, %add3A_696 : i32
          %get3A_698 = arith.constant 0 : index
          %get3A_699 = tpu.vector_load %arg4[%get3A_698] {strides = array<i32>} : memref<16xi32, #tpu.memory_space<vmem>>, vector<16xi32>,
          %get3A_700 = vector.shape_cast %get3A_699 : vector<16xi32> to vector<16xi32>
          %add3A_701 = vector.broadcast %add3A_697 : i32 to vector<16xi32>
          %add3A_702 = arith.addi %add3A_701, %get3A_700 : vector<16xi32>
          %shift_left3A_703 = arith.constant 13 : i32
          %shift_left3A_704 = vector.broadcast %shift_left3A_703 : i32 to vector<16xi32>
          %shift_left3A_705 = arith.shli %add3A_702, %shift_left3A_704 : vector<16xi32>
          %shift_right_logical3A_706 = arith.constant 19 : i32
          %shift_right_logical3A_707 = vector.broadcast %shift_right_logical3A_706 : i32 to vector<16xi32>
          %shift_right_logical3A_708 = arith.shrui %add3A_702, %shift_right_logical3A_707 : vector<16xi32>
          %or3A_709 = arith.ori %shift_left3A_705, %shift_right_logical3A_708 : vector<16xi32>
          %xor3A_710 = arith.xori %or3A_709, %add3A_702 : vector<16xi32>
          %add3A_711 = arith.addi %add3A_702, %xor3A_710 : vector<16xi32>
          %shift_left3A_712 = arith.constant 15 : i32
          %shift_left3A_713 = vector.broadcast %shift_left3A_712 : i32 to vector<16xi32>
          %shift_left3A_714 = arith.shli %xor3A_710, %shift_left3A_713 : vector<16xi32>
          %shift_right_logical3A_715 = arith.constant 17 : i32
          %shift_right_logical3A_716 = vector.broadcast %shift_right_logical3A_715 : i32 to vector<16xi32>
          %shift_right_logical3A_717 = arith.shrui %xor3A_710, %shift_right_logical3A_716 : vector<16xi32>
          %or3A_718 = arith.ori %shift_left3A_714, %shift_right_logical3A_717 : vector<16xi32>
          %xor3A_719 = arith.xori %or3A_718, %add3A_711 : vector<16xi32>
          %add3A_720 = arith.addi %add3A_711, %xor3A_719 : vector<16xi32>
          %shift_left3A_721 = arith.constant 26 : i32
          %shift_left3A_722 = vector.broadcast %shift_left3A_721 : i32 to vector<16xi32>
          %shift_left3A_723 = arith.shli %xor3A_719, %shift_left3A_722 : vector<16xi32>
          %shift_right_logical3A_724 = arith.constant 6 : i32
          %shift_right_logical3A_725 = vector.broadcast %shift_right_logical3A_724 : i32 to vector<16xi32>
          %shift_right_logical3A_726 = arith.shrui %xor3A_719, %shift_right_logical3A_725 : vector<16xi32>
          %or3A_727 = arith.ori %shift_left3A_723, %shift_right_logical3A_726 : vector<16xi32>
          %xor3A_728 = arith.xori %or3A_727, %add3A_720 : vector<16xi32>
          %add3A_729 = arith.addi %add3A_720, %xor3A_728 : vector<16xi32>
          %shift_left3A_730 = arith.constant 6 : i32
          %shift_left3A_731 = vector.broadcast %shift_left3A_730 : i32 to vector<16xi32>
          %shift_left3A_732 = arith.shli %xor3A_728, %shift_left3A_731 : vector<16xi32>
          %shift_right_logical3A_733 = arith.constant 26 : i32
          %shift_right_logical3A_734 = vector.broadcast %shift_right_logical3A_733 : i32 to vector<16xi32>
          %shift_right_logical3A_735 = arith.shrui %xor3A_728, %shift_right_logical3A_734 : vector<16xi32>
          %or3A_736 = arith.ori %shift_left3A_732, %shift_right_logical3A_735 : vector<16xi32>
          %xor3A_737 = arith.xori %or3A_736, %add3A_729 : vector<16xi32>
          %add3A_738 = arith.constant 1234 : i32
          %add3A_739 = vector.broadcast %add3A_738 : i32 to vector<16xi32>
          %add3A_740 = arith.addi %add3A_729, %add3A_739 : vector<16xi32>
          %add3A_741 = arith.constant 466689801 : i32
          %add3A_742 = vector.broadcast %add3A_741 : i32 to vector<16xi32>
          %add3A_743 = arith.addi %xor3A_737, %add3A_742 : vector<16xi32>
          %add3A_744 = arith.addi %add3A_740, %add3A_743 : vector<16xi32>
          %shift_left3A_745 = arith.constant 17 : i32
          %shift_left3A_746 = vector.broadcast %shift_left3A_745 : i32 to vector<16xi32>
          %shift_left3A_747 = arith.shli %add3A_743, %shift_left3A_746 : vector<16xi32>
          %shift_right_logical3A_748 = arith.constant 15 : i32
          %shift_right_logical3A_749 = vector.broadcast %shift_right_logical3A_748 : i32 to vector<16xi32>
          %shift_right_logical3A_750 = arith.shrui %add3A_743, %shift_right_logical3A_749 : vector<16xi32>
          %or3A_751 = arith.ori %shift_left3A_747, %shift_right_logical3A_750 : vector<16xi32>
          %xor3A_752 = arith.xori %or3A_751, %add3A_744 : vector<16xi32>
          %add3A_753 = arith.addi %add3A_744, %xor3A_752 : vector<16xi32>
          %shift_left3A_754 = arith.constant 29 : i32
          %shift_left3A_755 = vector.broadcast %shift_left3A_754 : i32 to vector<16xi32>
          %shift_left3A_756 = arith.shli %xor3A_752, %shift_left3A_755 : vector<16xi32>
          %shift_right_logical3A_757 = arith.constant 3 : i32
          %shift_right_logical3A_758 = vector.broadcast %shift_right_logical3A_757 : i32 to vector<16xi32>
          %shift_right_logical3A_759 = arith.shrui %xor3A_752, %shift_right_logical3A_758 : vector<16xi32>
          %or3A_760 = arith.ori %shift_left3A_756, %shift_right_logical3A_759 : vector<16xi32>
          %xor3A_761 = arith.xori %or3A_760, %add3A_753 : vector<16xi32>
          %add3A_762 = arith.addi %add3A_753, %xor3A_761 : vector<16xi32>
          %shift_left3A_763 = arith.constant 16 : i32
          %shift_left3A_764 = vector.broadcast %shift_left3A_763 : i32 to vector<16xi32>
          %shift_left3A_765 = arith.shli %xor3A_761, %shift_left3A_764 : vector<16xi32>
          %shift_right_logical3A_766 = arith.constant 16 : i32
          %shift_right_logical3A_767 = vector.broadcast %shift_right_logical3A_766 : i32 to vector<16xi32>
          %shift_right_logical3A_768 = arith.shrui %xor3A_761, %shift_right_logical3A_767 : vector<16xi32>
          %or3A_769 = arith.ori %shift_left3A_765, %shift_right_logical3A_768 : vector<16xi32>
          %xor3A_770 = arith.xori %or3A_769, %add3A_762 : vector<16xi32>
          %add3A_771 = arith.addi %add3A_762, %xor3A_770 : vector<16xi32>
          %shift_left3A_772 = arith.constant 24 : i32
          %shift_left3A_773 = vector.broadcast %shift_left3A_772 : i32 to vector<16xi32>
          %shift_left3A_774 = arith.shli %xor3A_770, %shift_left3A_773 : vector<16xi32>
          %shift_right_logical3A_775 = arith.constant 8 : i32
          %shift_right_logical3A_776 = vector.broadcast %shift_right_logical3A_775 : i32 to vector<16xi32>
          %shift_right_logical3A_777 = arith.shrui %xor3A_770, %shift_right_logical3A_776 : vector<16xi32>
          %or3A_778 = arith.ori %shift_left3A_774, %shift_right_logical3A_777 : vector<16xi32>
          %xor3A_779 = arith.xori %or3A_778, %add3A_771 : vector<16xi32>
          %add3A_780 = arith.constant 466689800 : i32
          %add3A_781 = vector.broadcast %add3A_780 : i32 to vector<16xi32>
          %add3A_782 = arith.addi %add3A_771, %add3A_781 : vector<16xi32>
          %add3A_783 = arith.constant 2 : i32
          %add3A_784 = vector.broadcast %add3A_783 : i32 to vector<16xi32>
          %add3A_785 = arith.addi %xor3A_779, %add3A_784 : vector<16xi32>
          %add3A_786 = arith.addi %add3A_782, %add3A_785 : vector<16xi32>
          %shift_left3A_787 = arith.constant 13 : i32
          %shift_left3A_788 = vector.broadcast %shift_left3A_787 : i32 to vector<16xi32>
          %shift_left3A_789 = arith.shli %add3A_785, %shift_left3A_788 : vector<16xi32>
          %shift_right_logical3A_790 = arith.constant 19 : i32
          %shift_right_logical3A_791 = vector.broadcast %shift_right_logical3A_790 : i32 to vector<16xi32>
          %shift_right_logical3A_792 = arith.shrui %add3A_785, %shift_right_logical3A_791 : vector<16xi32>
          %or3A_793 = arith.ori %shift_left3A_789, %shift_right_logical3A_792 : vector<16xi32>
          %xor3A_794 = arith.xori %or3A_793, %add3A_786 : vector<16xi32>
          %add3A_795 = arith.addi %add3A_786, %xor3A_794 : vector<16xi32>
          %shift_left3A_796 = arith.constant 15 : i32
          %shift_left3A_797 = vector.broadcast %shift_left3A_796 : i32 to vector<16xi32>
          %shift_left3A_798 = arith.shli %xor3A_794, %shift_left3A_797 : vector<16xi32>
          %shift_right_logical3A_799 = arith.constant 17 : i32
          %shift_right_logical3A_800 = vector.broadcast %shift_right_logical3A_799 : i32 to vector<16xi32>
          %shift_right_logical3A_801 = arith.shrui %xor3A_794, %shift_right_logical3A_800 : vector<16xi32>
          %or3A_802 = arith.ori %shift_left3A_798, %shift_right_logical3A_801 : vector<16xi32>
          %xor3A_803 = arith.xori %or3A_802, %add3A_795 : vector<16xi32>
          %add3A_804 = arith.addi %add3A_795, %xor3A_803 : vector<16xi32>
          %shift_left3A_805 = arith.constant 26 : i32
          %shift_left3A_806 = vector.broadcast %shift_left3A_805 : i32 to vector<16xi32>
          %shift_left3A_807 = arith.shli %xor3A_803, %shift_left3A_806 : vector<16xi32>
          %shift_right_logical3A_808 = arith.constant 6 : i32
          %shift_right_logical3A_809 = vector.broadcast %shift_right_logical3A_808 : i32 to vector<16xi32>
          %shift_right_logical3A_810 = arith.shrui %xor3A_803, %shift_right_logical3A_809 : vector<16xi32>
          %or3A_811 = arith.ori %shift_left3A_807, %shift_right_logical3A_810 : vector<16xi32>
          %xor3A_812 = arith.xori %or3A_811, %add3A_804 : vector<16xi32>
          %add3A_813 = arith.addi %add3A_804, %xor3A_812 : vector<16xi32>
          %shift_left3A_814 = arith.constant 6 : i32
          %shift_left3A_815 = vector.broadcast %shift_left3A_814 : i32 to vector<16xi32>
          %shift_left3A_816 = arith.shli %xor3A_812, %shift_left3A_815 : vector<16xi32>
          %shift_right_logical3A_817 = arith.constant 26 : i32
          %shift_right_logical3A_818 = vector.broadcast %shift_right_logical3A_817 : i32 to vector<16xi32>
          %shift_right_logical3A_819 = arith.shrui %xor3A_812, %shift_right_logical3A_818 : vector<16xi32>
          %or3A_820 = arith.ori %shift_left3A_816, %shift_right_logical3A_819 : vector<16xi32>
          %xor3A_821 = arith.xori %or3A_820, %add3A_813 : vector<16xi32>
          %add3A_822 = arith.constant 1237 : i32
          %add3A_823 = vector.broadcast %add3A_822 : i32 to vector<16xi32>
          %add3A_824 = arith.addi %xor3A_821, %add3A_823 : vector<16xi32>
          %add3A_825 = arith.addi %add3A_813, %add3A_824 : vector<16xi32>
          %shift_left3A_826 = arith.constant 17 : i32
          %shift_left3A_827 = vector.broadcast %shift_left3A_826 : i32 to vector<16xi32>
          %shift_left3A_828 = arith.shli %add3A_824, %shift_left3A_827 : vector<16xi32>
          %shift_right_logical3A_829 = arith.constant 15 : i32
          %shift_right_logical3A_830 = vector.broadcast %shift_right_logical3A_829 : i32 to vector<16xi32>
          %shift_right_logical3A_831 = arith.shrui %add3A_824, %shift_right_logical3A_830 : vector<16xi32>
          %or3A_832 = arith.ori %shift_left3A_828, %shift_right_logical3A_831 : vector<16xi32>
          %xor3A_833 = arith.xori %or3A_832, %add3A_825 : vector<16xi32>
          %add3A_834 = arith.addi %add3A_825, %xor3A_833 : vector<16xi32>
          %shift_left3A_835 = arith.constant 29 : i32
          %shift_left3A_836 = vector.broadcast %shift_left3A_835 : i32 to vector<16xi32>
          %shift_left3A_837 = arith.shli %xor3A_833, %shift_left3A_836 : vector<16xi32>
          %shift_right_logical3A_838 = arith.constant 3 : i32
          %shift_right_logical3A_839 = vector.broadcast %shift_right_logical3A_838 : i32 to vector<16xi32>
          %shift_right_logical3A_840 = arith.shrui %xor3A_833, %shift_right_logical3A_839 : vector<16xi32>
          %or3A_841 = arith.ori %shift_left3A_837, %shift_right_logical3A_840 : vector<16xi32>
          %xor3A_842 = arith.xori %or3A_841, %add3A_834 : vector<16xi32>
          %add3A_843 = arith.addi %add3A_834, %xor3A_842 : vector<16xi32>
          %shift_left3A_844 = arith.constant 16 : i32
          %shift_left3A_845 = vector.broadcast %shift_left3A_844 : i32 to vector<16xi32>
          %shift_left3A_846 = arith.shli %xor3A_842, %shift_left3A_845 : vector<16xi32>
          %shift_right_logical3A_847 = arith.constant 16 : i32
          %shift_right_logical3A_848 = vector.broadcast %shift_right_logical3A_847 : i32 to vector<16xi32>
          %shift_right_logical3A_849 = arith.shrui %xor3A_842, %shift_right_logical3A_848 : vector<16xi32>
          %or3A_850 = arith.ori %shift_left3A_846, %shift_right_logical3A_849 : vector<16xi32>
          %xor3A_851 = arith.xori %or3A_850, %add3A_843 : vector<16xi32>
          %add3A_852 = arith.addi %add3A_843, %xor3A_851 : vector<16xi32>
          %shift_left3A_853 = arith.constant 24 : i32
          %shift_left3A_854 = vector.broadcast %shift_left3A_853 : i32 to vector<16xi32>
          %shift_left3A_855 = arith.shli %xor3A_851, %shift_left3A_854 : vector<16xi32>
          %shift_right_logical3A_856 = arith.constant 8 : i32
          %shift_right_logical3A_857 = vector.broadcast %shift_right_logical3A_856 : i32 to vector<16xi32>
          %shift_right_logical3A_858 = arith.shrui %xor3A_851, %shift_right_logical3A_857 : vector<16xi32>
          %or3A_859 = arith.ori %shift_left3A_855, %shift_right_logical3A_858 : vector<16xi32>
          %xor3A_860 = arith.xori %or3A_859, %add3A_852 : vector<16xi32>
          %add3A_861 = arith.constant 1234 : i32
          %add3A_862 = vector.broadcast %add3A_861 : i32 to vector<16xi32>
          %add3A_863 = arith.addi %add3A_852, %add3A_862 : vector<16xi32>
          %add3A_864 = arith.constant 466689804 : i32
          %add3A_865 = vector.broadcast %add3A_864 : i32 to vector<16xi32>
          %add3A_866 = arith.addi %xor3A_860, %add3A_865 : vector<16xi32>
          %add3A_867 = arith.addi %add3A_863, %add3A_866 : vector<16xi32>
          %shift_left3A_868 = arith.constant 13 : i32
          %shift_left3A_869 = vector.broadcast %shift_left3A_868 : i32 to vector<16xi32>
          %shift_left3A_870 = arith.shli %add3A_866, %shift_left3A_869 : vector<16xi32>
          %shift_right_logical3A_871 = arith.constant 19 : i32
          %shift_right_logical3A_872 = vector.broadcast %shift_right_logical3A_871 : i32 to vector<16xi32>
          %shift_right_logical3A_873 = arith.shrui %add3A_866, %shift_right_logical3A_872 : vector<16xi32>
          %or3A_874 = arith.ori %shift_left3A_870, %shift_right_logical3A_873 : vector<16xi32>
          %xor3A_875 = arith.xori %or3A_874, %add3A_867 : vector<16xi32>
          %add3A_876 = arith.addi %add3A_867, %xor3A_875 : vector<16xi32>
          %shift_left3A_877 = arith.constant 15 : i32
          %shift_left3A_878 = vector.broadcast %shift_left3A_877 : i32 to vector<16xi32>
          %shift_left3A_879 = arith.shli %xor3A_875, %shift_left3A_878 : vector<16xi32>
          %shift_right_logical3A_880 = arith.constant 17 : i32
          %shift_right_logical3A_881 = vector.broadcast %shift_right_logical3A_880 : i32 to vector<16xi32>
          %shift_right_logical3A_882 = arith.shrui %xor3A_875, %shift_right_logical3A_881 : vector<16xi32>
          %or3A_883 = arith.ori %shift_left3A_879, %shift_right_logical3A_882 : vector<16xi32>
          %xor3A_884 = arith.xori %or3A_883, %add3A_876 : vector<16xi32>
          %add3A_885 = arith.addi %add3A_876, %xor3A_884 : vector<16xi32>
          %shift_left3A_886 = arith.constant 26 : i32
          %shift_left3A_887 = vector.broadcast %shift_left3A_886 : i32 to vector<16xi32>
          %shift_left3A_888 = arith.shli %xor3A_884, %shift_left3A_887 : vector<16xi32>
          %shift_right_logical3A_889 = arith.constant 6 : i32
          %shift_right_logical3A_890 = vector.broadcast %shift_right_logical3A_889 : i32 to vector<16xi32>
          %shift_right_logical3A_891 = arith.shrui %xor3A_884, %shift_right_logical3A_890 : vector<16xi32>
          %or3A_892 = arith.ori %shift_left3A_888, %shift_right_logical3A_891 : vector<16xi32>
          %xor3A_893 = arith.xori %or3A_892, %add3A_885 : vector<16xi32>
          %add3A_894 = arith.addi %add3A_885, %xor3A_893 : vector<16xi32>
          %shift_left3A_895 = arith.constant 6 : i32
          %shift_left3A_896 = vector.broadcast %shift_left3A_895 : i32 to vector<16xi32>
          %shift_left3A_897 = arith.shli %xor3A_893, %shift_left3A_896 : vector<16xi32>
          %shift_right_logical3A_898 = arith.constant 26 : i32
          %shift_right_logical3A_899 = vector.broadcast %shift_right_logical3A_898 : i32 to vector<16xi32>
          %shift_right_logical3A_900 = arith.shrui %xor3A_893, %shift_right_logical3A_899 : vector<16xi32>
          %or3A_901 = arith.ori %shift_left3A_897, %shift_right_logical3A_900 : vector<16xi32>
          %xor3A_902 = arith.xori %or3A_901, %add3A_894 : vector<16xi32>
          %add3A_903 = arith.constant 466689800 : i32
          %add3A_904 = vector.broadcast %add3A_903 : i32 to vector<16xi32>
          %add3A_905 = arith.addi %add3A_894, %add3A_904 : vector<16xi32>
          %add3A_906 = arith.constant 5 : i32
          %add3A_907 = vector.broadcast %add3A_906 : i32 to vector<16xi32>
          %add3A_908 = arith.addi %xor3A_902, %add3A_907 : vector<16xi32>
          %xor3A_909 = arith.xori %add3A_905, %add3A_908 : vector<16xi32>
          %bitcast_convert_type3A_910 = tpu.bitcast %xor3A_909 : vector<16xi32> -> vector<16xi32>
          %swap3A_911 = arith.index_cast %add3A_696 : i32 to index
          %swap3A_912 = tpu.vector_load %arg3[%swap3A_911] {strides = array<i32>} : memref<1600xi32, #tpu.memory_space<vmem>>, vector<16xi32>,
          %swap3A_913 = vector.shape_cast %swap3A_912 : vector<16xi32> to vector<16xi32>
          %swap3A_914 = vector.shape_cast %bitcast_convert_type3A_910 : vector<16xi32> to vector<16xi32>
          tpu.vector_store %arg3[%swap3A_911], %swap3A_914 {strides = array<i32>} : memref<1600xi32, #tpu.memory_space<vmem>>, vector<16xi32>,
          %mul3A_915 = arith.constant 160 : i32
          %mul3A_916 = arith.muli %scan3A_31, %mul3A_915 : i32
          %add3A_917 = arith.constant 64 : i32
          %add3A_918 = arith.addi %mul3A_916, %add3A_917 : i32
          %add3A_919 = arith.addi %add3A_21, %add3A_918 : i32
          %get3A_920 = arith.constant 0 : index
          %get3A_921 = tpu.vector_load %arg4[%get3A_920] {strides = array<i32>} : memref<16xi32, #tpu.memory_space<vmem>>, vector<16xi32>,
          %get3A_922 = vector.shape_cast %get3A_921 : vector<16xi32> to vector<16xi32>
          %add3A_923 = vector.broadcast %add3A_919 : i32 to vector<16xi32>
          %add3A_924 = arith.addi %add3A_923, %get3A_922 : vector<16xi32>
          %shift_left3A_925 = arith.constant 13 : i32
          %shift_left3A_926 = vector.broadcast %shift_left3A_925 : i32 to vector<16xi32>
          %shift_left3A_927 = arith.shli %add3A_924, %shift_left3A_926 : vector<16xi32>
          %shift_right_logical3A_928 = arith.constant 19 : i32
          %shift_right_logical3A_929 = vector.broadcast %shift_right_logical3A_928 : i32 to vector<16xi32>
          %shift_right_logical3A_930 = arith.shrui %add3A_924, %shift_right_logical3A_929 : vector<16xi32>
          %or3A_931 = arith.ori %shift_left3A_927, %shift_right_logical3A_930 : vector<16xi32>
          %xor3A_932 = arith.xori %or3A_931, %add3A_924 : vector<16xi32>
          %add3A_933 = arith.addi %add3A_924, %xor3A_932 : vector<16xi32>
          %shift_left3A_934 = arith.constant 15 : i32
          %shift_left3A_935 = vector.broadcast %shift_left3A_934 : i32 to vector<16xi32>
          %shift_left3A_936 = arith.shli %xor3A_932, %shift_left3A_935 : vector<16xi32>
          %shift_right_logical3A_937 = arith.constant 17 : i32
          %shift_right_logical3A_938 = vector.broadcast %shift_right_logical3A_937 : i32 to vector<16xi32>
          %shift_right_logical3A_939 = arith.shrui %xor3A_932, %shift_right_logical3A_938 : vector<16xi32>
          %or3A_940 = arith.ori %shift_left3A_936, %shift_right_logical3A_939 : vector<16xi32>
          %xor3A_941 = arith.xori %or3A_940, %add3A_933 : vector<16xi32>
          %add3A_942 = arith.addi %add3A_933, %xor3A_941 : vector<16xi32>
          %shift_left3A_943 = arith.constant 26 : i32
          %shift_left3A_944 = vector.broadcast %shift_left3A_943 : i32 to vector<16xi32>
          %shift_left3A_945 = arith.shli %xor3A_941, %shift_left3A_944 : vector<16xi32>
          %shift_right_logical3A_946 = arith.constant 6 : i32
          %shift_right_logical3A_947 = vector.broadcast %shift_right_logical3A_946 : i32 to vector<16xi32>
          %shift_right_logical3A_948 = arith.shrui %xor3A_941, %shift_right_logical3A_947 : vector<16xi32>
          %or3A_949 = arith.ori %shift_left3A_945, %shift_right_logical3A_948 : vector<16xi32>
          %xor3A_950 = arith.xori %or3A_949, %add3A_942 : vector<16xi32>
          %add3A_951 = arith.addi %add3A_942, %xor3A_950 : vector<16xi32>
          %shift_left3A_952 = arith.constant 6 : i32
          %shift_left3A_953 = vector.broadcast %shift_left3A_952 : i32 to vector<16xi32>
          %shift_left3A_954 = arith.shli %xor3A_950, %shift_left3A_953 : vector<16xi32>
          %shift_right_logical3A_955 = arith.constant 26 : i32
          %shift_right_logical3A_956 = vector.broadcast %shift_right_logical3A_955 : i32 to vector<16xi32>
          %shift_right_logical3A_957 = arith.shrui %xor3A_950, %shift_right_logical3A_956 : vector<16xi32>
          %or3A_958 = arith.ori %shift_left3A_954, %shift_right_logical3A_957 : vector<16xi32>
          %xor3A_959 = arith.xori %or3A_958, %add3A_951 : vector<16xi32>
          %add3A_960 = arith.constant 1234 : i32
          %add3A_961 = vector.broadcast %add3A_960 : i32 to vector<16xi32>
          %add3A_962 = arith.addi %add3A_951, %add3A_961 : vector<16xi32>
          %add3A_963 = arith.constant 466689801 : i32
          %add3A_964 = vector.broadcast %add3A_963 : i32 to vector<16xi32>
          %add3A_965 = arith.addi %xor3A_959, %add3A_964 : vector<16xi32>
          %add3A_966 = arith.addi %add3A_962, %add3A_965 : vector<16xi32>
          %shift_left3A_967 = arith.constant 17 : i32
          %shift_left3A_968 = vector.broadcast %shift_left3A_967 : i32 to vector<16xi32>
          %shift_left3A_969 = arith.shli %add3A_965, %shift_left3A_968 : vector<16xi32>
          %shift_right_logical3A_970 = arith.constant 15 : i32
          %shift_right_logical3A_971 = vector.broadcast %shift_right_logical3A_970 : i32 to vector<16xi32>
          %shift_right_logical3A_972 = arith.shrui %add3A_965, %shift_right_logical3A_971 : vector<16xi32>
          %or3A_973 = arith.ori %shift_left3A_969, %shift_right_logical3A_972 : vector<16xi32>
          %xor3A_974 = arith.xori %or3A_973, %add3A_966 : vector<16xi32>
          %add3A_975 = arith.addi %add3A_966, %xor3A_974 : vector<16xi32>
          %shift_left3A_976 = arith.constant 29 : i32
          %shift_left3A_977 = vector.broadcast %shift_left3A_976 : i32 to vector<16xi32>
          %shift_left3A_978 = arith.shli %xor3A_974, %shift_left3A_977 : vector<16xi32>
          %shift_right_logical3A_979 = arith.constant 3 : i32
          %shift_right_logical3A_980 = vector.broadcast %shift_right_logical3A_979 : i32 to vector<16xi32>
          %shift_right_logical3A_981 = arith.shrui %xor3A_974, %shift_right_logical3A_980 : vector<16xi32>
          %or3A_982 = arith.ori %shift_left3A_978, %shift_right_logical3A_981 : vector<16xi32>
          %xor3A_983 = arith.xori %or3A_982, %add3A_975 : vector<16xi32>
          %add3A_984 = arith.addi %add3A_975, %xor3A_983 : vector<16xi32>
          %shift_left3A_985 = arith.constant 16 : i32
          %shift_left3A_986 = vector.broadcast %shift_left3A_985 : i32 to vector<16xi32>
          %shift_left3A_987 = arith.shli %xor3A_983, %shift_left3A_986 : vector<16xi32>
          %shift_right_logical3A_988 = arith.constant 16 : i32
          %shift_right_logical3A_989 = vector.broadcast %shift_right_logical3A_988 : i32 to vector<16xi32>
          %shift_right_logical3A_990 = arith.shrui %xor3A_983, %shift_right_logical3A_989 : vector<16xi32>
          %or3A_991 = arith.ori %shift_left3A_987, %shift_right_logical3A_990 : vector<16xi32>
          %xor3A_992 = arith.xori %or3A_991, %add3A_984 : vector<16xi32>
          %add3A_993 = arith.addi %add3A_984, %xor3A_992 : vector<16xi32>
          %shift_left3A_994 = arith.constant 24 : i32
          %shift_left3A_995 = vector.broadcast %shift_left3A_994 : i32 to vector<16xi32>
          %shift_left3A_996 = arith.shli %xor3A_992, %shift_left3A_995 : vector<16xi32>
          %shift_right_logical3A_997 = arith.constant 8 : i32
          %shift_right_logical3A_998 = vector.broadcast %shift_right_logical3A_997 : i32 to vector<16xi32>
          %shift_right_logical3A_999 = arith.shrui %xor3A_992, %shift_right_logical3A_998 : vector<16xi32>
          %or3A_1000 = arith.ori %shift_left3A_996, %shift_right_logical3A_999 : vector<16xi32>
          %xor3A_1001 = arith.xori %or3A_1000, %add3A_993 : vector<16xi32>
          %add3A_1002 = arith.constant 466689800 : i32
          %add3A_1003 = vector.broadcast %add3A_1002 : i32 to vector<16xi32>
          %add3A_1004 = arith.addi %add3A_993, %add3A_1003 : vector<16xi32>
          %add3A_1005 = arith.constant 2 : i32
          %add3A_1006 = vector.broadcast %add3A_1005 : i32 to vector<16xi32>
          %add3A_1007 = arith.addi %xor3A_1001, %add3A_1006 : vector<16xi32>
          %add3A_1008 = arith.addi %add3A_1004, %add3A_1007 : vector<16xi32>
          %shift_left3A_1009 = arith.constant 13 : i32
          %shift_left3A_1010 = vector.broadcast %shift_left3A_1009 : i32 to vector<16xi32>
          %shift_left3A_1011 = arith.shli %add3A_1007, %shift_left3A_1010 : vector<16xi32>
          %shift_right_logical3A_1012 = arith.constant 19 : i32
          %shift_right_logical3A_1013 = vector.broadcast %shift_right_logical3A_1012 : i32 to vector<16xi32>
          %shift_right_logical3A_1014 = arith.shrui %add3A_1007, %shift_right_logical3A_1013 : vector<16xi32>
          %or3A_1015 = arith.ori %shift_left3A_1011, %shift_right_logical3A_1014 : vector<16xi32>
          %xor3A_1016 = arith.xori %or3A_1015, %add3A_1008 : vector<16xi32>
          %add3A_1017 = arith.addi %add3A_1008, %xor3A_1016 : vector<16xi32>
          %shift_left3A_1018 = arith.constant 15 : i32
          %shift_left3A_1019 = vector.broadcast %shift_left3A_1018 : i32 to vector<16xi32>
          %shift_left3A_1020 = arith.shli %xor3A_1016, %shift_left3A_1019 : vector<16xi32>
          %shift_right_logical3A_1021 = arith.constant 17 : i32
          %shift_right_logical3A_1022 = vector.broadcast %shift_right_logical3A_1021 : i32 to vector<16xi32>
          %shift_right_logical3A_1023 = arith.shrui %xor3A_1016, %shift_right_logical3A_1022 : vector<16xi32>
          %or3A_1024 = arith.ori %shift_left3A_1020, %shift_right_logical3A_1023 : vector<16xi32>
          %xor3A_1025 = arith.xori %or3A_1024, %add3A_1017 : vector<16xi32>
          %add3A_1026 = arith.addi %add3A_1017, %xor3A_1025 : vector<16xi32>
          %shift_left3A_1027 = arith.constant 26 : i32
          %shift_left3A_1028 = vector.broadcast %shift_left3A_1027 : i32 to vector<16xi32>
          %shift_left3A_1029 = arith.shli %xor3A_1025, %shift_left3A_1028 : vector<16xi32>
          %shift_right_logical3A_1030 = arith.constant 6 : i32
          %shift_right_logical3A_1031 = vector.broadcast %shift_right_logical3A_1030 : i32 to vector<16xi32>
          %shift_right_logical3A_1032 = arith.shrui %xor3A_1025, %shift_right_logical3A_1031 : vector<16xi32>
          %or3A_1033 = arith.ori %shift_left3A_1029, %shift_right_logical3A_1032 : vector<16xi32>
          %xor3A_1034 = arith.xori %or3A_1033, %add3A_1026 : vector<16xi32>
          %add3A_1035 = arith.addi %add3A_1026, %xor3A_1034 : vector<16xi32>
          %shift_left3A_1036 = arith.constant 6 : i32
          %shift_left3A_1037 = vector.broadcast %shift_left3A_1036 : i32 to vector<16xi32>
          %shift_left3A_1038 = arith.shli %xor3A_1034, %shift_left3A_1037 : vector<16xi32>
          %shift_right_logical3A_1039 = arith.constant 26 : i32
          %shift_right_logical3A_1040 = vector.broadcast %shift_right_logical3A_1039 : i32 to vector<16xi32>
          %shift_right_logical3A_1041 = arith.shrui %xor3A_1034, %shift_right_logical3A_1040 : vector<16xi32>
          %or3A_1042 = arith.ori %shift_left3A_1038, %shift_right_logical3A_1041 : vector<16xi32>
          %xor3A_1043 = arith.xori %or3A_1042, %add3A_1035 : vector<16xi32>
          %add3A_1044 = arith.constant 1237 : i32
          %add3A_1045 = vector.broadcast %add3A_1044 : i32 to vector<16xi32>
          %add3A_1046 = arith.addi %xor3A_1043, %add3A_1045 : vector<16xi32>
          %add3A_1047 = arith.addi %add3A_1035, %add3A_1046 : vector<16xi32>
          %shift_left3A_1048 = arith.constant 17 : i32
          %shift_left3A_1049 = vector.broadcast %shift_left3A_1048 : i32 to vector<16xi32>
          %shift_left3A_1050 = arith.shli %add3A_1046, %shift_left3A_1049 : vector<16xi32>
          %shift_right_logical3A_1051 = arith.constant 15 : i32
          %shift_right_logical3A_1052 = vector.broadcast %shift_right_logical3A_1051 : i32 to vector<16xi32>
          %shift_right_logical3A_1053 = arith.shrui %add3A_1046, %shift_right_logical3A_1052 : vector<16xi32>
          %or3A_1054 = arith.ori %shift_left3A_1050, %shift_right_logical3A_1053 : vector<16xi32>
          %xor3A_1055 = arith.xori %or3A_1054, %add3A_1047 : vector<16xi32>
          %add3A_1056 = arith.addi %add3A_1047, %xor3A_1055 : vector<16xi32>
          %shift_left3A_1057 = arith.constant 29 : i32
          %shift_left3A_1058 = vector.broadcast %shift_left3A_1057 : i32 to vector<16xi32>
          %shift_left3A_1059 = arith.shli %xor3A_1055, %shift_left3A_1058 : vector<16xi32>
          %shift_right_logical3A_1060 = arith.constant 3 : i32
          %shift_right_logical3A_1061 = vector.broadcast %shift_right_logical3A_1060 : i32 to vector<16xi32>
          %shift_right_logical3A_1062 = arith.shrui %xor3A_1055, %shift_right_logical3A_1061 : vector<16xi32>
          %or3A_1063 = arith.ori %shift_left3A_1059, %shift_right_logical3A_1062 : vector<16xi32>
          %xor3A_1064 = arith.xori %or3A_1063, %add3A_1056 : vector<16xi32>
          %add3A_1065 = arith.addi %add3A_1056, %xor3A_1064 : vector<16xi32>
          %shift_left3A_1066 = arith.constant 16 : i32
          %shift_left3A_1067 = vector.broadcast %shift_left3A_1066 : i32 to vector<16xi32>
          %shift_left3A_1068 = arith.shli %xor3A_1064, %shift_left3A_1067 : vector<16xi32>
          %shift_right_logical3A_1069 = arith.constant 16 : i32
          %shift_right_logical3A_1070 = vector.broadcast %shift_right_logical3A_1069 : i32 to vector<16xi32>
          %shift_right_logical3A_1071 = arith.shrui %xor3A_1064, %shift_right_logical3A_1070 : vector<16xi32>
          %or3A_1072 = arith.ori %shift_left3A_1068, %shift_right_logical3A_1071 : vector<16xi32>
          %xor3A_1073 = arith.xori %or3A_1072, %add3A_1065 : vector<16xi32>
          %add3A_1074 = arith.addi %add3A_1065, %xor3A_1073 : vector<16xi32>
          %shift_left3A_1075 = arith.constant 24 : i32
          %shift_left3A_1076 = vector.broadcast %shift_left3A_1075 : i32 to vector<16xi32>
          %shift_left3A_1077 = arith.shli %xor3A_1073, %shift_left3A_1076 : vector<16xi32>
          %shift_right_logical3A_1078 = arith.constant 8 : i32
          %shift_right_logical3A_1079 = vector.broadcast %shift_right_logical3A_1078 : i32 to vector<16xi32>
          %shift_right_logical3A_1080 = arith.shrui %xor3A_1073, %shift_right_logical3A_1079 : vector<16xi32>
          %or3A_1081 = arith.ori %shift_left3A_1077, %shift_right_logical3A_1080 : vector<16xi32>
          %xor3A_1082 = arith.xori %or3A_1081, %add3A_1074 : vector<16xi32>
          %add3A_1083 = arith.constant 1234 : i32
          %add3A_1084 = vector.broadcast %add3A_1083 : i32 to vector<16xi32>
          %add3A_1085 = arith.addi %add3A_1074, %add3A_1084 : vector<16xi32>
          %add3A_1086 = arith.constant 466689804 : i32
          %add3A_1087 = vector.broadcast %add3A_1086 : i32 to vector<16xi32>
          %add3A_1088 = arith.addi %xor3A_1082, %add3A_1087 : vector<16xi32>
          %add3A_1089 = arith.addi %add3A_1085, %add3A_1088 : vector<16xi32>
          %shift_left3A_1090 = arith.constant 13 : i32
          %shift_left3A_1091 = vector.broadcast %shift_left3A_1090 : i32 to vector<16xi32>
          %shift_left3A_1092 = arith.shli %add3A_1088, %shift_left3A_1091 : vector<16xi32>
          %shift_right_logical3A_1093 = arith.constant 19 : i32
          %shift_right_logical3A_1094 = vector.broadcast %shift_right_logical3A_1093 : i32 to vector<16xi32>
          %shift_right_logical3A_1095 = arith.shrui %add3A_1088, %shift_right_logical3A_1094 : vector<16xi32>
          %or3A_1096 = arith.ori %shift_left3A_1092, %shift_right_logical3A_1095 : vector<16xi32>
          %xor3A_1097 = arith.xori %or3A_1096, %add3A_1089 : vector<16xi32>
          %add3A_1098 = arith.addi %add3A_1089, %xor3A_1097 : vector<16xi32>
          %shift_left3A_1099 = arith.constant 15 : i32
          %shift_left3A_1100 = vector.broadcast %shift_left3A_1099 : i32 to vector<16xi32>
          %shift_left3A_1101 = arith.shli %xor3A_1097, %shift_left3A_1100 : vector<16xi32>
          %shift_right_logical3A_1102 = arith.constant 17 : i32
          %shift_right_logical3A_1103 = vector.broadcast %shift_right_logical3A_1102 : i32 to vector<16xi32>
          %shift_right_logical3A_1104 = arith.shrui %xor3A_1097, %shift_right_logical3A_1103 : vector<16xi32>
          %or3A_1105 = arith.ori %shift_left3A_1101, %shift_right_logical3A_1104 : vector<16xi32>
          %xor3A_1106 = arith.xori %or3A_1105, %add3A_1098 : vector<16xi32>
          %add3A_1107 = arith.addi %add3A_1098, %xor3A_1106 : vector<16xi32>
          %shift_left3A_1108 = arith.constant 26 : i32
          %shift_left3A_1109 = vector.broadcast %shift_left3A_1108 : i32 to vector<16xi32>
          %shift_left3A_1110 = arith.shli %xor3A_1106, %shift_left3A_1109 : vector<16xi32>
          %shift_right_logical3A_1111 = arith.constant 6 : i32
          %shift_right_logical3A_1112 = vector.broadcast %shift_right_logical3A_1111 : i32 to vector<16xi32>
          %shift_right_logical3A_1113 = arith.shrui %xor3A_1106, %shift_right_logical3A_1112 : vector<16xi32>
          %or3A_1114 = arith.ori %shift_left3A_1110, %shift_right_logical3A_1113 : vector<16xi32>
          %xor3A_1115 = arith.xori %or3A_1114, %add3A_1107 : vector<16xi32>
          %add3A_1116 = arith.addi %add3A_1107, %xor3A_1115 : vector<16xi32>
          %shift_left3A_1117 = arith.constant 6 : i32
          %shift_left3A_1118 = vector.broadcast %shift_left3A_1117 : i32 to vector<16xi32>
          %shift_left3A_1119 = arith.shli %xor3A_1115, %shift_left3A_1118 : vector<16xi32>
          %shift_right_logical3A_1120 = arith.constant 26 : i32
          %shift_right_logical3A_1121 = vector.broadcast %shift_right_logical3A_1120 : i32 to vector<16xi32>
          %shift_right_logical3A_1122 = arith.shrui %xor3A_1115, %shift_right_logical3A_1121 : vector<16xi32>
          %or3A_1123 = arith.ori %shift_left3A_1119, %shift_right_logical3A_1122 : vector<16xi32>
          %xor3A_1124 = arith.xori %or3A_1123, %add3A_1116 : vector<16xi32>
          %add3A_1125 = arith.constant 466689800 : i32
          %add3A_1126 = vector.broadcast %add3A_1125 : i32 to vector<16xi32>
          %add3A_1127 = arith.addi %add3A_1116, %add3A_1126 : vector<16xi32>
          %add3A_1128 = arith.constant 5 : i32
          %add3A_1129 = vector.broadcast %add3A_1128 : i32 to vector<16xi32>
          %add3A_1130 = arith.addi %xor3A_1124, %add3A_1129 : vector<16xi32>
          %xor3A_1131 = arith.xori %add3A_1127, %add3A_1130 : vector<16xi32>
          %bitcast_convert_type3A_1132 = tpu.bitcast %xor3A_1131 : vector<16xi32> -> vector<16xi32>
          %swap3A_1133 = arith.index_cast %add3A_918 : i32 to index
          %swap3A_1134 = tpu.vector_load %arg3[%swap3A_1133] {strides = array<i32>} : memref<1600xi32, #tpu.memory_space<vmem>>, vector<16xi32>,
          %swap3A_1135 = vector.shape_cast %swap3A_1134 : vector<16xi32> to vector<16xi32>
          %swap3A_1136 = vector.shape_cast %bitcast_convert_type3A_1132 : vector<16xi32> to vector<16xi32>
          tpu.vector_store %arg3[%swap3A_1133], %swap3A_1136 {strides = array<i32>} : memref<1600xi32, #tpu.memory_space<vmem>>, vector<16xi32>,
          %mul3A_1137 = arith.constant 160 : i32
          %mul3A_1138 = arith.muli %scan3A_31, %mul3A_1137 : i32
          %add3A_1139 = arith.constant 80 : i32
          %add3A_1140 = arith.addi %mul3A_1138, %add3A_1139 : i32
          %add3A_1141 = arith.addi %add3A_21, %add3A_1140 : i32
          %get3A_1142 = arith.constant 0 : index
          %get3A_1143 = tpu.vector_load %arg4[%get3A_1142] {strides = array<i32>} : memref<16xi32, #tpu.memory_space<vmem>>, vector<16xi32>,
          %get3A_1144 = vector.shape_cast %get3A_1143 : vector<16xi32> to vector<16xi32>
          %add3A_1145 = vector.broadcast %add3A_1141 : i32 to vector<16xi32>
          %add3A_1146 = arith.addi %add3A_1145, %get3A_1144 : vector<16xi32>
          %shift_left3A_1147 = arith.constant 13 : i32
          %shift_left3A_1148 = vector.broadcast %shift_left3A_1147 : i32 to vector<16xi32>
          %shift_left3A_1149 = arith.shli %add3A_1146, %shift_left3A_1148 : vector<16xi32>
          %shift_right_logical3A_1150 = arith.constant 19 : i32
          %shift_right_logical3A_1151 = vector.broadcast %shift_right_logical3A_1150 : i32 to vector<16xi32>
          %shift_right_logical3A_1152 = arith.shrui %add3A_1146, %shift_right_logical3A_1151 : vector<16xi32>
          %or3A_1153 = arith.ori %shift_left3A_1149, %shift_right_logical3A_1152 : vector<16xi32>
          %xor3A_1154 = arith.xori %or3A_1153, %add3A_1146 : vector<16xi32>
          %add3A_1155 = arith.addi %add3A_1146, %xor3A_1154 : vector<16xi32>
          %shift_left3A_1156 = arith.constant 15 : i32
          %shift_left3A_1157 = vector.broadcast %shift_left3A_1156 : i32 to vector<16xi32>
          %shift_left3A_1158 = arith.shli %xor3A_1154, %shift_left3A_1157 : vector<16xi32>
          %shift_right_logical3A_1159 = arith.constant 17 : i32
          %shift_right_logical3A_1160 = vector.broadcast %shift_right_logical3A_1159 : i32 to vector<16xi32>
          %shift_right_logical3A_1161 = arith.shrui %xor3A_1154, %shift_right_logical3A_1160 : vector<16xi32>
          %or3A_1162 = arith.ori %shift_left3A_1158, %shift_right_logical3A_1161 : vector<16xi32>
          %xor3A_1163 = arith.xori %or3A_1162, %add3A_1155 : vector<16xi32>
          %add3A_1164 = arith.addi %add3A_1155, %xor3A_1163 : vector<16xi32>
          %shift_left3A_1165 = arith.constant 26 : i32
          %shift_left3A_1166 = vector.broadcast %shift_left3A_1165 : i32 to vector<16xi32>
          %shift_left3A_1167 = arith.shli %xor3A_1163, %shift_left3A_1166 : vector<16xi32>
          %shift_right_logical3A_1168 = arith.constant 6 : i32
          %shift_right_logical3A_1169 = vector.broadcast %shift_right_logical3A_1168 : i32 to vector<16xi32>
          %shift_right_logical3A_1170 = arith.shrui %xor3A_1163, %shift_right_logical3A_1169 : vector<16xi32>
          %or3A_1171 = arith.ori %shift_left3A_1167, %shift_right_logical3A_1170 : vector<16xi32>
          %xor3A_1172 = arith.xori %or3A_1171, %add3A_1164 : vector<16xi32>
          %add3A_1173 = arith.addi %add3A_1164, %xor3A_1172 : vector<16xi32>
          %shift_left3A_1174 = arith.constant 6 : i32
          %shift_left3A_1175 = vector.broadcast %shift_left3A_1174 : i32 to vector<16xi32>
          %shift_left3A_1176 = arith.shli %xor3A_1172, %shift_left3A_1175 : vector<16xi32>
          %shift_right_logical3A_1177 = arith.constant 26 : i32
          %shift_right_logical3A_1178 = vector.broadcast %shift_right_logical3A_1177 : i32 to vector<16xi32>
          %shift_right_logical3A_1179 = arith.shrui %xor3A_1172, %shift_right_logical3A_1178 : vector<16xi32>
          %or3A_1180 = arith.ori %shift_left3A_1176, %shift_right_logical3A_1179 : vector<16xi32>
          %xor3A_1181 = arith.xori %or3A_1180, %add3A_1173 : vector<16xi32>
          %add3A_1182 = arith.constant 1234 : i32
          %add3A_1183 = vector.broadcast %add3A_1182 : i32 to vector<16xi32>
          %add3A_1184 = arith.addi %add3A_1173, %add3A_1183 : vector<16xi32>
          %add3A_1185 = arith.constant 466689801 : i32
          %add3A_1186 = vector.broadcast %add3A_1185 : i32 to vector<16xi32>
          %add3A_1187 = arith.addi %xor3A_1181, %add3A_1186 : vector<16xi32>
          %add3A_1188 = arith.addi %add3A_1184, %add3A_1187 : vector<16xi32>
          %shift_left3A_1189 = arith.constant 17 : i32
          %shift_left3A_1190 = vector.broadcast %shift_left3A_1189 : i32 to vector<16xi32>
          %shift_left3A_1191 = arith.shli %add3A_1187, %shift_left3A_1190 : vector<16xi32>
          %shift_right_logical3A_1192 = arith.constant 15 : i32
          %shift_right_logical3A_1193 = vector.broadcast %shift_right_logical3A_1192 : i32 to vector<16xi32>
          %shift_right_logical3A_1194 = arith.shrui %add3A_1187, %shift_right_logical3A_1193 : vector<16xi32>
          %or3A_1195 = arith.ori %shift_left3A_1191, %shift_right_logical3A_1194 : vector<16xi32>
          %xor3A_1196 = arith.xori %or3A_1195, %add3A_1188 : vector<16xi32>
          %add3A_1197 = arith.addi %add3A_1188, %xor3A_1196 : vector<16xi32>
          %shift_left3A_1198 = arith.constant 29 : i32
          %shift_left3A_1199 = vector.broadcast %shift_left3A_1198 : i32 to vector<16xi32>
          %shift_left3A_1200 = arith.shli %xor3A_1196, %shift_left3A_1199 : vector<16xi32>
          %shift_right_logical3A_1201 = arith.constant 3 : i32
          %shift_right_logical3A_1202 = vector.broadcast %shift_right_logical3A_1201 : i32 to vector<16xi32>
          %shift_right_logical3A_1203 = arith.shrui %xor3A_1196, %shift_right_logical3A_1202 : vector<16xi32>
          %or3A_1204 = arith.ori %shift_left3A_1200, %shift_right_logical3A_1203 : vector<16xi32>
          %xor3A_1205 = arith.xori %or3A_1204, %add3A_1197 : vector<16xi32>
          %add3A_1206 = arith.addi %add3A_1197, %xor3A_1205 : vector<16xi32>
          %shift_left3A_1207 = arith.constant 16 : i32
          %shift_left3A_1208 = vector.broadcast %shift_left3A_1207 : i32 to vector<16xi32>
          %shift_left3A_1209 = arith.shli %xor3A_1205, %shift_left3A_1208 : vector<16xi32>
          %shift_right_logical3A_1210 = arith.constant 16 : i32
          %shift_right_logical3A_1211 = vector.broadcast %shift_right_logical3A_1210 : i32 to vector<16xi32>
          %shift_right_logical3A_1212 = arith.shrui %xor3A_1205, %shift_right_logical3A_1211 : vector<16xi32>
          %or3A_1213 = arith.ori %shift_left3A_1209, %shift_right_logical3A_1212 : vector<16xi32>
          %xor3A_1214 = arith.xori %or3A_1213, %add3A_1206 : vector<16xi32>
          %add3A_1215 = arith.addi %add3A_1206, %xor3A_1214 : vector<16xi32>
          %shift_left3A_1216 = arith.constant 24 : i32
          %shift_left3A_1217 = vector.broadcast %shift_left3A_1216 : i32 to vector<16xi32>
          %shift_left3A_1218 = arith.shli %xor3A_1214, %shift_left3A_1217 : vector<16xi32>
          %shift_right_logical3A_1219 = arith.constant 8 : i32
          %shift_right_logical3A_1220 = vector.broadcast %shift_right_logical3A_1219 : i32 to vector<16xi32>
          %shift_right_logical3A_1221 = arith.shrui %xor3A_1214, %shift_right_logical3A_1220 : vector<16xi32>
          %or3A_1222 = arith.ori %shift_left3A_1218, %shift_right_logical3A_1221 : vector<16xi32>
          %xor3A_1223 = arith.xori %or3A_1222, %add3A_1215 : vector<16xi32>
          %add3A_1224 = arith.constant 466689800 : i32
          %add3A_1225 = vector.broadcast %add3A_1224 : i32 to vector<16xi32>
          %add3A_1226 = arith.addi %add3A_1215, %add3A_1225 : vector<16xi32>
          %add3A_1227 = arith.constant 2 : i32
          %add3A_1228 = vector.broadcast %add3A_1227 : i32 to vector<16xi32>
          %add3A_1229 = arith.addi %xor3A_1223, %add3A_1228 : vector<16xi32>
          %add3A_1230 = arith.addi %add3A_1226, %add3A_1229 : vector<16xi32>
          %shift_left3A_1231 = arith.constant 13 : i32
          %shift_left3A_1232 = vector.broadcast %shift_left3A_1231 : i32 to vector<16xi32>
          %shift_left3A_1233 = arith.shli %add3A_1229, %shift_left3A_1232 : vector<16xi32>
          %shift_right_logical3A_1234 = arith.constant 19 : i32
          %shift_right_logical3A_1235 = vector.broadcast %shift_right_logical3A_1234 : i32 to vector<16xi32>
          %shift_right_logical3A_1236 = arith.shrui %add3A_1229, %shift_right_logical3A_1235 : vector<16xi32>
          %or3A_1237 = arith.ori %shift_left3A_1233, %shift_right_logical3A_1236 : vector<16xi32>
          %xor3A_1238 = arith.xori %or3A_1237, %add3A_1230 : vector<16xi32>
          %add3A_1239 = arith.addi %add3A_1230, %xor3A_1238 : vector<16xi32>
          %shift_left3A_1240 = arith.constant 15 : i32
          %shift_left3A_1241 = vector.broadcast %shift_left3A_1240 : i32 to vector<16xi32>
          %shift_left3A_1242 = arith.shli %xor3A_1238, %shift_left3A_1241 : vector<16xi32>
          %shift_right_logical3A_1243 = arith.constant 17 : i32
          %shift_right_logical3A_1244 = vector.broadcast %shift_right_logical3A_1243 : i32 to vector<16xi32>
          %shift_right_logical3A_1245 = arith.shrui %xor3A_1238, %shift_right_logical3A_1244 : vector<16xi32>
          %or3A_1246 = arith.ori %shift_left3A_1242, %shift_right_logical3A_1245 : vector<16xi32>
          %xor3A_1247 = arith.xori %or3A_1246, %add3A_1239 : vector<16xi32>
          %add3A_1248 = arith.addi %add3A_1239, %xor3A_1247 : vector<16xi32>
          %shift_left3A_1249 = arith.constant 26 : i32
          %shift_left3A_1250 = vector.broadcast %shift_left3A_1249 : i32 to vector<16xi32>
          %shift_left3A_1251 = arith.shli %xor3A_1247, %shift_left3A_1250 : vector<16xi32>
          %shift_right_logical3A_1252 = arith.constant 6 : i32
          %shift_right_logical3A_1253 = vector.broadcast %shift_right_logical3A_1252 : i32 to vector<16xi32>
          %shift_right_logical3A_1254 = arith.shrui %xor3A_1247, %shift_right_logical3A_1253 : vector<16xi32>
          %or3A_1255 = arith.ori %shift_left3A_1251, %shift_right_logical3A_1254 : vector<16xi32>
          %xor3A_1256 = arith.xori %or3A_1255, %add3A_1248 : vector<16xi32>
          %add3A_1257 = arith.addi %add3A_1248, %xor3A_1256 : vector<16xi32>
          %shift_left3A_1258 = arith.constant 6 : i32
          %shift_left3A_1259 = vector.broadcast %shift_left3A_1258 : i32 to vector<16xi32>
          %shift_left3A_1260 = arith.shli %xor3A_1256, %shift_left3A_1259 : vector<16xi32>
          %shift_right_logical3A_1261 = arith.constant 26 : i32
          %shift_right_logical3A_1262 = vector.broadcast %shift_right_logical3A_1261 : i32 to vector<16xi32>
          %shift_right_logical3A_1263 = arith.shrui %xor3A_1256, %shift_right_logical3A_1262 : vector<16xi32>
          %or3A_1264 = arith.ori %shift_left3A_1260, %shift_right_logical3A_1263 : vector<16xi32>
          %xor3A_1265 = arith.xori %or3A_1264, %add3A_1257 : vector<16xi32>
          %add3A_1266 = arith.constant 1237 : i32
          %add3A_1267 = vector.broadcast %add3A_1266 : i32 to vector<16xi32>
          %add3A_1268 = arith.addi %xor3A_1265, %add3A_1267 : vector<16xi32>
          %add3A_1269 = arith.addi %add3A_1257, %add3A_1268 : vector<16xi32>
          %shift_left3A_1270 = arith.constant 17 : i32
          %shift_left3A_1271 = vector.broadcast %shift_left3A_1270 : i32 to vector<16xi32>
          %shift_left3A_1272 = arith.shli %add3A_1268, %shift_left3A_1271 : vector<16xi32>
          %shift_right_logical3A_1273 = arith.constant 15 : i32
          %shift_right_logical3A_1274 = vector.broadcast %shift_right_logical3A_1273 : i32 to vector<16xi32>
          %shift_right_logical3A_1275 = arith.shrui %add3A_1268, %shift_right_logical3A_1274 : vector<16xi32>
          %or3A_1276 = arith.ori %shift_left3A_1272, %shift_right_logical3A_1275 : vector<16xi32>
          %xor3A_1277 = arith.xori %or3A_1276, %add3A_1269 : vector<16xi32>
          %add3A_1278 = arith.addi %add3A_1269, %xor3A_1277 : vector<16xi32>
          %shift_left3A_1279 = arith.constant 29 : i32
          %shift_left3A_1280 = vector.broadcast %shift_left3A_1279 : i32 to vector<16xi32>
          %shift_left3A_1281 = arith.shli %xor3A_1277, %shift_left3A_1280 : vector<16xi32>
          %shift_right_logical3A_1282 = arith.constant 3 : i32
          %shift_right_logical3A_1283 = vector.broadcast %shift_right_logical3A_1282 : i32 to vector<16xi32>
          %shift_right_logical3A_1284 = arith.shrui %xor3A_1277, %shift_right_logical3A_1283 : vector<16xi32>
          %or3A_1285 = arith.ori %shift_left3A_1281, %shift_right_logical3A_1284 : vector<16xi32>
          %xor3A_1286 = arith.xori %or3A_1285, %add3A_1278 : vector<16xi32>
          %add3A_1287 = arith.addi %add3A_1278, %xor3A_1286 : vector<16xi32>
          %shift_left3A_1288 = arith.constant 16 : i32
          %shift_left3A_1289 = vector.broadcast %shift_left3A_1288 : i32 to vector<16xi32>
          %shift_left3A_1290 = arith.shli %xor3A_1286, %shift_left3A_1289 : vector<16xi32>
          %shift_right_logical3A_1291 = arith.constant 16 : i32
          %shift_right_logical3A_1292 = vector.broadcast %shift_right_logical3A_1291 : i32 to vector<16xi32>
          %shift_right_logical3A_1293 = arith.shrui %xor3A_1286, %shift_right_logical3A_1292 : vector<16xi32>
          %or3A_1294 = arith.ori %shift_left3A_1290, %shift_right_logical3A_1293 : vector<16xi32>
          %xor3A_1295 = arith.xori %or3A_1294, %add3A_1287 : vector<16xi32>
          %add3A_1296 = arith.addi %add3A_1287, %xor3A_1295 : vector<16xi32>
          %shift_left3A_1297 = arith.constant 24 : i32
          %shift_left3A_1298 = vector.broadcast %shift_left3A_1297 : i32 to vector<16xi32>
          %shift_left3A_1299 = arith.shli %xor3A_1295, %shift_left3A_1298 : vector<16xi32>
          %shift_right_logical3A_1300 = arith.constant 8 : i32
          %shift_right_logical3A_1301 = vector.broadcast %shift_right_logical3A_1300 : i32 to vector<16xi32>
          %shift_right_logical3A_1302 = arith.shrui %xor3A_1295, %shift_right_logical3A_1301 : vector<16xi32>
          %or3A_1303 = arith.ori %shift_left3A_1299, %shift_right_logical3A_1302 : vector<16xi32>
          %xor3A_1304 = arith.xori %or3A_1303, %add3A_1296 : vector<16xi32>
          %add3A_1305 = arith.constant 1234 : i32
          %add3A_1306 = vector.broadcast %add3A_1305 : i32 to vector<16xi32>
          %add3A_1307 = arith.addi %add3A_1296, %add3A_1306 : vector<16xi32>
          %add3A_1308 = arith.constant 466689804 : i32
          %add3A_1309 = vector.broadcast %add3A_1308 : i32 to vector<16xi32>
          %add3A_1310 = arith.addi %xor3A_1304, %add3A_1309 : vector<16xi32>
          %add3A_1311 = arith.addi %add3A_1307, %add3A_1310 : vector<16xi32>
          %shift_left3A_1312 = arith.constant 13 : i32
          %shift_left3A_1313 = vector.broadcast %shift_left3A_1312 : i32 to vector<16xi32>
          %shift_left3A_1314 = arith.shli %add3A_1310, %shift_left3A_1313 : vector<16xi32>
          %shift_right_logical3A_1315 = arith.constant 19 : i32
          %shift_right_logical3A_1316 = vector.broadcast %shift_right_logical3A_1315 : i32 to vector<16xi32>
          %shift_right_logical3A_1317 = arith.shrui %add3A_1310, %shift_right_logical3A_1316 : vector<16xi32>
          %or3A_1318 = arith.ori %shift_left3A_1314, %shift_right_logical3A_1317 : vector<16xi32>
          %xor3A_1319 = arith.xori %or3A_1318, %add3A_1311 : vector<16xi32>
          %add3A_1320 = arith.addi %add3A_1311, %xor3A_1319 : vector<16xi32>
          %shift_left3A_1321 = arith.constant 15 : i32
          %shift_left3A_1322 = vector.broadcast %shift_left3A_1321 : i32 to vector<16xi32>
          %shift_left3A_1323 = arith.shli %xor3A_1319, %shift_left3A_1322 : vector<16xi32>
          %shift_right_logical3A_1324 = arith.constant 17 : i32
          %shift_right_logical3A_1325 = vector.broadcast %shift_right_logical3A_1324 : i32 to vector<16xi32>
          %shift_right_logical3A_1326 = arith.shrui %xor3A_1319, %shift_right_logical3A_1325 : vector<16xi32>
          %or3A_1327 = arith.ori %shift_left3A_1323, %shift_right_logical3A_1326 : vector<16xi32>
          %xor3A_1328 = arith.xori %or3A_1327, %add3A_1320 : vector<16xi32>
          %add3A_1329 = arith.addi %add3A_1320, %xor3A_1328 : vector<16xi32>
          %shift_left3A_1330 = arith.constant 26 : i32
          %shift_left3A_1331 = vector.broadcast %shift_left3A_1330 : i32 to vector<16xi32>
          %shift_left3A_1332 = arith.shli %xor3A_1328, %shift_left3A_1331 : vector<16xi32>
          %shift_right_logical3A_1333 = arith.constant 6 : i32
          %shift_right_logical3A_1334 = vector.broadcast %shift_right_logical3A_1333 : i32 to vector<16xi32>
          %shift_right_logical3A_1335 = arith.shrui %xor3A_1328, %shift_right_logical3A_1334 : vector<16xi32>
          %or3A_1336 = arith.ori %shift_left3A_1332, %shift_right_logical3A_1335 : vector<16xi32>
          %xor3A_1337 = arith.xori %or3A_1336, %add3A_1329 : vector<16xi32>
          %add3A_1338 = arith.addi %add3A_1329, %xor3A_1337 : vector<16xi32>
          %shift_left3A_1339 = arith.constant 6 : i32
          %shift_left3A_1340 = vector.broadcast %shift_left3A_1339 : i32 to vector<16xi32>
          %shift_left3A_1341 = arith.shli %xor3A_1337, %shift_left3A_1340 : vector<16xi32>
          %shift_right_logical3A_1342 = arith.constant 26 : i32
          %shift_right_logical3A_1343 = vector.broadcast %shift_right_logical3A_1342 : i32 to vector<16xi32>
          %shift_right_logical3A_1344 = arith.shrui %xor3A_1337, %shift_right_logical3A_1343 : vector<16xi32>
          %or3A_1345 = arith.ori %shift_left3A_1341, %shift_right_logical3A_1344 : vector<16xi32>
          %xor3A_1346 = arith.xori %or3A_1345, %add3A_1338 : vector<16xi32>
          %add3A_1347 = arith.constant 466689800 : i32
          %add3A_1348 = vector.broadcast %add3A_1347 : i32 to vector<16xi32>
          %add3A_1349 = arith.addi %add3A_1338, %add3A_1348 : vector<16xi32>
          %add3A_1350 = arith.constant 5 : i32
          %add3A_1351 = vector.broadcast %add3A_1350 : i32 to vector<16xi32>
          %add3A_1352 = arith.addi %xor3A_1346, %add3A_1351 : vector<16xi32>
          %xor3A_1353 = arith.xori %add3A_1349, %add3A_1352 : vector<16xi32>
          %bitcast_convert_type3A_1354 = tpu.bitcast %xor3A_1353 : vector<16xi32> -> vector<16xi32>
          %swap3A_1355 = arith.index_cast %add3A_1140 : i32 to index
          %swap3A_1356 = tpu.vector_load %arg3[%swap3A_1355] {strides = array<i32>} : memref<1600xi32, #tpu.memory_space<vmem>>, vector<16xi32>,
          %swap3A_1357 = vector.shape_cast %swap3A_1356 : vector<16xi32> to vector<16xi32>
          %swap3A_1358 = vector.shape_cast %bitcast_convert_type3A_1354 : vector<16xi32> to vector<16xi32>
          tpu.vector_store %arg3[%swap3A_1355], %swap3A_1358 {strides = array<i32>} : memref<1600xi32, #tpu.memory_space<vmem>>, vector<16xi32>,
          %mul3A_1359 = arith.constant 160 : i32
          %mul3A_1360 = arith.muli %scan3A_31, %mul3A_1359 : i32
          %add3A_1361 = arith.constant 96 : i32
          %add3A_1362 = arith.addi %mul3A_1360, %add3A_1361 : i32
          %add3A_1363 = arith.addi %add3A_21, %add3A_1362 : i32
          %get3A_1364 = arith.constant 0 : index
          %get3A_1365 = tpu.vector_load %arg4[%get3A_1364] {strides = array<i32>} : memref<16xi32, #tpu.memory_space<vmem>>, vector<16xi32>,
          %get3A_1366 = vector.shape_cast %get3A_1365 : vector<16xi32> to vector<16xi32>
          %add3A_1367 = vector.broadcast %add3A_1363 : i32 to vector<16xi32>
          %add3A_1368 = arith.addi %add3A_1367, %get3A_1366 : vector<16xi32>
          %shift_left3A_1369 = arith.constant 13 : i32
          %shift_left3A_1370 = vector.broadcast %shift_left3A_1369 : i32 to vector<16xi32>
          %shift_left3A_1371 = arith.shli %add3A_1368, %shift_left3A_1370 : vector<16xi32>
          %shift_right_logical3A_1372 = arith.constant 19 : i32
          %shift_right_logical3A_1373 = vector.broadcast %shift_right_logical3A_1372 : i32 to vector<16xi32>
          %shift_right_logical3A_1374 = arith.shrui %add3A_1368, %shift_right_logical3A_1373 : vector<16xi32>
          %or3A_1375 = arith.ori %shift_left3A_1371, %shift_right_logical3A_1374 : vector<16xi32>
          %xor3A_1376 = arith.xori %or3A_1375, %add3A_1368 : vector<16xi32>
          %add3A_1377 = arith.addi %add3A_1368, %xor3A_1376 : vector<16xi32>
          %shift_left3A_1378 = arith.constant 15 : i32
          %shift_left3A_1379 = vector.broadcast %shift_left3A_1378 : i32 to vector<16xi32>
          %shift_left3A_1380 = arith.shli %xor3A_1376, %shift_left3A_1379 : vector<16xi32>
          %shift_right_logical3A_1381 = arith.constant 17 : i32
          %shift_right_logical3A_1382 = vector.broadcast %shift_right_logical3A_1381 : i32 to vector<16xi32>
          %shift_right_logical3A_1383 = arith.shrui %xor3A_1376, %shift_right_logical3A_1382 : vector<16xi32>
          %or3A_1384 = arith.ori %shift_left3A_1380, %shift_right_logical3A_1383 : vector<16xi32>
          %xor3A_1385 = arith.xori %or3A_1384, %add3A_1377 : vector<16xi32>
          %add3A_1386 = arith.addi %add3A_1377, %xor3A_1385 : vector<16xi32>
          %shift_left3A_1387 = arith.constant 26 : i32
          %shift_left3A_1388 = vector.broadcast %shift_left3A_1387 : i32 to vector<16xi32>
          %shift_left3A_1389 = arith.shli %xor3A_1385, %shift_left3A_1388 : vector<16xi32>
          %shift_right_logical3A_1390 = arith.constant 6 : i32
          %shift_right_logical3A_1391 = vector.broadcast %shift_right_logical3A_1390 : i32 to vector<16xi32>
          %shift_right_logical3A_1392 = arith.shrui %xor3A_1385, %shift_right_logical3A_1391 : vector<16xi32>
          %or3A_1393 = arith.ori %shift_left3A_1389, %shift_right_logical3A_1392 : vector<16xi32>
          %xor3A_1394 = arith.xori %or3A_1393, %add3A_1386 : vector<16xi32>
          %add3A_1395 = arith.addi %add3A_1386, %xor3A_1394 : vector<16xi32>
          %shift_left3A_1396 = arith.constant 6 : i32
          %shift_left3A_1397 = vector.broadcast %shift_left3A_1396 : i32 to vector<16xi32>
          %shift_left3A_1398 = arith.shli %xor3A_1394, %shift_left3A_1397 : vector<16xi32>
          %shift_right_logical3A_1399 = arith.constant 26 : i32
          %shift_right_logical3A_1400 = vector.broadcast %shift_right_logical3A_1399 : i32 to vector<16xi32>
          %shift_right_logical3A_1401 = arith.shrui %xor3A_1394, %shift_right_logical3A_1400 : vector<16xi32>
          %or3A_1402 = arith.ori %shift_left3A_1398, %shift_right_logical3A_1401 : vector<16xi32>
          %xor3A_1403 = arith.xori %or3A_1402, %add3A_1395 : vector<16xi32>
          %add3A_1404 = arith.constant 1234 : i32
          %add3A_1405 = vector.broadcast %add3A_1404 : i32 to vector<16xi32>
          %add3A_1406 = arith.addi %add3A_1395, %add3A_1405 : vector<16xi32>
          %add3A_1407 = arith.constant 466689801 : i32
          %add3A_1408 = vector.broadcast %add3A_1407 : i32 to vector<16xi32>
          %add3A_1409 = arith.addi %xor3A_1403, %add3A_1408 : vector<16xi32>
          %add3A_1410 = arith.addi %add3A_1406, %add3A_1409 : vector<16xi32>
          %shift_left3A_1411 = arith.constant 17 : i32
          %shift_left3A_1412 = vector.broadcast %shift_left3A_1411 : i32 to vector<16xi32>
          %shift_left3A_1413 = arith.shli %add3A_1409, %shift_left3A_1412 : vector<16xi32>
          %shift_right_logical3A_1414 = arith.constant 15 : i32
          %shift_right_logical3A_1415 = vector.broadcast %shift_right_logical3A_1414 : i32 to vector<16xi32>
          %shift_right_logical3A_1416 = arith.shrui %add3A_1409, %shift_right_logical3A_1415 : vector<16xi32>
          %or3A_1417 = arith.ori %shift_left3A_1413, %shift_right_logical3A_1416 : vector<16xi32>
          %xor3A_1418 = arith.xori %or3A_1417, %add3A_1410 : vector<16xi32>
          %add3A_1419 = arith.addi %add3A_1410, %xor3A_1418 : vector<16xi32>
          %shift_left3A_1420 = arith.constant 29 : i32
          %shift_left3A_1421 = vector.broadcast %shift_left3A_1420 : i32 to vector<16xi32>
          %shift_left3A_1422 = arith.shli %xor3A_1418, %shift_left3A_1421 : vector<16xi32>
          %shift_right_logical3A_1423 = arith.constant 3 : i32
          %shift_right_logical3A_1424 = vector.broadcast %shift_right_logical3A_1423 : i32 to vector<16xi32>
          %shift_right_logical3A_1425 = arith.shrui %xor3A_1418, %shift_right_logical3A_1424 : vector<16xi32>
          %or3A_1426 = arith.ori %shift_left3A_1422, %shift_right_logical3A_1425 : vector<16xi32>
          %xor3A_1427 = arith.xori %or3A_1426, %add3A_1419 : vector<16xi32>
          %add3A_1428 = arith.addi %add3A_1419, %xor3A_1427 : vector<16xi32>
          %shift_left3A_1429 = arith.constant 16 : i32
          %shift_left3A_1430 = vector.broadcast %shift_left3A_1429 : i32 to vector<16xi32>
          %shift_left3A_1431 = arith.shli %xor3A_1427, %shift_left3A_1430 : vector<16xi32>
          %shift_right_logical3A_1432 = arith.constant 16 : i32
          %shift_right_logical3A_1433 = vector.broadcast %shift_right_logical3A_1432 : i32 to vector<16xi32>
          %shift_right_logical3A_1434 = arith.shrui %xor3A_1427, %shift_right_logical3A_1433 : vector<16xi32>
          %or3A_1435 = arith.ori %shift_left3A_1431, %shift_right_logical3A_1434 : vector<16xi32>
          %xor3A_1436 = arith.xori %or3A_1435, %add3A_1428 : vector<16xi32>
          %add3A_1437 = arith.addi %add3A_1428, %xor3A_1436 : vector<16xi32>
          %shift_left3A_1438 = arith.constant 24 : i32
          %shift_left3A_1439 = vector.broadcast %shift_left3A_1438 : i32 to vector<16xi32>
          %shift_left3A_1440 = arith.shli %xor3A_1436, %shift_left3A_1439 : vector<16xi32>
          %shift_right_logical3A_1441 = arith.constant 8 : i32
          %shift_right_logical3A_1442 = vector.broadcast %shift_right_logical3A_1441 : i32 to vector<16xi32>
          %shift_right_logical3A_1443 = arith.shrui %xor3A_1436, %shift_right_logical3A_1442 : vector<16xi32>
          %or3A_1444 = arith.ori %shift_left3A_1440, %shift_right_logical3A_1443 : vector<16xi32>
          %xor3A_1445 = arith.xori %or3A_1444, %add3A_1437 : vector<16xi32>
          %add3A_1446 = arith.constant 466689800 : i32
          %add3A_1447 = vector.broadcast %add3A_1446 : i32 to vector<16xi32>
          %add3A_1448 = arith.addi %add3A_1437, %add3A_1447 : vector<16xi32>
          %add3A_1449 = arith.constant 2 : i32
          %add3A_1450 = vector.broadcast %add3A_1449 : i32 to vector<16xi32>
          %add3A_1451 = arith.addi %xor3A_1445, %add3A_1450 : vector<16xi32>
          %add3A_1452 = arith.addi %add3A_1448, %add3A_1451 : vector<16xi32>
          %shift_left3A_1453 = arith.constant 13 : i32
          %shift_left3A_1454 = vector.broadcast %shift_left3A_1453 : i32 to vector<16xi32>
          %shift_left3A_1455 = arith.shli %add3A_1451, %shift_left3A_1454 : vector<16xi32>
          %shift_right_logical3A_1456 = arith.constant 19 : i32
          %shift_right_logical3A_1457 = vector.broadcast %shift_right_logical3A_1456 : i32 to vector<16xi32>
          %shift_right_logical3A_1458 = arith.shrui %add3A_1451, %shift_right_logical3A_1457 : vector<16xi32>
          %or3A_1459 = arith.ori %shift_left3A_1455, %shift_right_logical3A_1458 : vector<16xi32>
          %xor3A_1460 = arith.xori %or3A_1459, %add3A_1452 : vector<16xi32>
          %add3A_1461 = arith.addi %add3A_1452, %xor3A_1460 : vector<16xi32>
          %shift_left3A_1462 = arith.constant 15 : i32
          %shift_left3A_1463 = vector.broadcast %shift_left3A_1462 : i32 to vector<16xi32>
          %shift_left3A_1464 = arith.shli %xor3A_1460, %shift_left3A_1463 : vector<16xi32>
          %shift_right_logical3A_1465 = arith.constant 17 : i32
          %shift_right_logical3A_1466 = vector.broadcast %shift_right_logical3A_1465 : i32 to vector<16xi32>
          %shift_right_logical3A_1467 = arith.shrui %xor3A_1460, %shift_right_logical3A_1466 : vector<16xi32>
          %or3A_1468 = arith.ori %shift_left3A_1464, %shift_right_logical3A_1467 : vector<16xi32>
          %xor3A_1469 = arith.xori %or3A_1468, %add3A_1461 : vector<16xi32>
          %add3A_1470 = arith.addi %add3A_1461, %xor3A_1469 : vector<16xi32>
          %shift_left3A_1471 = arith.constant 26 : i32
          %shift_left3A_1472 = vector.broadcast %shift_left3A_1471 : i32 to vector<16xi32>
          %shift_left3A_1473 = arith.shli %xor3A_1469, %shift_left3A_1472 : vector<16xi32>
          %shift_right_logical3A_1474 = arith.constant 6 : i32
          %shift_right_logical3A_1475 = vector.broadcast %shift_right_logical3A_1474 : i32 to vector<16xi32>
          %shift_right_logical3A_1476 = arith.shrui %xor3A_1469, %shift_right_logical3A_1475 : vector<16xi32>
          %or3A_1477 = arith.ori %shift_left3A_1473, %shift_right_logical3A_1476 : vector<16xi32>
          %xor3A_1478 = arith.xori %or3A_1477, %add3A_1470 : vector<16xi32>
          %add3A_1479 = arith.addi %add3A_1470, %xor3A_1478 : vector<16xi32>
          %shift_left3A_1480 = arith.constant 6 : i32
          %shift_left3A_1481 = vector.broadcast %shift_left3A_1480 : i32 to vector<16xi32>
          %shift_left3A_1482 = arith.shli %xor3A_1478, %shift_left3A_1481 : vector<16xi32>
          %shift_right_logical3A_1483 = arith.constant 26 : i32
          %shift_right_logical3A_1484 = vector.broadcast %shift_right_logical3A_1483 : i32 to vector<16xi32>
          %shift_right_logical3A_1485 = arith.shrui %xor3A_1478, %shift_right_logical3A_1484 : vector<16xi32>
          %or3A_1486 = arith.ori %shift_left3A_1482, %shift_right_logical3A_1485 : vector<16xi32>
          %xor3A_1487 = arith.xori %or3A_1486, %add3A_1479 : vector<16xi32>
          %add3A_1488 = arith.constant 1237 : i32
          %add3A_1489 = vector.broadcast %add3A_1488 : i32 to vector<16xi32>
          %add3A_1490 = arith.addi %xor3A_1487, %add3A_1489 : vector<16xi32>
          %add3A_1491 = arith.addi %add3A_1479, %add3A_1490 : vector<16xi32>
          %shift_left3A_1492 = arith.constant 17 : i32
          %shift_left3A_1493 = vector.broadcast %shift_left3A_1492 : i32 to vector<16xi32>
          %shift_left3A_1494 = arith.shli %add3A_1490, %shift_left3A_1493 : vector<16xi32>
          %shift_right_logical3A_1495 = arith.constant 15 : i32
          %shift_right_logical3A_1496 = vector.broadcast %shift_right_logical3A_1495 : i32 to vector<16xi32>
          %shift_right_logical3A_1497 = arith.shrui %add3A_1490, %shift_right_logical3A_1496 : vector<16xi32>
          %or3A_1498 = arith.ori %shift_left3A_1494, %shift_right_logical3A_1497 : vector<16xi32>
          %xor3A_1499 = arith.xori %or3A_1498, %add3A_1491 : vector<16xi32>
          %add3A_1500 = arith.addi %add3A_1491, %xor3A_1499 : vector<16xi32>
          %shift_left3A_1501 = arith.constant 29 : i32
          %shift_left3A_1502 = vector.broadcast %shift_left3A_1501 : i32 to vector<16xi32>
          %shift_left3A_1503 = arith.shli %xor3A_1499, %shift_left3A_1502 : vector<16xi32>
          %shift_right_logical3A_1504 = arith.constant 3 : i32
          %shift_right_logical3A_1505 = vector.broadcast %shift_right_logical3A_1504 : i32 to vector<16xi32>
          %shift_right_logical3A_1506 = arith.shrui %xor3A_1499, %shift_right_logical3A_1505 : vector<16xi32>
          %or3A_1507 = arith.ori %shift_left3A_1503, %shift_right_logical3A_1506 : vector<16xi32>
          %xor3A_1508 = arith.xori %or3A_1507, %add3A_1500 : vector<16xi32>
          %add3A_1509 = arith.addi %add3A_1500, %xor3A_1508 : vector<16xi32>
          %shift_left3A_1510 = arith.constant 16 : i32
          %shift_left3A_1511 = vector.broadcast %shift_left3A_1510 : i32 to vector<16xi32>
          %shift_left3A_1512 = arith.shli %xor3A_1508, %shift_left3A_1511 : vector<16xi32>
          %shift_right_logical3A_1513 = arith.constant 16 : i32
          %shift_right_logical3A_1514 = vector.broadcast %shift_right_logical3A_1513 : i32 to vector<16xi32>
          %shift_right_logical3A_1515 = arith.shrui %xor3A_1508, %shift_right_logical3A_1514 : vector<16xi32>
          %or3A_1516 = arith.ori %shift_left3A_1512, %shift_right_logical3A_1515 : vector<16xi32>
          %xor3A_1517 = arith.xori %or3A_1516, %add3A_1509 : vector<16xi32>
          %add3A_1518 = arith.addi %add3A_1509, %xor3A_1517 : vector<16xi32>
          %shift_left3A_1519 = arith.constant 24 : i32
          %shift_left3A_1520 = vector.broadcast %shift_left3A_1519 : i32 to vector<16xi32>
          %shift_left3A_1521 = arith.shli %xor3A_1517, %shift_left3A_1520 : vector<16xi32>
          %shift_right_logical3A_1522 = arith.constant 8 : i32
          %shift_right_logical3A_1523 = vector.broadcast %shift_right_logical3A_1522 : i32 to vector<16xi32>
          %shift_right_logical3A_1524 = arith.shrui %xor3A_1517, %shift_right_logical3A_1523 : vector<16xi32>
          %or3A_1525 = arith.ori %shift_left3A_1521, %shift_right_logical3A_1524 : vector<16xi32>
          %xor3A_1526 = arith.xori %or3A_1525, %add3A_1518 : vector<16xi32>
          %add3A_1527 = arith.constant 1234 : i32
          %add3A_1528 = vector.broadcast %add3A_1527 : i32 to vector<16xi32>
          %add3A_1529 = arith.addi %add3A_1518, %add3A_1528 : vector<16xi32>
          %add3A_1530 = arith.constant 466689804 : i32
          %add3A_1531 = vector.broadcast %add3A_1530 : i32 to vector<16xi32>
          %add3A_1532 = arith.addi %xor3A_1526, %add3A_1531 : vector<16xi32>
          %add3A_1533 = arith.addi %add3A_1529, %add3A_1532 : vector<16xi32>
          %shift_left3A_1534 = arith.constant 13 : i32
          %shift_left3A_1535 = vector.broadcast %shift_left3A_1534 : i32 to vector<16xi32>
          %shift_left3A_1536 = arith.shli %add3A_1532, %shift_left3A_1535 : vector<16xi32>
          %shift_right_logical3A_1537 = arith.constant 19 : i32
          %shift_right_logical3A_1538 = vector.broadcast %shift_right_logical3A_1537 : i32 to vector<16xi32>
          %shift_right_logical3A_1539 = arith.shrui %add3A_1532, %shift_right_logical3A_1538 : vector<16xi32>
          %or3A_1540 = arith.ori %shift_left3A_1536, %shift_right_logical3A_1539 : vector<16xi32>
          %xor3A_1541 = arith.xori %or3A_1540, %add3A_1533 : vector<16xi32>
          %add3A_1542 = arith.addi %add3A_1533, %xor3A_1541 : vector<16xi32>
          %shift_left3A_1543 = arith.constant 15 : i32
          %shift_left3A_1544 = vector.broadcast %shift_left3A_1543 : i32 to vector<16xi32>
          %shift_left3A_1545 = arith.shli %xor3A_1541, %shift_left3A_1544 : vector<16xi32>
          %shift_right_logical3A_1546 = arith.constant 17 : i32
          %shift_right_logical3A_1547 = vector.broadcast %shift_right_logical3A_1546 : i32 to vector<16xi32>
          %shift_right_logical3A_1548 = arith.shrui %xor3A_1541, %shift_right_logical3A_1547 : vector<16xi32>
          %or3A_1549 = arith.ori %shift_left3A_1545, %shift_right_logical3A_1548 : vector<16xi32>
          %xor3A_1550 = arith.xori %or3A_1549, %add3A_1542 : vector<16xi32>
          %add3A_1551 = arith.addi %add3A_1542, %xor3A_1550 : vector<16xi32>
          %shift_left3A_1552 = arith.constant 26 : i32
          %shift_left3A_1553 = vector.broadcast %shift_left3A_1552 : i32 to vector<16xi32>
          %shift_left3A_1554 = arith.shli %xor3A_1550, %shift_left3A_1553 : vector<16xi32>
          %shift_right_logical3A_1555 = arith.constant 6 : i32
          %shift_right_logical3A_1556 = vector.broadcast %shift_right_logical3A_1555 : i32 to vector<16xi32>
          %shift_right_logical3A_1557 = arith.shrui %xor3A_1550, %shift_right_logical3A_1556 : vector<16xi32>
          %or3A_1558 = arith.ori %shift_left3A_1554, %shift_right_logical3A_1557 : vector<16xi32>
          %xor3A_1559 = arith.xori %or3A_1558, %add3A_1551 : vector<16xi32>
          %add3A_1560 = arith.addi %add3A_1551, %xor3A_1559 : vector<16xi32>
          %shift_left3A_1561 = arith.constant 6 : i32
          %shift_left3A_1562 = vector.broadcast %shift_left3A_1561 : i32 to vector<16xi32>
          %shift_left3A_1563 = arith.shli %xor3A_1559, %shift_left3A_1562 : vector<16xi32>
          %shift_right_logical3A_1564 = arith.constant 26 : i32
          %shift_right_logical3A_1565 = vector.broadcast %shift_right_logical3A_1564 : i32 to vector<16xi32>
          %shift_right_logical3A_1566 = arith.shrui %xor3A_1559, %shift_right_logical3A_1565 : vector<16xi32>
          %or3A_1567 = arith.ori %shift_left3A_1563, %shift_right_logical3A_1566 : vector<16xi32>
          %xor3A_1568 = arith.xori %or3A_1567, %add3A_1560 : vector<16xi32>
          %add3A_1569 = arith.constant 466689800 : i32
          %add3A_1570 = vector.broadcast %add3A_1569 : i32 to vector<16xi32>
          %add3A_1571 = arith.addi %add3A_1560, %add3A_1570 : vector<16xi32>
          %add3A_1572 = arith.constant 5 : i32
          %add3A_1573 = vector.broadcast %add3A_1572 : i32 to vector<16xi32>
          %add3A_1574 = arith.addi %xor3A_1568, %add3A_1573 : vector<16xi32>
          %xor3A_1575 = arith.xori %add3A_1571, %add3A_1574 : vector<16xi32>
          %bitcast_convert_type3A_1576 = tpu.bitcast %xor3A_1575 : vector<16xi32> -> vector<16xi32>
          %swap3A_1577 = arith.index_cast %add3A_1362 : i32 to index
          %swap3A_1578 = tpu.vector_load %arg3[%swap3A_1577] {strides = array<i32>} : memref<1600xi32, #tpu.memory_space<vmem>>, vector<16xi32>,
          %swap3A_1579 = vector.shape_cast %swap3A_1578 : vector<16xi32> to vector<16xi32>
          %swap3A_1580 = vector.shape_cast %bitcast_convert_type3A_1576 : vector<16xi32> to vector<16xi32>
          tpu.vector_store %arg3[%swap3A_1577], %swap3A_1580 {strides = array<i32>} : memref<1600xi32, #tpu.memory_space<vmem>>, vector<16xi32>,
          %mul3A_1581 = arith.constant 160 : i32
          %mul3A_1582 = arith.muli %scan3A_31, %mul3A_1581 : i32
          %add3A_1583 = arith.constant 112 : i32
          %add3A_1584 = arith.addi %mul3A_1582, %add3A_1583 : i32
          %add3A_1585 = arith.addi %add3A_21, %add3A_1584 : i32
          %get3A_1586 = arith.constant 0 : index
          %get3A_1587 = tpu.vector_load %arg4[%get3A_1586] {strides = array<i32>} : memref<16xi32, #tpu.memory_space<vmem>>, vector<16xi32>,
          %get3A_1588 = vector.shape_cast %get3A_1587 : vector<16xi32> to vector<16xi32>
          %add3A_1589 = vector.broadcast %add3A_1585 : i32 to vector<16xi32>
          %add3A_1590 = arith.addi %add3A_1589, %get3A_1588 : vector<16xi32>
          %shift_left3A_1591 = arith.constant 13 : i32
          %shift_left3A_1592 = vector.broadcast %shift_left3A_1591 : i32 to vector<16xi32>
          %shift_left3A_1593 = arith.shli %add3A_1590, %shift_left3A_1592 : vector<16xi32>
          %shift_right_logical3A_1594 = arith.constant 19 : i32
          %shift_right_logical3A_1595 = vector.broadcast %shift_right_logical3A_1594 : i32 to vector<16xi32>
          %shift_right_logical3A_1596 = arith.shrui %add3A_1590, %shift_right_logical3A_1595 : vector<16xi32>
          %or3A_1597 = arith.ori %shift_left3A_1593, %shift_right_logical3A_1596 : vector<16xi32>
          %xor3A_1598 = arith.xori %or3A_1597, %add3A_1590 : vector<16xi32>
          %add3A_1599 = arith.addi %add3A_1590, %xor3A_1598 : vector<16xi32>
          %shift_left3A_1600 = arith.constant 15 : i32
          %shift_left3A_1601 = vector.broadcast %shift_left3A_1600 : i32 to vector<16xi32>
          %shift_left3A_1602 = arith.shli %xor3A_1598, %shift_left3A_1601 : vector<16xi32>
          %shift_right_logical3A_1603 = arith.constant 17 : i32
          %shift_right_logical3A_1604 = vector.broadcast %shift_right_logical3A_1603 : i32 to vector<16xi32>
          %shift_right_logical3A_1605 = arith.shrui %xor3A_1598, %shift_right_logical3A_1604 : vector<16xi32>
          %or3A_1606 = arith.ori %shift_left3A_1602, %shift_right_logical3A_1605 : vector<16xi32>
          %xor3A_1607 = arith.xori %or3A_1606, %add3A_1599 : vector<16xi32>
          %add3A_1608 = arith.addi %add3A_1599, %xor3A_1607 : vector<16xi32>
          %shift_left3A_1609 = arith.constant 26 : i32
          %shift_left3A_1610 = vector.broadcast %shift_left3A_1609 : i32 to vector<16xi32>
          %shift_left3A_1611 = arith.shli %xor3A_1607, %shift_left3A_1610 : vector<16xi32>
          %shift_right_logical3A_1612 = arith.constant 6 : i32
          %shift_right_logical3A_1613 = vector.broadcast %shift_right_logical3A_1612 : i32 to vector<16xi32>
          %shift_right_logical3A_1614 = arith.shrui %xor3A_1607, %shift_right_logical3A_1613 : vector<16xi32>
          %or3A_1615 = arith.ori %shift_left3A_1611, %shift_right_logical3A_1614 : vector<16xi32>
          %xor3A_1616 = arith.xori %or3A_1615, %add3A_1608 : vector<16xi32>
          %add3A_1617 = arith.addi %add3A_1608, %xor3A_1616 : vector<16xi32>
          %shift_left3A_1618 = arith.constant 6 : i32
          %shift_left3A_1619 = vector.broadcast %shift_left3A_1618 : i32 to vector<16xi32>
          %shift_left3A_1620 = arith.shli %xor3A_1616, %shift_left3A_1619 : vector<16xi32>
          %shift_right_logical3A_1621 = arith.constant 26 : i32
          %shift_right_logical3A_1622 = vector.broadcast %shift_right_logical3A_1621 : i32 to vector<16xi32>
          %shift_right_logical3A_1623 = arith.shrui %xor3A_1616, %shift_right_logical3A_1622 : vector<16xi32>
          %or3A_1624 = arith.ori %shift_left3A_1620, %shift_right_logical3A_1623 : vector<16xi32>
          %xor3A_1625 = arith.xori %or3A_1624, %add3A_1617 : vector<16xi32>
          %add3A_1626 = arith.constant 1234 : i32
          %add3A_1627 = vector.broadcast %add3A_1626 : i32 to vector<16xi32>
          %add3A_1628 = arith.addi %add3A_1617, %add3A_1627 : vector<16xi32>
          %add3A_1629 = arith.constant 466689801 : i32
          %add3A_1630 = vector.broadcast %add3A_1629 : i32 to vector<16xi32>
          %add3A_1631 = arith.addi %xor3A_1625, %add3A_1630 : vector<16xi32>
          %add3A_1632 = arith.addi %add3A_1628, %add3A_1631 : vector<16xi32>
          %shift_left3A_1633 = arith.constant 17 : i32
          %shift_left3A_1634 = vector.broadcast %shift_left3A_1633 : i32 to vector<16xi32>
          %shift_left3A_1635 = arith.shli %add3A_1631, %shift_left3A_1634 : vector<16xi32>
          %shift_right_logical3A_1636 = arith.constant 15 : i32
          %shift_right_logical3A_1637 = vector.broadcast %shift_right_logical3A_1636 : i32 to vector<16xi32>
          %shift_right_logical3A_1638 = arith.shrui %add3A_1631, %shift_right_logical3A_1637 : vector<16xi32>
          %or3A_1639 = arith.ori %shift_left3A_1635, %shift_right_logical3A_1638 : vector<16xi32>
          %xor3A_1640 = arith.xori %or3A_1639, %add3A_1632 : vector<16xi32>
          %add3A_1641 = arith.addi %add3A_1632, %xor3A_1640 : vector<16xi32>
          %shift_left3A_1642 = arith.constant 29 : i32
          %shift_left3A_1643 = vector.broadcast %shift_left3A_1642 : i32 to vector<16xi32>
          %shift_left3A_1644 = arith.shli %xor3A_1640, %shift_left3A_1643 : vector<16xi32>
          %shift_right_logical3A_1645 = arith.constant 3 : i32
          %shift_right_logical3A_1646 = vector.broadcast %shift_right_logical3A_1645 : i32 to vector<16xi32>
          %shift_right_logical3A_1647 = arith.shrui %xor3A_1640, %shift_right_logical3A_1646 : vector<16xi32>
          %or3A_1648 = arith.ori %shift_left3A_1644, %shift_right_logical3A_1647 : vector<16xi32>
          %xor3A_1649 = arith.xori %or3A_1648, %add3A_1641 : vector<16xi32>
          %add3A_1650 = arith.addi %add3A_1641, %xor3A_1649 : vector<16xi32>
          %shift_left3A_1651 = arith.constant 16 : i32
          %shift_left3A_1652 = vector.broadcast %shift_left3A_1651 : i32 to vector<16xi32>
          %shift_left3A_1653 = arith.shli %xor3A_1649, %shift_left3A_1652 : vector<16xi32>
          %shift_right_logical3A_1654 = arith.constant 16 : i32
          %shift_right_logical3A_1655 = vector.broadcast %shift_right_logical3A_1654 : i32 to vector<16xi32>
          %shift_right_logical3A_1656 = arith.shrui %xor3A_1649, %shift_right_logical3A_1655 : vector<16xi32>
          %or3A_1657 = arith.ori %shift_left3A_1653, %shift_right_logical3A_1656 : vector<16xi32>
          %xor3A_1658 = arith.xori %or3A_1657, %add3A_1650 : vector<16xi32>
          %add3A_1659 = arith.addi %add3A_1650, %xor3A_1658 : vector<16xi32>
          %shift_left3A_1660 = arith.constant 24 : i32
          %shift_left3A_1661 = vector.broadcast %shift_left3A_1660 : i32 to vector<16xi32>
          %shift_left3A_1662 = arith.shli %xor3A_1658, %shift_left3A_1661 : vector<16xi32>
          %shift_right_logical3A_1663 = arith.constant 8 : i32
          %shift_right_logical3A_1664 = vector.broadcast %shift_right_logical3A_1663 : i32 to vector<16xi32>
          %shift_right_logical3A_1665 = arith.shrui %xor3A_1658, %shift_right_logical3A_1664 : vector<16xi32>
          %or3A_1666 = arith.ori %shift_left3A_1662, %shift_right_logical3A_1665 : vector<16xi32>
          %xor3A_1667 = arith.xori %or3A_1666, %add3A_1659 : vector<16xi32>
          %add3A_1668 = arith.constant 466689800 : i32
          %add3A_1669 = vector.broadcast %add3A_1668 : i32 to vector<16xi32>
          %add3A_1670 = arith.addi %add3A_1659, %add3A_1669 : vector<16xi32>
          %add3A_1671 = arith.constant 2 : i32
          %add3A_1672 = vector.broadcast %add3A_1671 : i32 to vector<16xi32>
          %add3A_1673 = arith.addi %xor3A_1667, %add3A_1672 : vector<16xi32>
          %add3A_1674 = arith.addi %add3A_1670, %add3A_1673 : vector<16xi32>
          %shift_left3A_1675 = arith.constant 13 : i32
          %shift_left3A_1676 = vector.broadcast %shift_left3A_1675 : i32 to vector<16xi32>
          %shift_left3A_1677 = arith.shli %add3A_1673, %shift_left3A_1676 : vector<16xi32>
          %shift_right_logical3A_1678 = arith.constant 19 : i32
          %shift_right_logical3A_1679 = vector.broadcast %shift_right_logical3A_1678 : i32 to vector<16xi32>
          %shift_right_logical3A_1680 = arith.shrui %add3A_1673, %shift_right_logical3A_1679 : vector<16xi32>
          %or3A_1681 = arith.ori %shift_left3A_1677, %shift_right_logical3A_1680 : vector<16xi32>
          %xor3A_1682 = arith.xori %or3A_1681, %add3A_1674 : vector<16xi32>
          %add3A_1683 = arith.addi %add3A_1674, %xor3A_1682 : vector<16xi32>
          %shift_left3A_1684 = arith.constant 15 : i32
          %shift_left3A_1685 = vector.broadcast %shift_left3A_1684 : i32 to vector<16xi32>
          %shift_left3A_1686 = arith.shli %xor3A_1682, %shift_left3A_1685 : vector<16xi32>
          %shift_right_logical3A_1687 = arith.constant 17 : i32
          %shift_right_logical3A_1688 = vector.broadcast %shift_right_logical3A_1687 : i32 to vector<16xi32>
          %shift_right_logical3A_1689 = arith.shrui %xor3A_1682, %shift_right_logical3A_1688 : vector<16xi32>
          %or3A_1690 = arith.ori %shift_left3A_1686, %shift_right_logical3A_1689 : vector<16xi32>
          %xor3A_1691 = arith.xori %or3A_1690, %add3A_1683 : vector<16xi32>
          %add3A_1692 = arith.addi %add3A_1683, %xor3A_1691 : vector<16xi32>
          %shift_left3A_1693 = arith.constant 26 : i32
          %shift_left3A_1694 = vector.broadcast %shift_left3A_1693 : i32 to vector<16xi32>
          %shift_left3A_1695 = arith.shli %xor3A_1691, %shift_left3A_1694 : vector<16xi32>
          %shift_right_logical3A_1696 = arith.constant 6 : i32
          %shift_right_logical3A_1697 = vector.broadcast %shift_right_logical3A_1696 : i32 to vector<16xi32>
          %shift_right_logical3A_1698 = arith.shrui %xor3A_1691, %shift_right_logical3A_1697 : vector<16xi32>
          %or3A_1699 = arith.ori %shift_left3A_1695, %shift_right_logical3A_1698 : vector<16xi32>
          %xor3A_1700 = arith.xori %or3A_1699, %add3A_1692 : vector<16xi32>
          %add3A_1701 = arith.addi %add3A_1692, %xor3A_1700 : vector<16xi32>
          %shift_left3A_1702 = arith.constant 6 : i32
          %shift_left3A_1703 = vector.broadcast %shift_left3A_1702 : i32 to vector<16xi32>
          %shift_left3A_1704 = arith.shli %xor3A_1700, %shift_left3A_1703 : vector<16xi32>
          %shift_right_logical3A_1705 = arith.constant 26 : i32
          %shift_right_logical3A_1706 = vector.broadcast %shift_right_logical3A_1705 : i32 to vector<16xi32>
          %shift_right_logical3A_1707 = arith.shrui %xor3A_1700, %shift_right_logical3A_1706 : vector<16xi32>
          %or3A_1708 = arith.ori %shift_left3A_1704, %shift_right_logical3A_1707 : vector<16xi32>
          %xor3A_1709 = arith.xori %or3A_1708, %add3A_1701 : vector<16xi32>
          %add3A_1710 = arith.constant 1237 : i32
          %add3A_1711 = vector.broadcast %add3A_1710 : i32 to vector<16xi32>
          %add3A_1712 = arith.addi %xor3A_1709, %add3A_1711 : vector<16xi32>
          %add3A_1713 = arith.addi %add3A_1701, %add3A_1712 : vector<16xi32>
          %shift_left3A_1714 = arith.constant 17 : i32
          %shift_left3A_1715 = vector.broadcast %shift_left3A_1714 : i32 to vector<16xi32>
          %shift_left3A_1716 = arith.shli %add3A_1712, %shift_left3A_1715 : vector<16xi32>
          %shift_right_logical3A_1717 = arith.constant 15 : i32
          %shift_right_logical3A_1718 = vector.broadcast %shift_right_logical3A_1717 : i32 to vector<16xi32>
          %shift_right_logical3A_1719 = arith.shrui %add3A_1712, %shift_right_logical3A_1718 : vector<16xi32>
          %or3A_1720 = arith.ori %shift_left3A_1716, %shift_right_logical3A_1719 : vector<16xi32>
          %xor3A_1721 = arith.xori %or3A_1720, %add3A_1713 : vector<16xi32>
          %add3A_1722 = arith.addi %add3A_1713, %xor3A_1721 : vector<16xi32>
          %shift_left3A_1723 = arith.constant 29 : i32
          %shift_left3A_1724 = vector.broadcast %shift_left3A_1723 : i32 to vector<16xi32>
          %shift_left3A_1725 = arith.shli %xor3A_1721, %shift_left3A_1724 : vector<16xi32>
          %shift_right_logical3A_1726 = arith.constant 3 : i32
          %shift_right_logical3A_1727 = vector.broadcast %shift_right_logical3A_1726 : i32 to vector<16xi32>
          %shift_right_logical3A_1728 = arith.shrui %xor3A_1721, %shift_right_logical3A_1727 : vector<16xi32>
          %or3A_1729 = arith.ori %shift_left3A_1725, %shift_right_logical3A_1728 : vector<16xi32>
          %xor3A_1730 = arith.xori %or3A_1729, %add3A_1722 : vector<16xi32>
          %add3A_1731 = arith.addi %add3A_1722, %xor3A_1730 : vector<16xi32>
          %shift_left3A_1732 = arith.constant 16 : i32
          %shift_left3A_1733 = vector.broadcast %shift_left3A_1732 : i32 to vector<16xi32>
          %shift_left3A_1734 = arith.shli %xor3A_1730, %shift_left3A_1733 : vector<16xi32>
          %shift_right_logical3A_1735 = arith.constant 16 : i32
          %shift_right_logical3A_1736 = vector.broadcast %shift_right_logical3A_1735 : i32 to vector<16xi32>
          %shift_right_logical3A_1737 = arith.shrui %xor3A_1730, %shift_right_logical3A_1736 : vector<16xi32>
          %or3A_1738 = arith.ori %shift_left3A_1734, %shift_right_logical3A_1737 : vector<16xi32>
          %xor3A_1739 = arith.xori %or3A_1738, %add3A_1731 : vector<16xi32>
          %add3A_1740 = arith.addi %add3A_1731, %xor3A_1739 : vector<16xi32>
          %shift_left3A_1741 = arith.constant 24 : i32
          %shift_left3A_1742 = vector.broadcast %shift_left3A_1741 : i32 to vector<16xi32>
          %shift_left3A_1743 = arith.shli %xor3A_1739, %shift_left3A_1742 : vector<16xi32>
          %shift_right_logical3A_1744 = arith.constant 8 : i32
          %shift_right_logical3A_1745 = vector.broadcast %shift_right_logical3A_1744 : i32 to vector<16xi32>
          %shift_right_logical3A_1746 = arith.shrui %xor3A_1739, %shift_right_logical3A_1745 : vector<16xi32>
          %or3A_1747 = arith.ori %shift_left3A_1743, %shift_right_logical3A_1746 : vector<16xi32>
          %xor3A_1748 = arith.xori %or3A_1747, %add3A_1740 : vector<16xi32>
          %add3A_1749 = arith.constant 1234 : i32
          %add3A_1750 = vector.broadcast %add3A_1749 : i32 to vector<16xi32>
          %add3A_1751 = arith.addi %add3A_1740, %add3A_1750 : vector<16xi32>
          %add3A_1752 = arith.constant 466689804 : i32
          %add3A_1753 = vector.broadcast %add3A_1752 : i32 to vector<16xi32>
          %add3A_1754 = arith.addi %xor3A_1748, %add3A_1753 : vector<16xi32>
          %add3A_1755 = arith.addi %add3A_1751, %add3A_1754 : vector<16xi32>
          %shift_left3A_1756 = arith.constant 13 : i32
          %shift_left3A_1757 = vector.broadcast %shift_left3A_1756 : i32 to vector<16xi32>
          %shift_left3A_1758 = arith.shli %add3A_1754, %shift_left3A_1757 : vector<16xi32>
          %shift_right_logical3A_1759 = arith.constant 19 : i32
          %shift_right_logical3A_1760 = vector.broadcast %shift_right_logical3A_1759 : i32 to vector<16xi32>
          %shift_right_logical3A_1761 = arith.shrui %add3A_1754, %shift_right_logical3A_1760 : vector<16xi32>
          %or3A_1762 = arith.ori %shift_left3A_1758, %shift_right_logical3A_1761 : vector<16xi32>
          %xor3A_1763 = arith.xori %or3A_1762, %add3A_1755 : vector<16xi32>
          %add3A_1764 = arith.addi %add3A_1755, %xor3A_1763 : vector<16xi32>
          %shift_left3A_1765 = arith.constant 15 : i32
          %shift_left3A_1766 = vector.broadcast %shift_left3A_1765 : i32 to vector<16xi32>
          %shift_left3A_1767 = arith.shli %xor3A_1763, %shift_left3A_1766 : vector<16xi32>
          %shift_right_logical3A_1768 = arith.constant 17 : i32
          %shift_right_logical3A_1769 = vector.broadcast %shift_right_logical3A_1768 : i32 to vector<16xi32>
          %shift_right_logical3A_1770 = arith.shrui %xor3A_1763, %shift_right_logical3A_1769 : vector<16xi32>
          %or3A_1771 = arith.ori %shift_left3A_1767, %shift_right_logical3A_1770 : vector<16xi32>
          %xor3A_1772 = arith.xori %or3A_1771, %add3A_1764 : vector<16xi32>
          %add3A_1773 = arith.addi %add3A_1764, %xor3A_1772 : vector<16xi32>
          %shift_left3A_1774 = arith.constant 26 : i32
          %shift_left3A_1775 = vector.broadcast %shift_left3A_1774 : i32 to vector<16xi32>
          %shift_left3A_1776 = arith.shli %xor3A_1772, %shift_left3A_1775 : vector<16xi32>
          %shift_right_logical3A_1777 = arith.constant 6 : i32
          %shift_right_logical3A_1778 = vector.broadcast %shift_right_logical3A_1777 : i32 to vector<16xi32>
          %shift_right_logical3A_1779 = arith.shrui %xor3A_1772, %shift_right_logical3A_1778 : vector<16xi32>
          %or3A_1780 = arith.ori %shift_left3A_1776, %shift_right_logical3A_1779 : vector<16xi32>
          %xor3A_1781 = arith.xori %or3A_1780, %add3A_1773 : vector<16xi32>
          %add3A_1782 = arith.addi %add3A_1773, %xor3A_1781 : vector<16xi32>
          %shift_left3A_1783 = arith.constant 6 : i32
          %shift_left3A_1784 = vector.broadcast %shift_left3A_1783 : i32 to vector<16xi32>
          %shift_left3A_1785 = arith.shli %xor3A_1781, %shift_left3A_1784 : vector<16xi32>
          %shift_right_logical3A_1786 = arith.constant 26 : i32
          %shift_right_logical3A_1787 = vector.broadcast %shift_right_logical3A_1786 : i32 to vector<16xi32>
          %shift_right_logical3A_1788 = arith.shrui %xor3A_1781, %shift_right_logical3A_1787 : vector<16xi32>
          %or3A_1789 = arith.ori %shift_left3A_1785, %shift_right_logical3A_1788 : vector<16xi32>
          %xor3A_1790 = arith.xori %or3A_1789, %add3A_1782 : vector<16xi32>
          %add3A_1791 = arith.constant 466689800 : i32
          %add3A_1792 = vector.broadcast %add3A_1791 : i32 to vector<16xi32>
          %add3A_1793 = arith.addi %add3A_1782, %add3A_1792 : vector<16xi32>
          %add3A_1794 = arith.constant 5 : i32
          %add3A_1795 = vector.broadcast %add3A_1794 : i32 to vector<16xi32>
          %add3A_1796 = arith.addi %xor3A_1790, %add3A_1795 : vector<16xi32>
          %xor3A_1797 = arith.xori %add3A_1793, %add3A_1796 : vector<16xi32>
          %bitcast_convert_type3A_1798 = tpu.bitcast %xor3A_1797 : vector<16xi32> -> vector<16xi32>
          %swap3A_1799 = arith.index_cast %add3A_1584 : i32 to index
          %swap3A_1800 = tpu.vector_load %arg3[%swap3A_1799] {strides = array<i32>} : memref<1600xi32, #tpu.memory_space<vmem>>, vector<16xi32>,
          %swap3A_1801 = vector.shape_cast %swap3A_1800 : vector<16xi32> to vector<16xi32>
          %swap3A_1802 = vector.shape_cast %bitcast_convert_type3A_1798 : vector<16xi32> to vector<16xi32>
          tpu.vector_store %arg3[%swap3A_1799], %swap3A_1802 {strides = array<i32>} : memref<1600xi32, #tpu.memory_space<vmem>>, vector<16xi32>,
          %mul3A_1803 = arith.constant 160 : i32
          %mul3A_1804 = arith.muli %scan3A_31, %mul3A_1803 : i32
          %add3A_1805 = arith.constant 128 : i32
          %add3A_1806 = arith.addi %mul3A_1804, %add3A_1805 : i32
          %add3A_1807 = arith.addi %add3A_21, %add3A_1806 : i32
          %get3A_1808 = arith.constant 0 : index
          %get3A_1809 = tpu.vector_load %arg4[%get3A_1808] {strides = array<i32>} : memref<16xi32, #tpu.memory_space<vmem>>, vector<16xi32>,
          %get3A_1810 = vector.shape_cast %get3A_1809 : vector<16xi32> to vector<16xi32>
          %add3A_1811 = vector.broadcast %add3A_1807 : i32 to vector<16xi32>
          %add3A_1812 = arith.addi %add3A_1811, %get3A_1810 : vector<16xi32>
          %shift_left3A_1813 = arith.constant 13 : i32
          %shift_left3A_1814 = vector.broadcast %shift_left3A_1813 : i32 to vector<16xi32>
          %shift_left3A_1815 = arith.shli %add3A_1812, %shift_left3A_1814 : vector<16xi32>
          %shift_right_logical3A_1816 = arith.constant 19 : i32
          %shift_right_logical3A_1817 = vector.broadcast %shift_right_logical3A_1816 : i32 to vector<16xi32>
          %shift_right_logical3A_1818 = arith.shrui %add3A_1812, %shift_right_logical3A_1817 : vector<16xi32>
          %or3A_1819 = arith.ori %shift_left3A_1815, %shift_right_logical3A_1818 : vector<16xi32>
          %xor3A_1820 = arith.xori %or3A_1819, %add3A_1812 : vector<16xi32>
          %add3A_1821 = arith.addi %add3A_1812, %xor3A_1820 : vector<16xi32>
          %shift_left3A_1822 = arith.constant 15 : i32
          %shift_left3A_1823 = vector.broadcast %shift_left3A_1822 : i32 to vector<16xi32>
          %shift_left3A_1824 = arith.shli %xor3A_1820, %shift_left3A_1823 : vector<16xi32>
          %shift_right_logical3A_1825 = arith.constant 17 : i32
          %shift_right_logical3A_1826 = vector.broadcast %shift_right_logical3A_1825 : i32 to vector<16xi32>
          %shift_right_logical3A_1827 = arith.shrui %xor3A_1820, %shift_right_logical3A_1826 : vector<16xi32>
          %or3A_1828 = arith.ori %shift_left3A_1824, %shift_right_logical3A_1827 : vector<16xi32>
          %xor3A_1829 = arith.xori %or3A_1828, %add3A_1821 : vector<16xi32>
          %add3A_1830 = arith.addi %add3A_1821, %xor3A_1829 : vector<16xi32>
          %shift_left3A_1831 = arith.constant 26 : i32
          %shift_left3A_1832 = vector.broadcast %shift_left3A_1831 : i32 to vector<16xi32>
          %shift_left3A_1833 = arith.shli %xor3A_1829, %shift_left3A_1832 : vector<16xi32>
          %shift_right_logical3A_1834 = arith.constant 6 : i32
          %shift_right_logical3A_1835 = vector.broadcast %shift_right_logical3A_1834 : i32 to vector<16xi32>
          %shift_right_logical3A_1836 = arith.shrui %xor3A_1829, %shift_right_logical3A_1835 : vector<16xi32>
          %or3A_1837 = arith.ori %shift_left3A_1833, %shift_right_logical3A_1836 : vector<16xi32>
          %xor3A_1838 = arith.xori %or3A_1837, %add3A_1830 : vector<16xi32>
          %add3A_1839 = arith.addi %add3A_1830, %xor3A_1838 : vector<16xi32>
          %shift_left3A_1840 = arith.constant 6 : i32
          %shift_left3A_1841 = vector.broadcast %shift_left3A_1840 : i32 to vector<16xi32>
          %shift_left3A_1842 = arith.shli %xor3A_1838, %shift_left3A_1841 : vector<16xi32>
          %shift_right_logical3A_1843 = arith.constant 26 : i32
          %shift_right_logical3A_1844 = vector.broadcast %shift_right_logical3A_1843 : i32 to vector<16xi32>
          %shift_right_logical3A_1845 = arith.shrui %xor3A_1838, %shift_right_logical3A_1844 : vector<16xi32>
          %or3A_1846 = arith.ori %shift_left3A_1842, %shift_right_logical3A_1845 : vector<16xi32>
          %xor3A_1847 = arith.xori %or3A_1846, %add3A_1839 : vector<16xi32>
          %add3A_1848 = arith.constant 1234 : i32
          %add3A_1849 = vector.broadcast %add3A_1848 : i32 to vector<16xi32>
          %add3A_1850 = arith.addi %add3A_1839, %add3A_1849 : vector<16xi32>
          %add3A_1851 = arith.constant 466689801 : i32
          %add3A_1852 = vector.broadcast %add3A_1851 : i32 to vector<16xi32>
          %add3A_1853 = arith.addi %xor3A_1847, %add3A_1852 : vector<16xi32>
          %add3A_1854 = arith.addi %add3A_1850, %add3A_1853 : vector<16xi32>
          %shift_left3A_1855 = arith.constant 17 : i32
          %shift_left3A_1856 = vector.broadcast %shift_left3A_1855 : i32 to vector<16xi32>
          %shift_left3A_1857 = arith.shli %add3A_1853, %shift_left3A_1856 : vector<16xi32>
          %shift_right_logical3A_1858 = arith.constant 15 : i32
          %shift_right_logical3A_1859 = vector.broadcast %shift_right_logical3A_1858 : i32 to vector<16xi32>
          %shift_right_logical3A_1860 = arith.shrui %add3A_1853, %shift_right_logical3A_1859 : vector<16xi32>
          %or3A_1861 = arith.ori %shift_left3A_1857, %shift_right_logical3A_1860 : vector<16xi32>
          %xor3A_1862 = arith.xori %or3A_1861, %add3A_1854 : vector<16xi32>
          %add3A_1863 = arith.addi %add3A_1854, %xor3A_1862 : vector<16xi32>
          %shift_left3A_1864 = arith.constant 29 : i32
          %shift_left3A_1865 = vector.broadcast %shift_left3A_1864 : i32 to vector<16xi32>
          %shift_left3A_1866 = arith.shli %xor3A_1862, %shift_left3A_1865 : vector<16xi32>
          %shift_right_logical3A_1867 = arith.constant 3 : i32
          %shift_right_logical3A_1868 = vector.broadcast %shift_right_logical3A_1867 : i32 to vector<16xi32>
          %shift_right_logical3A_1869 = arith.shrui %xor3A_1862, %shift_right_logical3A_1868 : vector<16xi32>
          %or3A_1870 = arith.ori %shift_left3A_1866, %shift_right_logical3A_1869 : vector<16xi32>
          %xor3A_1871 = arith.xori %or3A_1870, %add3A_1863 : vector<16xi32>
          %add3A_1872 = arith.addi %add3A_1863, %xor3A_1871 : vector<16xi32>
          %shift_left3A_1873 = arith.constant 16 : i32
          %shift_left3A_1874 = vector.broadcast %shift_left3A_1873 : i32 to vector<16xi32>
          %shift_left3A_1875 = arith.shli %xor3A_1871, %shift_left3A_1874 : vector<16xi32>
          %shift_right_logical3A_1876 = arith.constant 16 : i32
          %shift_right_logical3A_1877 = vector.broadcast %shift_right_logical3A_1876 : i32 to vector<16xi32>
          %shift_right_logical3A_1878 = arith.shrui %xor3A_1871, %shift_right_logical3A_1877 : vector<16xi32>
          %or3A_1879 = arith.ori %shift_left3A_1875, %shift_right_logical3A_1878 : vector<16xi32>
          %xor3A_1880 = arith.xori %or3A_1879, %add3A_1872 : vector<16xi32>
          %add3A_1881 = arith.addi %add3A_1872, %xor3A_1880 : vector<16xi32>
          %shift_left3A_1882 = arith.constant 24 : i32
          %shift_left3A_1883 = vector.broadcast %shift_left3A_1882 : i32 to vector<16xi32>
          %shift_left3A_1884 = arith.shli %xor3A_1880, %shift_left3A_1883 : vector<16xi32>
          %shift_right_logical3A_1885 = arith.constant 8 : i32
          %shift_right_logical3A_1886 = vector.broadcast %shift_right_logical3A_1885 : i32 to vector<16xi32>
          %shift_right_logical3A_1887 = arith.shrui %xor3A_1880, %shift_right_logical3A_1886 : vector<16xi32>
          %or3A_1888 = arith.ori %shift_left3A_1884, %shift_right_logical3A_1887 : vector<16xi32>
          %xor3A_1889 = arith.xori %or3A_1888, %add3A_1881 : vector<16xi32>
          %add3A_1890 = arith.constant 466689800 : i32
          %add3A_1891 = vector.broadcast %add3A_1890 : i32 to vector<16xi32>
          %add3A_1892 = arith.addi %add3A_1881, %add3A_1891 : vector<16xi32>
          %add3A_1893 = arith.constant 2 : i32
          %add3A_1894 = vector.broadcast %add3A_1893 : i32 to vector<16xi32>
          %add3A_1895 = arith.addi %xor3A_1889, %add3A_1894 : vector<16xi32>
          %add3A_1896 = arith.addi %add3A_1892, %add3A_1895 : vector<16xi32>
          %shift_left3A_1897 = arith.constant 13 : i32
          %shift_left3A_1898 = vector.broadcast %shift_left3A_1897 : i32 to vector<16xi32>
          %shift_left3A_1899 = arith.shli %add3A_1895, %shift_left3A_1898 : vector<16xi32>
          %shift_right_logical3A_1900 = arith.constant 19 : i32
          %shift_right_logical3A_1901 = vector.broadcast %shift_right_logical3A_1900 : i32 to vector<16xi32>
          %shift_right_logical3A_1902 = arith.shrui %add3A_1895, %shift_right_logical3A_1901 : vector<16xi32>
          %or3A_1903 = arith.ori %shift_left3A_1899, %shift_right_logical3A_1902 : vector<16xi32>
          %xor3A_1904 = arith.xori %or3A_1903, %add3A_1896 : vector<16xi32>
          %add3A_1905 = arith.addi %add3A_1896, %xor3A_1904 : vector<16xi32>
          %shift_left3A_1906 = arith.constant 15 : i32
          %shift_left3A_1907 = vector.broadcast %shift_left3A_1906 : i32 to vector<16xi32>
          %shift_left3A_1908 = arith.shli %xor3A_1904, %shift_left3A_1907 : vector<16xi32>
          %shift_right_logical3A_1909 = arith.constant 17 : i32
          %shift_right_logical3A_1910 = vector.broadcast %shift_right_logical3A_1909 : i32 to vector<16xi32>
          %shift_right_logical3A_1911 = arith.shrui %xor3A_1904, %shift_right_logical3A_1910 : vector<16xi32>
          %or3A_1912 = arith.ori %shift_left3A_1908, %shift_right_logical3A_1911 : vector<16xi32>
          %xor3A_1913 = arith.xori %or3A_1912, %add3A_1905 : vector<16xi32>
          %add3A_1914 = arith.addi %add3A_1905, %xor3A_1913 : vector<16xi32>
          %shift_left3A_1915 = arith.constant 26 : i32
          %shift_left3A_1916 = vector.broadcast %shift_left3A_1915 : i32 to vector<16xi32>
          %shift_left3A_1917 = arith.shli %xor3A_1913, %shift_left3A_1916 : vector<16xi32>
          %shift_right_logical3A_1918 = arith.constant 6 : i32
          %shift_right_logical3A_1919 = vector.broadcast %shift_right_logical3A_1918 : i32 to vector<16xi32>
          %shift_right_logical3A_1920 = arith.shrui %xor3A_1913, %shift_right_logical3A_1919 : vector<16xi32>
          %or3A_1921 = arith.ori %shift_left3A_1917, %shift_right_logical3A_1920 : vector<16xi32>
          %xor3A_1922 = arith.xori %or3A_1921, %add3A_1914 : vector<16xi32>
          %add3A_1923 = arith.addi %add3A_1914, %xor3A_1922 : vector<16xi32>
          %shift_left3A_1924 = arith.constant 6 : i32
          %shift_left3A_1925 = vector.broadcast %shift_left3A_1924 : i32 to vector<16xi32>
          %shift_left3A_1926 = arith.shli %xor3A_1922, %shift_left3A_1925 : vector<16xi32>
          %shift_right_logical3A_1927 = arith.constant 26 : i32
          %shift_right_logical3A_1928 = vector.broadcast %shift_right_logical3A_1927 : i32 to vector<16xi32>
          %shift_right_logical3A_1929 = arith.shrui %xor3A_1922, %shift_right_logical3A_1928 : vector<16xi32>
          %or3A_1930 = arith.ori %shift_left3A_1926, %shift_right_logical3A_1929 : vector<16xi32>
          %xor3A_1931 = arith.xori %or3A_1930, %add3A_1923 : vector<16xi32>
          %add3A_1932 = arith.constant 1237 : i32
          %add3A_1933 = vector.broadcast %add3A_1932 : i32 to vector<16xi32>
          %add3A_1934 = arith.addi %xor3A_1931, %add3A_1933 : vector<16xi32>
          %add3A_1935 = arith.addi %add3A_1923, %add3A_1934 : vector<16xi32>
          %shift_left3A_1936 = arith.constant 17 : i32
          %shift_left3A_1937 = vector.broadcast %shift_left3A_1936 : i32 to vector<16xi32>
          %shift_left3A_1938 = arith.shli %add3A_1934, %shift_left3A_1937 : vector<16xi32>
          %shift_right_logical3A_1939 = arith.constant 15 : i32
          %shift_right_logical3A_1940 = vector.broadcast %shift_right_logical3A_1939 : i32 to vector<16xi32>
          %shift_right_logical3A_1941 = arith.shrui %add3A_1934, %shift_right_logical3A_1940 : vector<16xi32>
          %or3A_1942 = arith.ori %shift_left3A_1938, %shift_right_logical3A_1941 : vector<16xi32>
          %xor3A_1943 = arith.xori %or3A_1942, %add3A_1935 : vector<16xi32>
          %add3A_1944 = arith.addi %add3A_1935, %xor3A_1943 : vector<16xi32>
          %shift_left3A_1945 = arith.constant 29 : i32
          %shift_left3A_1946 = vector.broadcast %shift_left3A_1945 : i32 to vector<16xi32>
          %shift_left3A_1947 = arith.shli %xor3A_1943, %shift_left3A_1946 : vector<16xi32>
          %shift_right_logical3A_1948 = arith.constant 3 : i32
          %shift_right_logical3A_1949 = vector.broadcast %shift_right_logical3A_1948 : i32 to vector<16xi32>
          %shift_right_logical3A_1950 = arith.shrui %xor3A_1943, %shift_right_logical3A_1949 : vector<16xi32>
          %or3A_1951 = arith.ori %shift_left3A_1947, %shift_right_logical3A_1950 : vector<16xi32>
          %xor3A_1952 = arith.xori %or3A_1951, %add3A_1944 : vector<16xi32>
          %add3A_1953 = arith.addi %add3A_1944, %xor3A_1952 : vector<16xi32>
          %shift_left3A_1954 = arith.constant 16 : i32
          %shift_left3A_1955 = vector.broadcast %shift_left3A_1954 : i32 to vector<16xi32>
          %shift_left3A_1956 = arith.shli %xor3A_1952, %shift_left3A_1955 : vector<16xi32>
          %shift_right_logical3A_1957 = arith.constant 16 : i32
          %shift_right_logical3A_1958 = vector.broadcast %shift_right_logical3A_1957 : i32 to vector<16xi32>
          %shift_right_logical3A_1959 = arith.shrui %xor3A_1952, %shift_right_logical3A_1958 : vector<16xi32>
          %or3A_1960 = arith.ori %shift_left3A_1956, %shift_right_logical3A_1959 : vector<16xi32>
          %xor3A_1961 = arith.xori %or3A_1960, %add3A_1953 : vector<16xi32>
          %add3A_1962 = arith.addi %add3A_1953, %xor3A_1961 : vector<16xi32>
          %shift_left3A_1963 = arith.constant 24 : i32
          %shift_left3A_1964 = vector.broadcast %shift_left3A_1963 : i32 to vector<16xi32>
          %shift_left3A_1965 = arith.shli %xor3A_1961, %shift_left3A_1964 : vector<16xi32>
          %shift_right_logical3A_1966 = arith.constant 8 : i32
          %shift_right_logical3A_1967 = vector.broadcast %shift_right_logical3A_1966 : i32 to vector<16xi32>
          %shift_right_logical3A_1968 = arith.shrui %xor3A_1961, %shift_right_logical3A_1967 : vector<16xi32>
          %or3A_1969 = arith.ori %shift_left3A_1965, %shift_right_logical3A_1968 : vector<16xi32>
          %xor3A_1970 = arith.xori %or3A_1969, %add3A_1962 : vector<16xi32>
          %add3A_1971 = arith.constant 1234 : i32
          %add3A_1972 = vector.broadcast %add3A_1971 : i32 to vector<16xi32>
          %add3A_1973 = arith.addi %add3A_1962, %add3A_1972 : vector<16xi32>
          %add3A_1974 = arith.constant 466689804 : i32
          %add3A_1975 = vector.broadcast %add3A_1974 : i32 to vector<16xi32>
          %add3A_1976 = arith.addi %xor3A_1970, %add3A_1975 : vector<16xi32>
          %add3A_1977 = arith.addi %add3A_1973, %add3A_1976 : vector<16xi32>
          %shift_left3A_1978 = arith.constant 13 : i32
          %shift_left3A_1979 = vector.broadcast %shift_left3A_1978 : i32 to vector<16xi32>
          %shift_left3A_1980 = arith.shli %add3A_1976, %shift_left3A_1979 : vector<16xi32>
          %shift_right_logical3A_1981 = arith.constant 19 : i32
          %shift_right_logical3A_1982 = vector.broadcast %shift_right_logical3A_1981 : i32 to vector<16xi32>
          %shift_right_logical3A_1983 = arith.shrui %add3A_1976, %shift_right_logical3A_1982 : vector<16xi32>
          %or3A_1984 = arith.ori %shift_left3A_1980, %shift_right_logical3A_1983 : vector<16xi32>
          %xor3A_1985 = arith.xori %or3A_1984, %add3A_1977 : vector<16xi32>
          %add3A_1986 = arith.addi %add3A_1977, %xor3A_1985 : vector<16xi32>
          %shift_left3A_1987 = arith.constant 15 : i32
          %shift_left3A_1988 = vector.broadcast %shift_left3A_1987 : i32 to vector<16xi32>
          %shift_left3A_1989 = arith.shli %xor3A_1985, %shift_left3A_1988 : vector<16xi32>
          %shift_right_logical3A_1990 = arith.constant 17 : i32
          %shift_right_logical3A_1991 = vector.broadcast %shift_right_logical3A_1990 : i32 to vector<16xi32>
          %shift_right_logical3A_1992 = arith.shrui %xor3A_1985, %shift_right_logical3A_1991 : vector<16xi32>
          %or3A_1993 = arith.ori %shift_left3A_1989, %shift_right_logical3A_1992 : vector<16xi32>
          %xor3A_1994 = arith.xori %or3A_1993, %add3A_1986 : vector<16xi32>
          %add3A_1995 = arith.addi %add3A_1986, %xor3A_1994 : vector<16xi32>
          %shift_left3A_1996 = arith.constant 26 : i32
          %shift_left3A_1997 = vector.broadcast %shift_left3A_1996 : i32 to vector<16xi32>
          %shift_left3A_1998 = arith.shli %xor3A_1994, %shift_left3A_1997 : vector<16xi32>
          %shift_right_logical3A_1999 = arith.constant 6 : i32
          %shift_right_logical3A_2000 = vector.broadcast %shift_right_logical3A_1999 : i32 to vector<16xi32>
          %shift_right_logical3A_2001 = arith.shrui %xor3A_1994, %shift_right_logical3A_2000 : vector<16xi32>
          %or3A_2002 = arith.ori %shift_left3A_1998, %shift_right_logical3A_2001 : vector<16xi32>
          %xor3A_2003 = arith.xori %or3A_2002, %add3A_1995 : vector<16xi32>
          %add3A_2004 = arith.addi %add3A_1995, %xor3A_2003 : vector<16xi32>
          %shift_left3A_2005 = arith.constant 6 : i32
          %shift_left3A_2006 = vector.broadcast %shift_left3A_2005 : i32 to vector<16xi32>
          %shift_left3A_2007 = arith.shli %xor3A_2003, %shift_left3A_2006 : vector<16xi32>
          %shift_right_logical3A_2008 = arith.constant 26 : i32
          %shift_right_logical3A_2009 = vector.broadcast %shift_right_logical3A_2008 : i32 to vector<16xi32>
          %shift_right_logical3A_2010 = arith.shrui %xor3A_2003, %shift_right_logical3A_2009 : vector<16xi32>
          %or3A_2011 = arith.ori %shift_left3A_2007, %shift_right_logical3A_2010 : vector<16xi32>
          %xor3A_2012 = arith.xori %or3A_2011, %add3A_2004 : vector<16xi32>
          %add3A_2013 = arith.constant 466689800 : i32
          %add3A_2014 = vector.broadcast %add3A_2013 : i32 to vector<16xi32>
          %add3A_2015 = arith.addi %add3A_2004, %add3A_2014 : vector<16xi32>
          %add3A_2016 = arith.constant 5 : i32
          %add3A_2017 = vector.broadcast %add3A_2016 : i32 to vector<16xi32>
          %add3A_2018 = arith.addi %xor3A_2012, %add3A_2017 : vector<16xi32>
          %xor3A_2019 = arith.xori %add3A_2015, %add3A_2018 : vector<16xi32>
          %bitcast_convert_type3A_2020 = tpu.bitcast %xor3A_2019 : vector<16xi32> -> vector<16xi32>
          %swap3A_2021 = arith.index_cast %add3A_1806 : i32 to index
          %swap3A_2022 = tpu.vector_load %arg3[%swap3A_2021] {strides = array<i32>} : memref<1600xi32, #tpu.memory_space<vmem>>, vector<16xi32>,
          %swap3A_2023 = vector.shape_cast %swap3A_2022 : vector<16xi32> to vector<16xi32>
          %swap3A_2024 = vector.shape_cast %bitcast_convert_type3A_2020 : vector<16xi32> to vector<16xi32>
          tpu.vector_store %arg3[%swap3A_2021], %swap3A_2024 {strides = array<i32>} : memref<1600xi32, #tpu.memory_space<vmem>>, vector<16xi32>,
          %mul3A_2025 = arith.constant 160 : i32
          %mul3A_2026 = arith.muli %scan3A_31, %mul3A_2025 : i32
          %add3A_2027 = arith.constant 144 : i32
          %add3A_2028 = arith.addi %mul3A_2026, %add3A_2027 : i32
          %add3A_2029 = arith.addi %add3A_21, %add3A_2028 : i32
          %get3A_2030 = arith.constant 0 : index
          %get3A_2031 = tpu.vector_load %arg4[%get3A_2030] {strides = array<i32>} : memref<16xi32, #tpu.memory_space<vmem>>, vector<16xi32>,
          %get3A_2032 = vector.shape_cast %get3A_2031 : vector<16xi32> to vector<16xi32>
          %add3A_2033 = vector.broadcast %add3A_2029 : i32 to vector<16xi32>
          %add3A_2034 = arith.addi %add3A_2033, %get3A_2032 : vector<16xi32>
          %shift_left3A_2035 = arith.constant 13 : i32
          %shift_left3A_2036 = vector.broadcast %shift_left3A_2035 : i32 to vector<16xi32>
          %shift_left3A_2037 = arith.shli %add3A_2034, %shift_left3A_2036 : vector<16xi32>
          %shift_right_logical3A_2038 = arith.constant 19 : i32
          %shift_right_logical3A_2039 = vector.broadcast %shift_right_logical3A_2038 : i32 to vector<16xi32>
          %shift_right_logical3A_2040 = arith.shrui %add3A_2034, %shift_right_logical3A_2039 : vector<16xi32>
          %or3A_2041 = arith.ori %shift_left3A_2037, %shift_right_logical3A_2040 : vector<16xi32>
          %xor3A_2042 = arith.xori %or3A_2041, %add3A_2034 : vector<16xi32>
          %add3A_2043 = arith.addi %add3A_2034, %xor3A_2042 : vector<16xi32>
          %shift_left3A_2044 = arith.constant 15 : i32
          %shift_left3A_2045 = vector.broadcast %shift_left3A_2044 : i32 to vector<16xi32>
          %shift_left3A_2046 = arith.shli %xor3A_2042, %shift_left3A_2045 : vector<16xi32>
          %shift_right_logical3A_2047 = arith.constant 17 : i32
          %shift_right_logical3A_2048 = vector.broadcast %shift_right_logical3A_2047 : i32 to vector<16xi32>
          %shift_right_logical3A_2049 = arith.shrui %xor3A_2042, %shift_right_logical3A_2048 : vector<16xi32>
          %or3A_2050 = arith.ori %shift_left3A_2046, %shift_right_logical3A_2049 : vector<16xi32>
          %xor3A_2051 = arith.xori %or3A_2050, %add3A_2043 : vector<16xi32>
          %add3A_2052 = arith.addi %add3A_2043, %xor3A_2051 : vector<16xi32>
          %shift_left3A_2053 = arith.constant 26 : i32
          %shift_left3A_2054 = vector.broadcast %shift_left3A_2053 : i32 to vector<16xi32>
          %shift_left3A_2055 = arith.shli %xor3A_2051, %shift_left3A_2054 : vector<16xi32>
          %shift_right_logical3A_2056 = arith.constant 6 : i32
          %shift_right_logical3A_2057 = vector.broadcast %shift_right_logical3A_2056 : i32 to vector<16xi32>
          %shift_right_logical3A_2058 = arith.shrui %xor3A_2051, %shift_right_logical3A_2057 : vector<16xi32>
          %or3A_2059 = arith.ori %shift_left3A_2055, %shift_right_logical3A_2058 : vector<16xi32>
          %xor3A_2060 = arith.xori %or3A_2059, %add3A_2052 : vector<16xi32>
          %add3A_2061 = arith.addi %add3A_2052, %xor3A_2060 : vector<16xi32>
          %shift_left3A_2062 = arith.constant 6 : i32
          %shift_left3A_2063 = vector.broadcast %shift_left3A_2062 : i32 to vector<16xi32>
          %shift_left3A_2064 = arith.shli %xor3A_2060, %shift_left3A_2063 : vector<16xi32>
          %shift_right_logical3A_2065 = arith.constant 26 : i32
          %shift_right_logical3A_2066 = vector.broadcast %shift_right_logical3A_2065 : i32 to vector<16xi32>
          %shift_right_logical3A_2067 = arith.shrui %xor3A_2060, %shift_right_logical3A_2066 : vector<16xi32>
          %or3A_2068 = arith.ori %shift_left3A_2064, %shift_right_logical3A_2067 : vector<16xi32>
          %xor3A_2069 = arith.xori %or3A_2068, %add3A_2061 : vector<16xi32>
          %add3A_2070 = arith.constant 1234 : i32
          %add3A_2071 = vector.broadcast %add3A_2070 : i32 to vector<16xi32>
          %add3A_2072 = arith.addi %add3A_2061, %add3A_2071 : vector<16xi32>
          %add3A_2073 = arith.constant 466689801 : i32
          %add3A_2074 = vector.broadcast %add3A_2073 : i32 to vector<16xi32>
          %add3A_2075 = arith.addi %xor3A_2069, %add3A_2074 : vector<16xi32>
          %add3A_2076 = arith.addi %add3A_2072, %add3A_2075 : vector<16xi32>
          %shift_left3A_2077 = arith.constant 17 : i32
          %shift_left3A_2078 = vector.broadcast %shift_left3A_2077 : i32 to vector<16xi32>
          %shift_left3A_2079 = arith.shli %add3A_2075, %shift_left3A_2078 : vector<16xi32>
          %shift_right_logical3A_2080 = arith.constant 15 : i32
          %shift_right_logical3A_2081 = vector.broadcast %shift_right_logical3A_2080 : i32 to vector<16xi32>
          %shift_right_logical3A_2082 = arith.shrui %add3A_2075, %shift_right_logical3A_2081 : vector<16xi32>
          %or3A_2083 = arith.ori %shift_left3A_2079, %shift_right_logical3A_2082 : vector<16xi32>
          %xor3A_2084 = arith.xori %or3A_2083, %add3A_2076 : vector<16xi32>
          %add3A_2085 = arith.addi %add3A_2076, %xor3A_2084 : vector<16xi32>
          %shift_left3A_2086 = arith.constant 29 : i32
          %shift_left3A_2087 = vector.broadcast %shift_left3A_2086 : i32 to vector<16xi32>
          %shift_left3A_2088 = arith.shli %xor3A_2084, %shift_left3A_2087 : vector<16xi32>
          %shift_right_logical3A_2089 = arith.constant 3 : i32
          %shift_right_logical3A_2090 = vector.broadcast %shift_right_logical3A_2089 : i32 to vector<16xi32>
          %shift_right_logical3A_2091 = arith.shrui %xor3A_2084, %shift_right_logical3A_2090 : vector<16xi32>
          %or3A_2092 = arith.ori %shift_left3A_2088, %shift_right_logical3A_2091 : vector<16xi32>
          %xor3A_2093 = arith.xori %or3A_2092, %add3A_2085 : vector<16xi32>
          %add3A_2094 = arith.addi %add3A_2085, %xor3A_2093 : vector<16xi32>
          %shift_left3A_2095 = arith.constant 16 : i32
          %shift_left3A_2096 = vector.broadcast %shift_left3A_2095 : i32 to vector<16xi32>
          %shift_left3A_2097 = arith.shli %xor3A_2093, %shift_left3A_2096 : vector<16xi32>
          %shift_right_logical3A_2098 = arith.constant 16 : i32
          %shift_right_logical3A_2099 = vector.broadcast %shift_right_logical3A_2098 : i32 to vector<16xi32>
          %shift_right_logical3A_2100 = arith.shrui %xor3A_2093, %shift_right_logical3A_2099 : vector<16xi32>
          %or3A_2101 = arith.ori %shift_left3A_2097, %shift_right_logical3A_2100 : vector<16xi32>
          %xor3A_2102 = arith.xori %or3A_2101, %add3A_2094 : vector<16xi32>
          %add3A_2103 = arith.addi %add3A_2094, %xor3A_2102 : vector<16xi32>
          %shift_left3A_2104 = arith.constant 24 : i32
          %shift_left3A_2105 = vector.broadcast %shift_left3A_2104 : i32 to vector<16xi32>
          %shift_left3A_2106 = arith.shli %xor3A_2102, %shift_left3A_2105 : vector<16xi32>
          %shift_right_logical3A_2107 = arith.constant 8 : i32
          %shift_right_logical3A_2108 = vector.broadcast %shift_right_logical3A_2107 : i32 to vector<16xi32>
          %shift_right_logical3A_2109 = arith.shrui %xor3A_2102, %shift_right_logical3A_2108 : vector<16xi32>
          %or3A_2110 = arith.ori %shift_left3A_2106, %shift_right_logical3A_2109 : vector<16xi32>
          %xor3A_2111 = arith.xori %or3A_2110, %add3A_2103 : vector<16xi32>
          %add3A_2112 = arith.constant 466689800 : i32
          %add3A_2113 = vector.broadcast %add3A_2112 : i32 to vector<16xi32>
          %add3A_2114 = arith.addi %add3A_2103, %add3A_2113 : vector<16xi32>
          %add3A_2115 = arith.constant 2 : i32
          %add3A_2116 = vector.broadcast %add3A_2115 : i32 to vector<16xi32>
          %add3A_2117 = arith.addi %xor3A_2111, %add3A_2116 : vector<16xi32>
          %add3A_2118 = arith.addi %add3A_2114, %add3A_2117 : vector<16xi32>
          %shift_left3A_2119 = arith.constant 13 : i32
          %shift_left3A_2120 = vector.broadcast %shift_left3A_2119 : i32 to vector<16xi32>
          %shift_left3A_2121 = arith.shli %add3A_2117, %shift_left3A_2120 : vector<16xi32>
          %shift_right_logical3A_2122 = arith.constant 19 : i32
          %shift_right_logical3A_2123 = vector.broadcast %shift_right_logical3A_2122 : i32 to vector<16xi32>
          %shift_right_logical3A_2124 = arith.shrui %add3A_2117, %shift_right_logical3A_2123 : vector<16xi32>
          %or3A_2125 = arith.ori %shift_left3A_2121, %shift_right_logical3A_2124 : vector<16xi32>
          %xor3A_2126 = arith.xori %or3A_2125, %add3A_2118 : vector<16xi32>
          %add3A_2127 = arith.addi %add3A_2118, %xor3A_2126 : vector<16xi32>
          %shift_left3A_2128 = arith.constant 15 : i32
          %shift_left3A_2129 = vector.broadcast %shift_left3A_2128 : i32 to vector<16xi32>
          %shift_left3A_2130 = arith.shli %xor3A_2126, %shift_left3A_2129 : vector<16xi32>
          %shift_right_logical3A_2131 = arith.constant 17 : i32
          %shift_right_logical3A_2132 = vector.broadcast %shift_right_logical3A_2131 : i32 to vector<16xi32>
          %shift_right_logical3A_2133 = arith.shrui %xor3A_2126, %shift_right_logical3A_2132 : vector<16xi32>
          %or3A_2134 = arith.ori %shift_left3A_2130, %shift_right_logical3A_2133 : vector<16xi32>
          %xor3A_2135 = arith.xori %or3A_2134, %add3A_2127 : vector<16xi32>
          %add3A_2136 = arith.addi %add3A_2127, %xor3A_2135 : vector<16xi32>
          %shift_left3A_2137 = arith.constant 26 : i32
          %shift_left3A_2138 = vector.broadcast %shift_left3A_2137 : i32 to vector<16xi32>
          %shift_left3A_2139 = arith.shli %xor3A_2135, %shift_left3A_2138 : vector<16xi32>
          %shift_right_logical3A_2140 = arith.constant 6 : i32
          %shift_right_logical3A_2141 = vector.broadcast %shift_right_logical3A_2140 : i32 to vector<16xi32>
          %shift_right_logical3A_2142 = arith.shrui %xor3A_2135, %shift_right_logical3A_2141 : vector<16xi32>
          %or3A_2143 = arith.ori %shift_left3A_2139, %shift_right_logical3A_2142 : vector<16xi32>
          %xor3A_2144 = arith.xori %or3A_2143, %add3A_2136 : vector<16xi32>
          %add3A_2145 = arith.addi %add3A_2136, %xor3A_2144 : vector<16xi32>
          %shift_left3A_2146 = arith.constant 6 : i32
          %shift_left3A_2147 = vector.broadcast %shift_left3A_2146 : i32 to vector<16xi32>
          %shift_left3A_2148 = arith.shli %xor3A_2144, %shift_left3A_2147 : vector<16xi32>
          %shift_right_logical3A_2149 = arith.constant 26 : i32
          %shift_right_logical3A_2150 = vector.broadcast %shift_right_logical3A_2149 : i32 to vector<16xi32>
          %shift_right_logical3A_2151 = arith.shrui %xor3A_2144, %shift_right_logical3A_2150 : vector<16xi32>
          %or3A_2152 = arith.ori %shift_left3A_2148, %shift_right_logical3A_2151 : vector<16xi32>
          %xor3A_2153 = arith.xori %or3A_2152, %add3A_2145 : vector<16xi32>
          %add3A_2154 = arith.constant 1237 : i32
          %add3A_2155 = vector.broadcast %add3A_2154 : i32 to vector<16xi32>
          %add3A_2156 = arith.addi %xor3A_2153, %add3A_2155 : vector<16xi32>
          %add3A_2157 = arith.addi %add3A_2145, %add3A_2156 : vector<16xi32>
          %shift_left3A_2158 = arith.constant 17 : i32
          %shift_left3A_2159 = vector.broadcast %shift_left3A_2158 : i32 to vector<16xi32>
          %shift_left3A_2160 = arith.shli %add3A_2156, %shift_left3A_2159 : vector<16xi32>
          %shift_right_logical3A_2161 = arith.constant 15 : i32
          %shift_right_logical3A_2162 = vector.broadcast %shift_right_logical3A_2161 : i32 to vector<16xi32>
          %shift_right_logical3A_2163 = arith.shrui %add3A_2156, %shift_right_logical3A_2162 : vector<16xi32>
          %or3A_2164 = arith.ori %shift_left3A_2160, %shift_right_logical3A_2163 : vector<16xi32>
          %xor3A_2165 = arith.xori %or3A_2164, %add3A_2157 : vector<16xi32>
          %add3A_2166 = arith.addi %add3A_2157, %xor3A_2165 : vector<16xi32>
          %shift_left3A_2167 = arith.constant 29 : i32
          %shift_left3A_2168 = vector.broadcast %shift_left3A_2167 : i32 to vector<16xi32>
          %shift_left3A_2169 = arith.shli %xor3A_2165, %shift_left3A_2168 : vector<16xi32>
          %shift_right_logical3A_2170 = arith.constant 3 : i32
          %shift_right_logical3A_2171 = vector.broadcast %shift_right_logical3A_2170 : i32 to vector<16xi32>
          %shift_right_logical3A_2172 = arith.shrui %xor3A_2165, %shift_right_logical3A_2171 : vector<16xi32>
          %or3A_2173 = arith.ori %shift_left3A_2169, %shift_right_logical3A_2172 : vector<16xi32>
          %xor3A_2174 = arith.xori %or3A_2173, %add3A_2166 : vector<16xi32>
          %add3A_2175 = arith.addi %add3A_2166, %xor3A_2174 : vector<16xi32>
          %shift_left3A_2176 = arith.constant 16 : i32
          %shift_left3A_2177 = vector.broadcast %shift_left3A_2176 : i32 to vector<16xi32>
          %shift_left3A_2178 = arith.shli %xor3A_2174, %shift_left3A_2177 : vector<16xi32>
          %shift_right_logical3A_2179 = arith.constant 16 : i32
          %shift_right_logical3A_2180 = vector.broadcast %shift_right_logical3A_2179 : i32 to vector<16xi32>
          %shift_right_logical3A_2181 = arith.shrui %xor3A_2174, %shift_right_logical3A_2180 : vector<16xi32>
          %or3A_2182 = arith.ori %shift_left3A_2178, %shift_right_logical3A_2181 : vector<16xi32>
          %xor3A_2183 = arith.xori %or3A_2182, %add3A_2175 : vector<16xi32>
          %add3A_2184 = arith.addi %add3A_2175, %xor3A_2183 : vector<16xi32>
          %shift_left3A_2185 = arith.constant 24 : i32
          %shift_left3A_2186 = vector.broadcast %shift_left3A_2185 : i32 to vector<16xi32>
          %shift_left3A_2187 = arith.shli %xor3A_2183, %shift_left3A_2186 : vector<16xi32>
          %shift_right_logical3A_2188 = arith.constant 8 : i32
          %shift_right_logical3A_2189 = vector.broadcast %shift_right_logical3A_2188 : i32 to vector<16xi32>
          %shift_right_logical3A_2190 = arith.shrui %xor3A_2183, %shift_right_logical3A_2189 : vector<16xi32>
          %or3A_2191 = arith.ori %shift_left3A_2187, %shift_right_logical3A_2190 : vector<16xi32>
          %xor3A_2192 = arith.xori %or3A_2191, %add3A_2184 : vector<16xi32>
          %add3A_2193 = arith.constant 1234 : i32
          %add3A_2194 = vector.broadcast %add3A_2193 : i32 to vector<16xi32>
          %add3A_2195 = arith.addi %add3A_2184, %add3A_2194 : vector<16xi32>
          %add3A_2196 = arith.constant 466689804 : i32
          %add3A_2197 = vector.broadcast %add3A_2196 : i32 to vector<16xi32>
          %add3A_2198 = arith.addi %xor3A_2192, %add3A_2197 : vector<16xi32>
          %add3A_2199 = arith.addi %add3A_2195, %add3A_2198 : vector<16xi32>
          %shift_left3A_2200 = arith.constant 13 : i32
          %shift_left3A_2201 = vector.broadcast %shift_left3A_2200 : i32 to vector<16xi32>
          %shift_left3A_2202 = arith.shli %add3A_2198, %shift_left3A_2201 : vector<16xi32>
          %shift_right_logical3A_2203 = arith.constant 19 : i32
          %shift_right_logical3A_2204 = vector.broadcast %shift_right_logical3A_2203 : i32 to vector<16xi32>
          %shift_right_logical3A_2205 = arith.shrui %add3A_2198, %shift_right_logical3A_2204 : vector<16xi32>
          %or3A_2206 = arith.ori %shift_left3A_2202, %shift_right_logical3A_2205 : vector<16xi32>
          %xor3A_2207 = arith.xori %or3A_2206, %add3A_2199 : vector<16xi32>
          %add3A_2208 = arith.addi %add3A_2199, %xor3A_2207 : vector<16xi32>
          %shift_left3A_2209 = arith.constant 15 : i32
          %shift_left3A_2210 = vector.broadcast %shift_left3A_2209 : i32 to vector<16xi32>
          %shift_left3A_2211 = arith.shli %xor3A_2207, %shift_left3A_2210 : vector<16xi32>
          %shift_right_logical3A_2212 = arith.constant 17 : i32
          %shift_right_logical3A_2213 = vector.broadcast %shift_right_logical3A_2212 : i32 to vector<16xi32>
          %shift_right_logical3A_2214 = arith.shrui %xor3A_2207, %shift_right_logical3A_2213 : vector<16xi32>
          %or3A_2215 = arith.ori %shift_left3A_2211, %shift_right_logical3A_2214 : vector<16xi32>
          %xor3A_2216 = arith.xori %or3A_2215, %add3A_2208 : vector<16xi32>
          %add3A_2217 = arith.addi %add3A_2208, %xor3A_2216 : vector<16xi32>
          %shift_left3A_2218 = arith.constant 26 : i32
          %shift_left3A_2219 = vector.broadcast %shift_left3A_2218 : i32 to vector<16xi32>
          %shift_left3A_2220 = arith.shli %xor3A_2216, %shift_left3A_2219 : vector<16xi32>
          %shift_right_logical3A_2221 = arith.constant 6 : i32
          %shift_right_logical3A_2222 = vector.broadcast %shift_right_logical3A_2221 : i32 to vector<16xi32>
          %shift_right_logical3A_2223 = arith.shrui %xor3A_2216, %shift_right_logical3A_2222 : vector<16xi32>
          %or3A_2224 = arith.ori %shift_left3A_2220, %shift_right_logical3A_2223 : vector<16xi32>
          %xor3A_2225 = arith.xori %or3A_2224, %add3A_2217 : vector<16xi32>
          %add3A_2226 = arith.addi %add3A_2217, %xor3A_2225 : vector<16xi32>
          %shift_left3A_2227 = arith.constant 6 : i32
          %shift_left3A_2228 = vector.broadcast %shift_left3A_2227 : i32 to vector<16xi32>
          %shift_left3A_2229 = arith.shli %xor3A_2225, %shift_left3A_2228 : vector<16xi32>
          %shift_right_logical3A_2230 = arith.constant 26 : i32
          %shift_right_logical3A_2231 = vector.broadcast %shift_right_logical3A_2230 : i32 to vector<16xi32>
          %shift_right_logical3A_2232 = arith.shrui %xor3A_2225, %shift_right_logical3A_2231 : vector<16xi32>
          %or3A_2233 = arith.ori %shift_left3A_2229, %shift_right_logical3A_2232 : vector<16xi32>
          %xor3A_2234 = arith.xori %or3A_2233, %add3A_2226 : vector<16xi32>
          %add3A_2235 = arith.constant 466689800 : i32
          %add3A_2236 = vector.broadcast %add3A_2235 : i32 to vector<16xi32>
          %add3A_2237 = arith.addi %add3A_2226, %add3A_2236 : vector<16xi32>
          %add3A_2238 = arith.constant 5 : i32
          %add3A_2239 = vector.broadcast %add3A_2238 : i32 to vector<16xi32>
          %add3A_2240 = arith.addi %xor3A_2234, %add3A_2239 : vector<16xi32>
          %xor3A_2241 = arith.xori %add3A_2237, %add3A_2240 : vector<16xi32>
          %bitcast_convert_type3A_2242 = tpu.bitcast %xor3A_2241 : vector<16xi32> -> vector<16xi32>
          %swap3A_2243 = arith.index_cast %add3A_2028 : i32 to index
          %swap3A_2244 = tpu.vector_load %arg3[%swap3A_2243] {strides = array<i32>} : memref<1600xi32, #tpu.memory_space<vmem>>, vector<16xi32>,
          %swap3A_2245 = vector.shape_cast %swap3A_2244 : vector<16xi32> to vector<16xi32>
          %swap3A_2246 = vector.shape_cast %bitcast_convert_type3A_2242 : vector<16xi32> to vector<16xi32>
          tpu.vector_store %arg3[%swap3A_2243], %swap3A_2246 {strides = array<i32>} : memref<1600xi32, #tpu.memory_space<vmem>>, vector<16xi32>,
          %scan3A_2247 = arith.constant 0 : i32
          scf.yield %scan3A_2247 : i32
        }
        %scan3A_28 = arith.constant 10 : i32
        %mul3A_29 = arith.constant 1600 : i32
        %mul3A_30 = arith.muli %add3A_14, %mul3A_29 : i32
        "tpu.region"() ({
          %run_scoped3A = tpu.sem_alloc : memref<!tpu.dma_semaphore, #tpu.memory_space<semaphore_mem>>
          %dma_start3A = tpu.memref_slice %arg2[%mul3A_30] : memref<2400000xi32, #tpu.memory_space<hbm>> -> memref<1600xi32, #tpu.memory_space<hbm>>
          %dma_start3A_31 = tpu.memref_slice %arg2[%mul3A_30] : memref<2400000xi32, #tpu.memory_space<hbm>> -> memref<1600xi32, #tpu.memory_space<hbm>>
          tpu.enqueue_dma source(%arg3 : memref<1600xi32, #tpu.memory_space<vmem>>) target(%dma_start3A_31 : memref<1600xi32, #tpu.memory_space<hbm>>) target_semaphore(%run_scoped3A : memref<!tpu.dma_semaphore, #tpu.memory_space<semaphore_mem>>)
          %dma_wait3A = tpu.memref_slice %arg2[%mul3A_30] : memref<2400000xi32, #tpu.memory_space<hbm>> -> memref<1600xi32, #tpu.memory_space<hbm>>
          %dma_wait3A_32 = tpu.memref_slice %arg2[%mul3A_30] : memref<2400000xi32, #tpu.memory_space<hbm>> -> memref<1600xi32, #tpu.memory_space<hbm>>
          tpu.wait_dma2 semaphore(%run_scoped3A : memref<!tpu.dma_semaphore, #tpu.memory_space<semaphore_mem>>) src(%arg3 : memref<1600xi32, #tpu.memory_space<vmem>>) dst(%dma_wait3A_32 : memref<1600xi32, #tpu.memory_space<hbm>>)
          tpu.yield
        }) : () -> ()
      } else {
      }
      %scan3A_17 = arith.constant 0 : i32
      scf.yield %scan3A_17 : i32
    }
    %scan3A_9 = arith.constant 47 : i32
    return
  }
}

module attributes {stable_mosaic.version = 14 : i64} {
  func.func @_heavy_body(%arg0: i32, %arg1: memref<8x100000xf32, #tpu.memory_space<vmem>>, %arg2: memref<8x1xi32, #tpu.memory_space<vmem>>) attributes {dimension_semantics = [#tpu.dimension_semantics<arbitrary>], iteration_bounds = array<i64: 13>, scalar_prefetch = 0 : i64, scratch_operands = 0 : i64, tpu.core_type = #tpu.core_type<tc>, window_params = [{transform_indices = @transform_0, window_bounds = array<i64: 8, 100000>}, {transform_indices = @transform_1, window_bounds = array<i64: 8, 1>}]} {
    %mul3A = arith.constant 8 : i32
    %mul3A_0 = arith.muli %arg0, %mul3A : i32
    %iota3A = tpu.iota {dimensions = array<i32: 0>} : vector<8x2048xi32>
    %add3A = vector.broadcast %mul3A_0 : i32 to vector<8x2048xi32>
    %add3A_1 = arith.addi %add3A, %iota3A : vector<8x2048xi32>
    %mul3A_2 = arith.constant 100000 : i32
    %mul3A_3 = vector.broadcast %mul3A_2 : i32 to vector<8x2048xi32>
    %mul3A_4 = arith.muli %add3A_1, %mul3A_3 : vector<8x2048xi32>
    %add3A_5 = arith.constant 1234 : i32
    %add3A_6 = vector.broadcast %add3A_5 : i32 to vector<8x2048xi32>
    %add3A_7 = arith.addi %mul3A_4, %add3A_6 : vector<8x2048xi32>
    %iota3A_8 = tpu.iota {dimensions = array<i32: 1>} : vector<8x2048xi32>
    %broadcast_in_dim3A = arith.constant 0xFF800000 : f32
    %broadcast_in_dim3A_9 = vector.broadcast %broadcast_in_dim3A : f32 to vector<8x2048xf32>
    %broadcast_in_dim3A_10 = arith.constant 0 : i32
    %broadcast_in_dim3A_11 = vector.broadcast %broadcast_in_dim3A_10 : i32 to vector<8x2048xi32>
    %scan3A = arith.constant 0 : i32
    %scan3A_12 = arith.constant 48 : i32
    %scan3A_13 = arith.addi %scan3A, %scan3A_12 : i32
    %scan3A_14 = arith.constant 1 : i32
    %scan3A_15:2 = scf.for %scan3A_275 = %scan3A to %scan3A_13 step %scan3A_14 iter_args(%scan3A_276 = %broadcast_in_dim3A_9, %scan3A_277 = %broadcast_in_dim3A_11) -> (vector<8x2048xf32>, vector<8x2048xi32>)  : i32 {
      %mul3A_278 = arith.constant 2048 : i32
      %mul3A_279 = arith.muli %scan3A_275, %mul3A_278 : i32
      %add3A_280 = vector.broadcast %mul3A_279 : i32 to vector<8x2048xi32>
      %add3A_281 = arith.addi %add3A_280, %iota3A_8 : vector<8x2048xi32>
      %add3A_282 = arith.addi %add3A_7, %add3A_281 : vector<8x2048xi32>
      %mul3A_283 = arith.constant 2048 : i32
      %mul3A_284 = arith.muli %scan3A_275, %mul3A_283 : i32
      %get3A_285 = arith.constant 0 : index
      %get3A_286 = arith.index_cast %mul3A_284 : i32 to index
      %get3A_287 = vector.load %arg1[%get3A_285, %get3A_286] : memref<8x100000xf32, #tpu.memory_space<vmem>>, vector<8x2048xf32>
      %shift_left3A_288 = arith.constant 13 : i32
      %shift_left3A_289 = vector.broadcast %shift_left3A_288 : i32 to vector<8x2048xi32>
      %shift_left3A_290 = arith.shli %add3A_282, %shift_left3A_289 : vector<8x2048xi32>
      %shift_right_logical3A_291 = arith.constant 19 : i32
      %shift_right_logical3A_292 = vector.broadcast %shift_right_logical3A_291 : i32 to vector<8x2048xi32>
      %shift_right_logical3A_293 = arith.shrui %add3A_282, %shift_right_logical3A_292 : vector<8x2048xi32>
      %or3A_294 = arith.ori %shift_left3A_290, %shift_right_logical3A_293 : vector<8x2048xi32>
      %xor3A_295 = arith.xori %or3A_294, %add3A_282 : vector<8x2048xi32>
      %add3A_296 = arith.addi %add3A_282, %xor3A_295 : vector<8x2048xi32>
      %shift_left3A_297 = arith.constant 15 : i32
      %shift_left3A_298 = vector.broadcast %shift_left3A_297 : i32 to vector<8x2048xi32>
      %shift_left3A_299 = arith.shli %xor3A_295, %shift_left3A_298 : vector<8x2048xi32>
      %shift_right_logical3A_300 = arith.constant 17 : i32
      %shift_right_logical3A_301 = vector.broadcast %shift_right_logical3A_300 : i32 to vector<8x2048xi32>
      %shift_right_logical3A_302 = arith.shrui %xor3A_295, %shift_right_logical3A_301 : vector<8x2048xi32>
      %or3A_303 = arith.ori %shift_left3A_299, %shift_right_logical3A_302 : vector<8x2048xi32>
      %xor3A_304 = arith.xori %or3A_303, %add3A_296 : vector<8x2048xi32>
      %add3A_305 = arith.addi %add3A_296, %xor3A_304 : vector<8x2048xi32>
      %shift_left3A_306 = arith.constant 26 : i32
      %shift_left3A_307 = vector.broadcast %shift_left3A_306 : i32 to vector<8x2048xi32>
      %shift_left3A_308 = arith.shli %xor3A_304, %shift_left3A_307 : vector<8x2048xi32>
      %shift_right_logical3A_309 = arith.constant 6 : i32
      %shift_right_logical3A_310 = vector.broadcast %shift_right_logical3A_309 : i32 to vector<8x2048xi32>
      %shift_right_logical3A_311 = arith.shrui %xor3A_304, %shift_right_logical3A_310 : vector<8x2048xi32>
      %or3A_312 = arith.ori %shift_left3A_308, %shift_right_logical3A_311 : vector<8x2048xi32>
      %xor3A_313 = arith.xori %or3A_312, %add3A_305 : vector<8x2048xi32>
      %add3A_314 = arith.addi %add3A_305, %xor3A_313 : vector<8x2048xi32>
      %shift_left3A_315 = arith.constant 6 : i32
      %shift_left3A_316 = vector.broadcast %shift_left3A_315 : i32 to vector<8x2048xi32>
      %shift_left3A_317 = arith.shli %xor3A_313, %shift_left3A_316 : vector<8x2048xi32>
      %shift_right_logical3A_318 = arith.constant 26 : i32
      %shift_right_logical3A_319 = vector.broadcast %shift_right_logical3A_318 : i32 to vector<8x2048xi32>
      %shift_right_logical3A_320 = arith.shrui %xor3A_313, %shift_right_logical3A_319 : vector<8x2048xi32>
      %or3A_321 = arith.ori %shift_left3A_317, %shift_right_logical3A_320 : vector<8x2048xi32>
      %xor3A_322 = arith.xori %or3A_321, %add3A_314 : vector<8x2048xi32>
      %add3A_323 = arith.constant 1234 : i32
      %add3A_324 = vector.broadcast %add3A_323 : i32 to vector<8x2048xi32>
      %add3A_325 = arith.addi %add3A_314, %add3A_324 : vector<8x2048xi32>
      %add3A_326 = arith.constant 466689801 : i32
      %add3A_327 = vector.broadcast %add3A_326 : i32 to vector<8x2048xi32>
      %add3A_328 = arith.addi %xor3A_322, %add3A_327 : vector<8x2048xi32>
      %add3A_329 = arith.addi %add3A_325, %add3A_328 : vector<8x2048xi32>
      %shift_left3A_330 = arith.constant 17 : i32
      %shift_left3A_331 = vector.broadcast %shift_left3A_330 : i32 to vector<8x2048xi32>
      %shift_left3A_332 = arith.shli %add3A_328, %shift_left3A_331 : vector<8x2048xi32>
      %shift_right_logical3A_333 = arith.constant 15 : i32
      %shift_right_logical3A_334 = vector.broadcast %shift_right_logical3A_333 : i32 to vector<8x2048xi32>
      %shift_right_logical3A_335 = arith.shrui %add3A_328, %shift_right_logical3A_334 : vector<8x2048xi32>
      %or3A_336 = arith.ori %shift_left3A_332, %shift_right_logical3A_335 : vector<8x2048xi32>
      %xor3A_337 = arith.xori %or3A_336, %add3A_329 : vector<8x2048xi32>
      %add3A_338 = arith.addi %add3A_329, %xor3A_337 : vector<8x2048xi32>
      %shift_left3A_339 = arith.constant 29 : i32
      %shift_left3A_340 = vector.broadcast %shift_left3A_339 : i32 to vector<8x2048xi32>
      %shift_left3A_341 = arith.shli %xor3A_337, %shift_left3A_340 : vector<8x2048xi32>
      %shift_right_logical3A_342 = arith.constant 3 : i32
      %shift_right_logical3A_343 = vector.broadcast %shift_right_logical3A_342 : i32 to vector<8x2048xi32>
      %shift_right_logical3A_344 = arith.shrui %xor3A_337, %shift_right_logical3A_343 : vector<8x2048xi32>
      %or3A_345 = arith.ori %shift_left3A_341, %shift_right_logical3A_344 : vector<8x2048xi32>
      %xor3A_346 = arith.xori %or3A_345, %add3A_338 : vector<8x2048xi32>
      %add3A_347 = arith.addi %add3A_338, %xor3A_346 : vector<8x2048xi32>
      %shift_left3A_348 = arith.constant 16 : i32
      %shift_left3A_349 = vector.broadcast %shift_left3A_348 : i32 to vector<8x2048xi32>
      %shift_left3A_350 = arith.shli %xor3A_346, %shift_left3A_349 : vector<8x2048xi32>
      %shift_right_logical3A_351 = arith.constant 16 : i32
      %shift_right_logical3A_352 = vector.broadcast %shift_right_logical3A_351 : i32 to vector<8x2048xi32>
      %shift_right_logical3A_353 = arith.shrui %xor3A_346, %shift_right_logical3A_352 : vector<8x2048xi32>
      %or3A_354 = arith.ori %shift_left3A_350, %shift_right_logical3A_353 : vector<8x2048xi32>
      %xor3A_355 = arith.xori %or3A_354, %add3A_347 : vector<8x2048xi32>
      %add3A_356 = arith.addi %add3A_347, %xor3A_355 : vector<8x2048xi32>
      %shift_left3A_357 = arith.constant 24 : i32
      %shift_left3A_358 = vector.broadcast %shift_left3A_357 : i32 to vector<8x2048xi32>
      %shift_left3A_359 = arith.shli %xor3A_355, %shift_left3A_358 : vector<8x2048xi32>
      %shift_right_logical3A_360 = arith.constant 8 : i32
      %shift_right_logical3A_361 = vector.broadcast %shift_right_logical3A_360 : i32 to vector<8x2048xi32>
      %shift_right_logical3A_362 = arith.shrui %xor3A_355, %shift_right_logical3A_361 : vector<8x2048xi32>
      %or3A_363 = arith.ori %shift_left3A_359, %shift_right_logical3A_362 : vector<8x2048xi32>
      %xor3A_364 = arith.xori %or3A_363, %add3A_356 : vector<8x2048xi32>
      %add3A_365 = arith.constant 466689800 : i32
      %add3A_366 = vector.broadcast %add3A_365 : i32 to vector<8x2048xi32>
      %add3A_367 = arith.addi %add3A_356, %add3A_366 : vector<8x2048xi32>
      %add3A_368 = arith.constant 2 : i32
      %add3A_369 = vector.broadcast %add3A_368 : i32 to vector<8x2048xi32>
      %add3A_370 = arith.addi %xor3A_364, %add3A_369 : vector<8x2048xi32>
      %add3A_371 = arith.addi %add3A_367, %add3A_370 : vector<8x2048xi32>
      %shift_left3A_372 = arith.constant 13 : i32
      %shift_left3A_373 = vector.broadcast %shift_left3A_372 : i32 to vector<8x2048xi32>
      %shift_left3A_374 = arith.shli %add3A_370, %shift_left3A_373 : vector<8x2048xi32>
      %shift_right_logical3A_375 = arith.constant 19 : i32
      %shift_right_logical3A_376 = vector.broadcast %shift_right_logical3A_375 : i32 to vector<8x2048xi32>
      %shift_right_logical3A_377 = arith.shrui %add3A_370, %shift_right_logical3A_376 : vector<8x2048xi32>
      %or3A_378 = arith.ori %shift_left3A_374, %shift_right_logical3A_377 : vector<8x2048xi32>
      %xor3A_379 = arith.xori %or3A_378, %add3A_371 : vector<8x2048xi32>
      %add3A_380 = arith.addi %add3A_371, %xor3A_379 : vector<8x2048xi32>
      %shift_left3A_381 = arith.constant 15 : i32
      %shift_left3A_382 = vector.broadcast %shift_left3A_381 : i32 to vector<8x2048xi32>
      %shift_left3A_383 = arith.shli %xor3A_379, %shift_left3A_382 : vector<8x2048xi32>
      %shift_right_logical3A_384 = arith.constant 17 : i32
      %shift_right_logical3A_385 = vector.broadcast %shift_right_logical3A_384 : i32 to vector<8x2048xi32>
      %shift_right_logical3A_386 = arith.shrui %xor3A_379, %shift_right_logical3A_385 : vector<8x2048xi32>
      %or3A_387 = arith.ori %shift_left3A_383, %shift_right_logical3A_386 : vector<8x2048xi32>
      %xor3A_388 = arith.xori %or3A_387, %add3A_380 : vector<8x2048xi32>
      %add3A_389 = arith.addi %add3A_380, %xor3A_388 : vector<8x2048xi32>
      %shift_left3A_390 = arith.constant 26 : i32
      %shift_left3A_391 = vector.broadcast %shift_left3A_390 : i32 to vector<8x2048xi32>
      %shift_left3A_392 = arith.shli %xor3A_388, %shift_left3A_391 : vector<8x2048xi32>
      %shift_right_logical3A_393 = arith.constant 6 : i32
      %shift_right_logical3A_394 = vector.broadcast %shift_right_logical3A_393 : i32 to vector<8x2048xi32>
      %shift_right_logical3A_395 = arith.shrui %xor3A_388, %shift_right_logical3A_394 : vector<8x2048xi32>
      %or3A_396 = arith.ori %shift_left3A_392, %shift_right_logical3A_395 : vector<8x2048xi32>
      %xor3A_397 = arith.xori %or3A_396, %add3A_389 : vector<8x2048xi32>
      %add3A_398 = arith.addi %add3A_389, %xor3A_397 : vector<8x2048xi32>
      %shift_left3A_399 = arith.constant 6 : i32
      %shift_left3A_400 = vector.broadcast %shift_left3A_399 : i32 to vector<8x2048xi32>
      %shift_left3A_401 = arith.shli %xor3A_397, %shift_left3A_400 : vector<8x2048xi32>
      %shift_right_logical3A_402 = arith.constant 26 : i32
      %shift_right_logical3A_403 = vector.broadcast %shift_right_logical3A_402 : i32 to vector<8x2048xi32>
      %shift_right_logical3A_404 = arith.shrui %xor3A_397, %shift_right_logical3A_403 : vector<8x2048xi32>
      %or3A_405 = arith.ori %shift_left3A_401, %shift_right_logical3A_404 : vector<8x2048xi32>
      %xor3A_406 = arith.xori %or3A_405, %add3A_398 : vector<8x2048xi32>
      %add3A_407 = arith.constant 1237 : i32
      %add3A_408 = vector.broadcast %add3A_407 : i32 to vector<8x2048xi32>
      %add3A_409 = arith.addi %xor3A_406, %add3A_408 : vector<8x2048xi32>
      %add3A_410 = arith.addi %add3A_398, %add3A_409 : vector<8x2048xi32>
      %shift_left3A_411 = arith.constant 17 : i32
      %shift_left3A_412 = vector.broadcast %shift_left3A_411 : i32 to vector<8x2048xi32>
      %shift_left3A_413 = arith.shli %add3A_409, %shift_left3A_412 : vector<8x2048xi32>
      %shift_right_logical3A_414 = arith.constant 15 : i32
      %shift_right_logical3A_415 = vector.broadcast %shift_right_logical3A_414 : i32 to vector<8x2048xi32>
      %shift_right_logical3A_416 = arith.shrui %add3A_409, %shift_right_logical3A_415 : vector<8x2048xi32>
      %or3A_417 = arith.ori %shift_left3A_413, %shift_right_logical3A_416 : vector<8x2048xi32>
      %xor3A_418 = arith.xori %or3A_417, %add3A_410 : vector<8x2048xi32>
      %add3A_419 = arith.addi %add3A_410, %xor3A_418 : vector<8x2048xi32>
      %shift_left3A_420 = arith.constant 29 : i32
      %shift_left3A_421 = vector.broadcast %shift_left3A_420 : i32 to vector<8x2048xi32>
      %shift_left3A_422 = arith.shli %xor3A_418, %shift_left3A_421 : vector<8x2048xi32>
      %shift_right_logical3A_423 = arith.constant 3 : i32
      %shift_right_logical3A_424 = vector.broadcast %shift_right_logical3A_423 : i32 to vector<8x2048xi32>
      %shift_right_logical3A_425 = arith.shrui %xor3A_418, %shift_right_logical3A_424 : vector<8x2048xi32>
      %or3A_426 = arith.ori %shift_left3A_422, %shift_right_logical3A_425 : vector<8x2048xi32>
      %xor3A_427 = arith.xori %or3A_426, %add3A_419 : vector<8x2048xi32>
      %add3A_428 = arith.addi %add3A_419, %xor3A_427 : vector<8x2048xi32>
      %shift_left3A_429 = arith.constant 16 : i32
      %shift_left3A_430 = vector.broadcast %shift_left3A_429 : i32 to vector<8x2048xi32>
      %shift_left3A_431 = arith.shli %xor3A_427, %shift_left3A_430 : vector<8x2048xi32>
      %shift_right_logical3A_432 = arith.constant 16 : i32
      %shift_right_logical3A_433 = vector.broadcast %shift_right_logical3A_432 : i32 to vector<8x2048xi32>
      %shift_right_logical3A_434 = arith.shrui %xor3A_427, %shift_right_logical3A_433 : vector<8x2048xi32>
      %or3A_435 = arith.ori %shift_left3A_431, %shift_right_logical3A_434 : vector<8x2048xi32>
      %xor3A_436 = arith.xori %or3A_435, %add3A_428 : vector<8x2048xi32>
      %add3A_437 = arith.addi %add3A_428, %xor3A_436 : vector<8x2048xi32>
      %shift_left3A_438 = arith.constant 24 : i32
      %shift_left3A_439 = vector.broadcast %shift_left3A_438 : i32 to vector<8x2048xi32>
      %shift_left3A_440 = arith.shli %xor3A_436, %shift_left3A_439 : vector<8x2048xi32>
      %shift_right_logical3A_441 = arith.constant 8 : i32
      %shift_right_logical3A_442 = vector.broadcast %shift_right_logical3A_441 : i32 to vector<8x2048xi32>
      %shift_right_logical3A_443 = arith.shrui %xor3A_436, %shift_right_logical3A_442 : vector<8x2048xi32>
      %or3A_444 = arith.ori %shift_left3A_440, %shift_right_logical3A_443 : vector<8x2048xi32>
      %xor3A_445 = arith.xori %or3A_444, %add3A_437 : vector<8x2048xi32>
      %add3A_446 = arith.constant 1234 : i32
      %add3A_447 = vector.broadcast %add3A_446 : i32 to vector<8x2048xi32>
      %add3A_448 = arith.addi %add3A_437, %add3A_447 : vector<8x2048xi32>
      %add3A_449 = arith.constant 466689804 : i32
      %add3A_450 = vector.broadcast %add3A_449 : i32 to vector<8x2048xi32>
      %add3A_451 = arith.addi %xor3A_445, %add3A_450 : vector<8x2048xi32>
      %add3A_452 = arith.addi %add3A_448, %add3A_451 : vector<8x2048xi32>
      %shift_left3A_453 = arith.constant 13 : i32
      %shift_left3A_454 = vector.broadcast %shift_left3A_453 : i32 to vector<8x2048xi32>
      %shift_left3A_455 = arith.shli %add3A_451, %shift_left3A_454 : vector<8x2048xi32>
      %shift_right_logical3A_456 = arith.constant 19 : i32
      %shift_right_logical3A_457 = vector.broadcast %shift_right_logical3A_456 : i32 to vector<8x2048xi32>
      %shift_right_logical3A_458 = arith.shrui %add3A_451, %shift_right_logical3A_457 : vector<8x2048xi32>
      %or3A_459 = arith.ori %shift_left3A_455, %shift_right_logical3A_458 : vector<8x2048xi32>
      %xor3A_460 = arith.xori %or3A_459, %add3A_452 : vector<8x2048xi32>
      %add3A_461 = arith.addi %add3A_452, %xor3A_460 : vector<8x2048xi32>
      %shift_left3A_462 = arith.constant 15 : i32
      %shift_left3A_463 = vector.broadcast %shift_left3A_462 : i32 to vector<8x2048xi32>
      %shift_left3A_464 = arith.shli %xor3A_460, %shift_left3A_463 : vector<8x2048xi32>
      %shift_right_logical3A_465 = arith.constant 17 : i32
      %shift_right_logical3A_466 = vector.broadcast %shift_right_logical3A_465 : i32 to vector<8x2048xi32>
      %shift_right_logical3A_467 = arith.shrui %xor3A_460, %shift_right_logical3A_466 : vector<8x2048xi32>
      %or3A_468 = arith.ori %shift_left3A_464, %shift_right_logical3A_467 : vector<8x2048xi32>
      %xor3A_469 = arith.xori %or3A_468, %add3A_461 : vector<8x2048xi32>
      %add3A_470 = arith.addi %add3A_461, %xor3A_469 : vector<8x2048xi32>
      %shift_left3A_471 = arith.constant 26 : i32
      %shift_left3A_472 = vector.broadcast %shift_left3A_471 : i32 to vector<8x2048xi32>
      %shift_left3A_473 = arith.shli %xor3A_469, %shift_left3A_472 : vector<8x2048xi32>
      %shift_right_logical3A_474 = arith.constant 6 : i32
      %shift_right_logical3A_475 = vector.broadcast %shift_right_logical3A_474 : i32 to vector<8x2048xi32>
      %shift_right_logical3A_476 = arith.shrui %xor3A_469, %shift_right_logical3A_475 : vector<8x2048xi32>
      %or3A_477 = arith.ori %shift_left3A_473, %shift_right_logical3A_476 : vector<8x2048xi32>
      %xor3A_478 = arith.xori %or3A_477, %add3A_470 : vector<8x2048xi32>
      %add3A_479 = arith.addi %add3A_470, %xor3A_478 : vector<8x2048xi32>
      %shift_left3A_480 = arith.constant 6 : i32
      %shift_left3A_481 = vector.broadcast %shift_left3A_480 : i32 to vector<8x2048xi32>
      %shift_left3A_482 = arith.shli %xor3A_478, %shift_left3A_481 : vector<8x2048xi32>
      %shift_right_logical3A_483 = arith.constant 26 : i32
      %shift_right_logical3A_484 = vector.broadcast %shift_right_logical3A_483 : i32 to vector<8x2048xi32>
      %shift_right_logical3A_485 = arith.shrui %xor3A_478, %shift_right_logical3A_484 : vector<8x2048xi32>
      %or3A_486 = arith.ori %shift_left3A_482, %shift_right_logical3A_485 : vector<8x2048xi32>
      %xor3A_487 = arith.xori %or3A_486, %add3A_479 : vector<8x2048xi32>
      %add3A_488 = arith.constant 466689800 : i32
      %add3A_489 = vector.broadcast %add3A_488 : i32 to vector<8x2048xi32>
      %add3A_490 = arith.addi %add3A_479, %add3A_489 : vector<8x2048xi32>
      %add3A_491 = arith.constant 5 : i32
      %add3A_492 = vector.broadcast %add3A_491 : i32 to vector<8x2048xi32>
      %add3A_493 = arith.addi %xor3A_487, %add3A_492 : vector<8x2048xi32>
      %xor3A_494 = arith.xori %add3A_490, %add3A_493 : vector<8x2048xi32>
      %shift_right_logical3A_495 = arith.constant 9 : i32
      %shift_right_logical3A_496 = vector.broadcast %shift_right_logical3A_495 : i32 to vector<8x2048xi32>
      %shift_right_logical3A_497 = arith.shrui %xor3A_494, %shift_right_logical3A_496 : vector<8x2048xi32>
      %or3A_498 = arith.constant 1065353216 : i32
      %or3A_499 = vector.broadcast %or3A_498 : i32 to vector<8x2048xi32>
      %or3A_500 = arith.ori %shift_right_logical3A_497, %or3A_499 : vector<8x2048xi32>
      %bitcast_convert_type3A_501 = tpu.bitcast %or3A_500 : vector<8x2048xi32> -> vector<8x2048xf32>
      %sub3A_502 = arith.constant 1.000000e+00 : f32
      %sub3A_503 = vector.broadcast %sub3A_502 : f32 to vector<8x2048xf32>
      %sub3A_504 = arith.subf %bitcast_convert_type3A_501, %sub3A_503 : vector<8x2048xf32>
      %max3A_505 = arith.constant 1.17549435E-38 : f32
      %max3A_506 = vector.broadcast %max3A_505 : f32 to vector<8x2048xf32>
      %max3A_507 = arith.maximumf %max3A_506, %sub3A_504 : vector<8x2048xf32>
      %log3A_508 = math.log %max3A_507 : vector<8x2048xf32>
      %neg3A_509 = arith.constant 0.000000e+00 : f32
      %neg3A_510 = vector.broadcast %neg3A_509 : f32 to vector<8x2048xf32>
      %neg3A_511 = arith.subf %neg3A_510, %log3A_508 : vector<8x2048xf32>
      %log3A_512 = math.log %neg3A_511 : vector<8x2048xf32>
      %neg3A_513 = arith.constant 0.000000e+00 : f32
      %neg3A_514 = vector.broadcast %neg3A_513 : f32 to vector<8x2048xf32>
      %neg3A_515 = arith.subf %neg3A_514, %log3A_512 : vector<8x2048xf32>
      %add3A_516 = arith.addf %get3A_287, %neg3A_515 : vector<8x2048xf32>
      %gt3A = arith.cmpf ogt, %add3A_516, %scan3A_276 : vector<8x2048xf32>
      %select_n3A_517 = arith.select %gt3A, %add3A_516, %scan3A_276 : vector<8x2048xi1>, vector<8x2048xf32>
      %select_n3A_518 = arith.select %gt3A, %add3A_281, %scan3A_277 : vector<8x2048xi1>, vector<8x2048xi32>
      scf.yield %select_n3A_517, %select_n3A_518 : vector<8x2048xf32>, vector<8x2048xi32>
    }
    %scan3A_16 = arith.constant 48 : i32
    %iota3A_17 = tpu.iota {dimensions = array<i32: 1>} : vector<8x1696xi32>
    %add3A_18 = arith.constant 98304 : i32
    %add3A_19 = vector.broadcast %add3A_18 : i32 to vector<8x1696xi32>
    %add3A_20 = arith.addi %add3A_19, %iota3A_17 : vector<8x1696xi32>
    %mul3A_21 = arith.constant 8 : i32
    %mul3A_22 = arith.muli %arg0, %mul3A_21 : i32
    %iota3A_23 = tpu.iota {dimensions = array<i32: 0>} : vector<8x1696xi32>
    %add3A_24 = vector.broadcast %mul3A_22 : i32 to vector<8x1696xi32>
    %add3A_25 = arith.addi %add3A_24, %iota3A_23 : vector<8x1696xi32>
    %mul3A_26 = arith.constant 100000 : i32
    %mul3A_27 = vector.broadcast %mul3A_26 : i32 to vector<8x1696xi32>
    %mul3A_28 = arith.muli %add3A_25, %mul3A_27 : vector<8x1696xi32>
    %add3A_29 = arith.constant 1234 : i32
    %add3A_30 = vector.broadcast %add3A_29 : i32 to vector<8x1696xi32>
    %add3A_31 = arith.addi %mul3A_28, %add3A_30 : vector<8x1696xi32>
    %add3A_32 = arith.addi %add3A_31, %add3A_20 : vector<8x1696xi32>
    %get3A = arith.constant 0 : index
    %get3A_33 = arith.constant 98304 : index
    %get3A_34 = vector.load %arg1[%get3A, %get3A_33] : memref<8x100000xf32, #tpu.memory_space<vmem>>, vector<8x1696xf32>
    %shift_left3A = arith.constant 13 : i32
    %shift_left3A_35 = vector.broadcast %shift_left3A : i32 to vector<8x1696xi32>
    %shift_left3A_36 = arith.shli %add3A_32, %shift_left3A_35 : vector<8x1696xi32>
    %shift_right_logical3A = arith.constant 19 : i32
    %shift_right_logical3A_37 = vector.broadcast %shift_right_logical3A : i32 to vector<8x1696xi32>
    %shift_right_logical3A_38 = arith.shrui %add3A_32, %shift_right_logical3A_37 : vector<8x1696xi32>
    %or3A = arith.ori %shift_left3A_36, %shift_right_logical3A_38 : vector<8x1696xi32>
    %xor3A = arith.xori %or3A, %add3A_32 : vector<8x1696xi32>
    %add3A_39 = arith.addi %add3A_32, %xor3A : vector<8x1696xi32>
    %shift_left3A_40 = arith.constant 15 : i32
    %shift_left3A_41 = vector.broadcast %shift_left3A_40 : i32 to vector<8x1696xi32>
    %shift_left3A_42 = arith.shli %xor3A, %shift_left3A_41 : vector<8x1696xi32>
    %shift_right_logical3A_43 = arith.constant 17 : i32
    %shift_right_logical3A_44 = vector.broadcast %shift_right_logical3A_43 : i32 to vector<8x1696xi32>
    %shift_right_logical3A_45 = arith.shrui %xor3A, %shift_right_logical3A_44 : vector<8x1696xi32>
    %or3A_46 = arith.ori %shift_left3A_42, %shift_right_logical3A_45 : vector<8x1696xi32>
    %xor3A_47 = arith.xori %or3A_46, %add3A_39 : vector<8x1696xi32>
    %add3A_48 = arith.addi %add3A_39, %xor3A_47 : vector<8x1696xi32>
    %shift_left3A_49 = arith.constant 26 : i32
    %shift_left3A_50 = vector.broadcast %shift_left3A_49 : i32 to vector<8x1696xi32>
    %shift_left3A_51 = arith.shli %xor3A_47, %shift_left3A_50 : vector<8x1696xi32>
    %shift_right_logical3A_52 = arith.constant 6 : i32
    %shift_right_logical3A_53 = vector.broadcast %shift_right_logical3A_52 : i32 to vector<8x1696xi32>
    %shift_right_logical3A_54 = arith.shrui %xor3A_47, %shift_right_logical3A_53 : vector<8x1696xi32>
    %or3A_55 = arith.ori %shift_left3A_51, %shift_right_logical3A_54 : vector<8x1696xi32>
    %xor3A_56 = arith.xori %or3A_55, %add3A_48 : vector<8x1696xi32>
    %add3A_57 = arith.addi %add3A_48, %xor3A_56 : vector<8x1696xi32>
    %shift_left3A_58 = arith.constant 6 : i32
    %shift_left3A_59 = vector.broadcast %shift_left3A_58 : i32 to vector<8x1696xi32>
    %shift_left3A_60 = arith.shli %xor3A_56, %shift_left3A_59 : vector<8x1696xi32>
    %shift_right_logical3A_61 = arith.constant 26 : i32
    %shift_right_logical3A_62 = vector.broadcast %shift_right_logical3A_61 : i32 to vector<8x1696xi32>
    %shift_right_logical3A_63 = arith.shrui %xor3A_56, %shift_right_logical3A_62 : vector<8x1696xi32>
    %or3A_64 = arith.ori %shift_left3A_60, %shift_right_logical3A_63 : vector<8x1696xi32>
    %xor3A_65 = arith.xori %or3A_64, %add3A_57 : vector<8x1696xi32>
    %add3A_66 = arith.constant 1234 : i32
    %add3A_67 = vector.broadcast %add3A_66 : i32 to vector<8x1696xi32>
    %add3A_68 = arith.addi %add3A_57, %add3A_67 : vector<8x1696xi32>
    %add3A_69 = arith.constant 466689801 : i32
    %add3A_70 = vector.broadcast %add3A_69 : i32 to vector<8x1696xi32>
    %add3A_71 = arith.addi %xor3A_65, %add3A_70 : vector<8x1696xi32>
    %add3A_72 = arith.addi %add3A_68, %add3A_71 : vector<8x1696xi32>
    %shift_left3A_73 = arith.constant 17 : i32
    %shift_left3A_74 = vector.broadcast %shift_left3A_73 : i32 to vector<8x1696xi32>
    %shift_left3A_75 = arith.shli %add3A_71, %shift_left3A_74 : vector<8x1696xi32>
    %shift_right_logical3A_76 = arith.constant 15 : i32
    %shift_right_logical3A_77 = vector.broadcast %shift_right_logical3A_76 : i32 to vector<8x1696xi32>
    %shift_right_logical3A_78 = arith.shrui %add3A_71, %shift_right_logical3A_77 : vector<8x1696xi32>
    %or3A_79 = arith.ori %shift_left3A_75, %shift_right_logical3A_78 : vector<8x1696xi32>
    %xor3A_80 = arith.xori %or3A_79, %add3A_72 : vector<8x1696xi32>
    %add3A_81 = arith.addi %add3A_72, %xor3A_80 : vector<8x1696xi32>
    %shift_left3A_82 = arith.constant 29 : i32
    %shift_left3A_83 = vector.broadcast %shift_left3A_82 : i32 to vector<8x1696xi32>
    %shift_left3A_84 = arith.shli %xor3A_80, %shift_left3A_83 : vector<8x1696xi32>
    %shift_right_logical3A_85 = arith.constant 3 : i32
    %shift_right_logical3A_86 = vector.broadcast %shift_right_logical3A_85 : i32 to vector<8x1696xi32>
    %shift_right_logical3A_87 = arith.shrui %xor3A_80, %shift_right_logical3A_86 : vector<8x1696xi32>
    %or3A_88 = arith.ori %shift_left3A_84, %shift_right_logical3A_87 : vector<8x1696xi32>
    %xor3A_89 = arith.xori %or3A_88, %add3A_81 : vector<8x1696xi32>
    %add3A_90 = arith.addi %add3A_81, %xor3A_89 : vector<8x1696xi32>
    %shift_left3A_91 = arith.constant 16 : i32
    %shift_left3A_92 = vector.broadcast %shift_left3A_91 : i32 to vector<8x1696xi32>
    %shift_left3A_93 = arith.shli %xor3A_89, %shift_left3A_92 : vector<8x1696xi32>
    %shift_right_logical3A_94 = arith.constant 16 : i32
    %shift_right_logical3A_95 = vector.broadcast %shift_right_logical3A_94 : i32 to vector<8x1696xi32>
    %shift_right_logical3A_96 = arith.shrui %xor3A_89, %shift_right_logical3A_95 : vector<8x1696xi32>
    %or3A_97 = arith.ori %shift_left3A_93, %shift_right_logical3A_96 : vector<8x1696xi32>
    %xor3A_98 = arith.xori %or3A_97, %add3A_90 : vector<8x1696xi32>
    %add3A_99 = arith.addi %add3A_90, %xor3A_98 : vector<8x1696xi32>
    %shift_left3A_100 = arith.constant 24 : i32
    %shift_left3A_101 = vector.broadcast %shift_left3A_100 : i32 to vector<8x1696xi32>
    %shift_left3A_102 = arith.shli %xor3A_98, %shift_left3A_101 : vector<8x1696xi32>
    %shift_right_logical3A_103 = arith.constant 8 : i32
    %shift_right_logical3A_104 = vector.broadcast %shift_right_logical3A_103 : i32 to vector<8x1696xi32>
    %shift_right_logical3A_105 = arith.shrui %xor3A_98, %shift_right_logical3A_104 : vector<8x1696xi32>
    %or3A_106 = arith.ori %shift_left3A_102, %shift_right_logical3A_105 : vector<8x1696xi32>
    %xor3A_107 = arith.xori %or3A_106, %add3A_99 : vector<8x1696xi32>
    %add3A_108 = arith.constant 466689800 : i32
    %add3A_109 = vector.broadcast %add3A_108 : i32 to vector<8x1696xi32>
    %add3A_110 = arith.addi %add3A_99, %add3A_109 : vector<8x1696xi32>
    %add3A_111 = arith.constant 2 : i32
    %add3A_112 = vector.broadcast %add3A_111 : i32 to vector<8x1696xi32>
    %add3A_113 = arith.addi %xor3A_107, %add3A_112 : vector<8x1696xi32>
    %add3A_114 = arith.addi %add3A_110, %add3A_113 : vector<8x1696xi32>
    %shift_left3A_115 = arith.constant 13 : i32
    %shift_left3A_116 = vector.broadcast %shift_left3A_115 : i32 to vector<8x1696xi32>
    %shift_left3A_117 = arith.shli %add3A_113, %shift_left3A_116 : vector<8x1696xi32>
    %shift_right_logical3A_118 = arith.constant 19 : i32
    %shift_right_logical3A_119 = vector.broadcast %shift_right_logical3A_118 : i32 to vector<8x1696xi32>
    %shift_right_logical3A_120 = arith.shrui %add3A_113, %shift_right_logical3A_119 : vector<8x1696xi32>
    %or3A_121 = arith.ori %shift_left3A_117, %shift_right_logical3A_120 : vector<8x1696xi32>
    %xor3A_122 = arith.xori %or3A_121, %add3A_114 : vector<8x1696xi32>
    %add3A_123 = arith.addi %add3A_114, %xor3A_122 : vector<8x1696xi32>
    %shift_left3A_124 = arith.constant 15 : i32
    %shift_left3A_125 = vector.broadcast %shift_left3A_124 : i32 to vector<8x1696xi32>
    %shift_left3A_126 = arith.shli %xor3A_122, %shift_left3A_125 : vector<8x1696xi32>
    %shift_right_logical3A_127 = arith.constant 17 : i32
    %shift_right_logical3A_128 = vector.broadcast %shift_right_logical3A_127 : i32 to vector<8x1696xi32>
    %shift_right_logical3A_129 = arith.shrui %xor3A_122, %shift_right_logical3A_128 : vector<8x1696xi32>
    %or3A_130 = arith.ori %shift_left3A_126, %shift_right_logical3A_129 : vector<8x1696xi32>
    %xor3A_131 = arith.xori %or3A_130, %add3A_123 : vector<8x1696xi32>
    %add3A_132 = arith.addi %add3A_123, %xor3A_131 : vector<8x1696xi32>
    %shift_left3A_133 = arith.constant 26 : i32
    %shift_left3A_134 = vector.broadcast %shift_left3A_133 : i32 to vector<8x1696xi32>
    %shift_left3A_135 = arith.shli %xor3A_131, %shift_left3A_134 : vector<8x1696xi32>
    %shift_right_logical3A_136 = arith.constant 6 : i32
    %shift_right_logical3A_137 = vector.broadcast %shift_right_logical3A_136 : i32 to vector<8x1696xi32>
    %shift_right_logical3A_138 = arith.shrui %xor3A_131, %shift_right_logical3A_137 : vector<8x1696xi32>
    %or3A_139 = arith.ori %shift_left3A_135, %shift_right_logical3A_138 : vector<8x1696xi32>
    %xor3A_140 = arith.xori %or3A_139, %add3A_132 : vector<8x1696xi32>
    %add3A_141 = arith.addi %add3A_132, %xor3A_140 : vector<8x1696xi32>
    %shift_left3A_142 = arith.constant 6 : i32
    %shift_left3A_143 = vector.broadcast %shift_left3A_142 : i32 to vector<8x1696xi32>
    %shift_left3A_144 = arith.shli %xor3A_140, %shift_left3A_143 : vector<8x1696xi32>
    %shift_right_logical3A_145 = arith.constant 26 : i32
    %shift_right_logical3A_146 = vector.broadcast %shift_right_logical3A_145 : i32 to vector<8x1696xi32>
    %shift_right_logical3A_147 = arith.shrui %xor3A_140, %shift_right_logical3A_146 : vector<8x1696xi32>
    %or3A_148 = arith.ori %shift_left3A_144, %shift_right_logical3A_147 : vector<8x1696xi32>
    %xor3A_149 = arith.xori %or3A_148, %add3A_141 : vector<8x1696xi32>
    %add3A_150 = arith.constant 1237 : i32
    %add3A_151 = vector.broadcast %add3A_150 : i32 to vector<8x1696xi32>
    %add3A_152 = arith.addi %xor3A_149, %add3A_151 : vector<8x1696xi32>
    %add3A_153 = arith.addi %add3A_141, %add3A_152 : vector<8x1696xi32>
    %shift_left3A_154 = arith.constant 17 : i32
    %shift_left3A_155 = vector.broadcast %shift_left3A_154 : i32 to vector<8x1696xi32>
    %shift_left3A_156 = arith.shli %add3A_152, %shift_left3A_155 : vector<8x1696xi32>
    %shift_right_logical3A_157 = arith.constant 15 : i32
    %shift_right_logical3A_158 = vector.broadcast %shift_right_logical3A_157 : i32 to vector<8x1696xi32>
    %shift_right_logical3A_159 = arith.shrui %add3A_152, %shift_right_logical3A_158 : vector<8x1696xi32>
    %or3A_160 = arith.ori %shift_left3A_156, %shift_right_logical3A_159 : vector<8x1696xi32>
    %xor3A_161 = arith.xori %or3A_160, %add3A_153 : vector<8x1696xi32>
    %add3A_162 = arith.addi %add3A_153, %xor3A_161 : vector<8x1696xi32>
    %shift_left3A_163 = arith.constant 29 : i32
    %shift_left3A_164 = vector.broadcast %shift_left3A_163 : i32 to vector<8x1696xi32>
    %shift_left3A_165 = arith.shli %xor3A_161, %shift_left3A_164 : vector<8x1696xi32>
    %shift_right_logical3A_166 = arith.constant 3 : i32
    %shift_right_logical3A_167 = vector.broadcast %shift_right_logical3A_166 : i32 to vector<8x1696xi32>
    %shift_right_logical3A_168 = arith.shrui %xor3A_161, %shift_right_logical3A_167 : vector<8x1696xi32>
    %or3A_169 = arith.ori %shift_left3A_165, %shift_right_logical3A_168 : vector<8x1696xi32>
    %xor3A_170 = arith.xori %or3A_169, %add3A_162 : vector<8x1696xi32>
    %add3A_171 = arith.addi %add3A_162, %xor3A_170 : vector<8x1696xi32>
    %shift_left3A_172 = arith.constant 16 : i32
    %shift_left3A_173 = vector.broadcast %shift_left3A_172 : i32 to vector<8x1696xi32>
    %shift_left3A_174 = arith.shli %xor3A_170, %shift_left3A_173 : vector<8x1696xi32>
    %shift_right_logical3A_175 = arith.constant 16 : i32
    %shift_right_logical3A_176 = vector.broadcast %shift_right_logical3A_175 : i32 to vector<8x1696xi32>
    %shift_right_logical3A_177 = arith.shrui %xor3A_170, %shift_right_logical3A_176 : vector<8x1696xi32>
    %or3A_178 = arith.ori %shift_left3A_174, %shift_right_logical3A_177 : vector<8x1696xi32>
    %xor3A_179 = arith.xori %or3A_178, %add3A_171 : vector<8x1696xi32>
    %add3A_180 = arith.addi %add3A_171, %xor3A_179 : vector<8x1696xi32>
    %shift_left3A_181 = arith.constant 24 : i32
    %shift_left3A_182 = vector.broadcast %shift_left3A_181 : i32 to vector<8x1696xi32>
    %shift_left3A_183 = arith.shli %xor3A_179, %shift_left3A_182 : vector<8x1696xi32>
    %shift_right_logical3A_184 = arith.constant 8 : i32
    %shift_right_logical3A_185 = vector.broadcast %shift_right_logical3A_184 : i32 to vector<8x1696xi32>
    %shift_right_logical3A_186 = arith.shrui %xor3A_179, %shift_right_logical3A_185 : vector<8x1696xi32>
    %or3A_187 = arith.ori %shift_left3A_183, %shift_right_logical3A_186 : vector<8x1696xi32>
    %xor3A_188 = arith.xori %or3A_187, %add3A_180 : vector<8x1696xi32>
    %add3A_189 = arith.constant 1234 : i32
    %add3A_190 = vector.broadcast %add3A_189 : i32 to vector<8x1696xi32>
    %add3A_191 = arith.addi %add3A_180, %add3A_190 : vector<8x1696xi32>
    %add3A_192 = arith.constant 466689804 : i32
    %add3A_193 = vector.broadcast %add3A_192 : i32 to vector<8x1696xi32>
    %add3A_194 = arith.addi %xor3A_188, %add3A_193 : vector<8x1696xi32>
    %add3A_195 = arith.addi %add3A_191, %add3A_194 : vector<8x1696xi32>
    %shift_left3A_196 = arith.constant 13 : i32
    %shift_left3A_197 = vector.broadcast %shift_left3A_196 : i32 to vector<8x1696xi32>
    %shift_left3A_198 = arith.shli %add3A_194, %shift_left3A_197 : vector<8x1696xi32>
    %shift_right_logical3A_199 = arith.constant 19 : i32
    %shift_right_logical3A_200 = vector.broadcast %shift_right_logical3A_199 : i32 to vector<8x1696xi32>
    %shift_right_logical3A_201 = arith.shrui %add3A_194, %shift_right_logical3A_200 : vector<8x1696xi32>
    %or3A_202 = arith.ori %shift_left3A_198, %shift_right_logical3A_201 : vector<8x1696xi32>
    %xor3A_203 = arith.xori %or3A_202, %add3A_195 : vector<8x1696xi32>
    %add3A_204 = arith.addi %add3A_195, %xor3A_203 : vector<8x1696xi32>
    %shift_left3A_205 = arith.constant 15 : i32
    %shift_left3A_206 = vector.broadcast %shift_left3A_205 : i32 to vector<8x1696xi32>
    %shift_left3A_207 = arith.shli %xor3A_203, %shift_left3A_206 : vector<8x1696xi32>
    %shift_right_logical3A_208 = arith.constant 17 : i32
    %shift_right_logical3A_209 = vector.broadcast %shift_right_logical3A_208 : i32 to vector<8x1696xi32>
    %shift_right_logical3A_210 = arith.shrui %xor3A_203, %shift_right_logical3A_209 : vector<8x1696xi32>
    %or3A_211 = arith.ori %shift_left3A_207, %shift_right_logical3A_210 : vector<8x1696xi32>
    %xor3A_212 = arith.xori %or3A_211, %add3A_204 : vector<8x1696xi32>
    %add3A_213 = arith.addi %add3A_204, %xor3A_212 : vector<8x1696xi32>
    %shift_left3A_214 = arith.constant 26 : i32
    %shift_left3A_215 = vector.broadcast %shift_left3A_214 : i32 to vector<8x1696xi32>
    %shift_left3A_216 = arith.shli %xor3A_212, %shift_left3A_215 : vector<8x1696xi32>
    %shift_right_logical3A_217 = arith.constant 6 : i32
    %shift_right_logical3A_218 = vector.broadcast %shift_right_logical3A_217 : i32 to vector<8x1696xi32>
    %shift_right_logical3A_219 = arith.shrui %xor3A_212, %shift_right_logical3A_218 : vector<8x1696xi32>
    %or3A_220 = arith.ori %shift_left3A_216, %shift_right_logical3A_219 : vector<8x1696xi32>
    %xor3A_221 = arith.xori %or3A_220, %add3A_213 : vector<8x1696xi32>
    %add3A_222 = arith.addi %add3A_213, %xor3A_221 : vector<8x1696xi32>
    %shift_left3A_223 = arith.constant 6 : i32
    %shift_left3A_224 = vector.broadcast %shift_left3A_223 : i32 to vector<8x1696xi32>
    %shift_left3A_225 = arith.shli %xor3A_221, %shift_left3A_224 : vector<8x1696xi32>
    %shift_right_logical3A_226 = arith.constant 26 : i32
    %shift_right_logical3A_227 = vector.broadcast %shift_right_logical3A_226 : i32 to vector<8x1696xi32>
    %shift_right_logical3A_228 = arith.shrui %xor3A_221, %shift_right_logical3A_227 : vector<8x1696xi32>
    %or3A_229 = arith.ori %shift_left3A_225, %shift_right_logical3A_228 : vector<8x1696xi32>
    %xor3A_230 = arith.xori %or3A_229, %add3A_222 : vector<8x1696xi32>
    %add3A_231 = arith.constant 466689800 : i32
    %add3A_232 = vector.broadcast %add3A_231 : i32 to vector<8x1696xi32>
    %add3A_233 = arith.addi %add3A_222, %add3A_232 : vector<8x1696xi32>
    %add3A_234 = arith.constant 5 : i32
    %add3A_235 = vector.broadcast %add3A_234 : i32 to vector<8x1696xi32>
    %add3A_236 = arith.addi %xor3A_230, %add3A_235 : vector<8x1696xi32>
    %xor3A_237 = arith.xori %add3A_233, %add3A_236 : vector<8x1696xi32>
    %shift_right_logical3A_238 = arith.constant 9 : i32
    %shift_right_logical3A_239 = vector.broadcast %shift_right_logical3A_238 : i32 to vector<8x1696xi32>
    %shift_right_logical3A_240 = arith.shrui %xor3A_237, %shift_right_logical3A_239 : vector<8x1696xi32>
    %or3A_241 = arith.constant 1065353216 : i32
    %or3A_242 = vector.broadcast %or3A_241 : i32 to vector<8x1696xi32>
    %or3A_243 = arith.ori %shift_right_logical3A_240, %or3A_242 : vector<8x1696xi32>
    %bitcast_convert_type3A = tpu.bitcast %or3A_243 : vector<8x1696xi32> -> vector<8x1696xf32>
    %sub3A = arith.constant 1.000000e+00 : f32
    %sub3A_244 = vector.broadcast %sub3A : f32 to vector<8x1696xf32>
    %sub3A_245 = arith.subf %bitcast_convert_type3A, %sub3A_244 : vector<8x1696xf32>
    %max3A = arith.constant 1.17549435E-38 : f32
    %max3A_246 = vector.broadcast %max3A : f32 to vector<8x1696xf32>
    %max3A_247 = arith.maximumf %max3A_246, %sub3A_245 : vector<8x1696xf32>
    %log3A = math.log %max3A_247 : vector<8x1696xf32>
    %neg3A = arith.constant 0.000000e+00 : f32
    %neg3A_248 = vector.broadcast %neg3A : f32 to vector<8x1696xf32>
    %neg3A_249 = arith.subf %neg3A_248, %log3A : vector<8x1696xf32>
    %log3A_250 = math.log %neg3A_249 : vector<8x1696xf32>
    %neg3A_251 = arith.constant 0.000000e+00 : f32
    %neg3A_252 = vector.broadcast %neg3A_251 : f32 to vector<8x1696xf32>
    %neg3A_253 = arith.subf %neg3A_252, %log3A_250 : vector<8x1696xf32>
    %add3A_254 = arith.addf %get3A_34, %neg3A_253 : vector<8x1696xf32>
    %reduce_max3A = arith.constant dense<0xFF800000> : vector<8xf32>
    %reduce_max3A_255 = vector.multi_reduction <maximumf>, %scan3A_15#0, %reduce_max3A [1] : vector<8x2048xf32> to vector<8xf32>
    %broadcast_in_dim3A_256 = vector.shape_cast %reduce_max3A_255 : vector<8xf32> to vector<8x1xf32>
    %reduce_max3A_257 = arith.constant dense<0xFF800000> : vector<8xf32>
    %reduce_max3A_258 = vector.multi_reduction <maximumf>, %add3A_254, %reduce_max3A_257 [1] : vector<8x1696xf32> to vector<8xf32>
    %broadcast_in_dim3A_259 = vector.shape_cast %reduce_max3A_258 : vector<8xf32> to vector<8x1xf32>
    %max3A_260 = arith.maximumf %broadcast_in_dim3A_256, %broadcast_in_dim3A_259 : vector<8x1xf32>
    %eq3A = vector.broadcast %max3A_260 : vector<8x1xf32> to vector<8x2048xf32>
    %eq3A_261 = arith.cmpf oeq, %scan3A_15#0, %eq3A : vector<8x2048xf32>
    %jit3A = arith.constant 2147483647 : i32
    %broadcast_in_dim3A_262 = vector.broadcast %jit3A : i32 to vector<8x2048xi32>
    %select_n3A = arith.select %eq3A_261, %scan3A_15#1, %broadcast_in_dim3A_262 : vector<8x2048xi1>, vector<8x2048xi32>
    %reduce_min3A = arith.constant dense<2147483647> : vector<8xi32>
    %reduce_min3A_263 = vector.multi_reduction <minsi>, %select_n3A, %reduce_min3A [1] : vector<8x2048xi32> to vector<8xi32>
    %broadcast_in_dim3A_264 = vector.shape_cast %reduce_min3A_263 : vector<8xi32> to vector<8x1xi32>
    %eq3A_265 = vector.broadcast %max3A_260 : vector<8x1xf32> to vector<8x1696xf32>
    %eq3A_266 = arith.cmpf oeq, %add3A_254, %eq3A_265 : vector<8x1696xf32>
    %jit3A_267 = arith.constant 2147483647 : i32
    %broadcast_in_dim3A_268 = vector.broadcast %jit3A_267 : i32 to vector<8x1696xi32>
    %select_n3A_269 = arith.select %eq3A_266, %add3A_20, %broadcast_in_dim3A_268 : vector<8x1696xi1>, vector<8x1696xi32>
    %reduce_min3A_270 = arith.constant dense<2147483647> : vector<8xi32>
    %reduce_min3A_271 = vector.multi_reduction <minsi>, %select_n3A_269, %reduce_min3A_270 [1] : vector<8x1696xi32> to vector<8xi32>
    %broadcast_in_dim3A_272 = vector.shape_cast %reduce_min3A_271 : vector<8xi32> to vector<8x1xi32>
    %min3A = arith.minsi %broadcast_in_dim3A_264, %broadcast_in_dim3A_272 : vector<8x1xi32>
    %swap3A = arith.constant 0 : index
    %swap3A_273 = arith.constant 0 : index
    %swap3A_274 = vector.load %arg2[%swap3A, %swap3A_273] : memref<8x1xi32, #tpu.memory_space<vmem>>, vector<8x1xi32>
    tpu.vector_store %arg2[%swap3A, %swap3A_273], %min3A {strides = array<i32>} : memref<8x1xi32, #tpu.memory_space<vmem>>, vector<8x1xi32>,
    return
  }
  func.func @transform_0(%arg0: i32) -> (i32, i32) {
    %c0_i32 = arith.constant 0 : i32
    %c0_i32_0 = arith.constant 0 : i32
    return %arg0, %c0_i32 : i32, i32
  }
  func.func @transform_1(%arg0: i32) -> (i32, i32) {
    %c0_i32 = arith.constant 0 : i32
    %c0_i32_0 = arith.constant 0 : i32
    return %arg0, %c0_i32 : i32, i32
  }
}

module attributes {stable_mosaic.version = 14 : i64} {
  func.func @_light_body(%arg0: i32, %arg1: memref<8x100000xf32, #tpu.memory_space<vmem>>, %arg2: memref<8x100000xi32, #tpu.memory_space<vmem>>, %arg3: memref<104x1xi32, #tpu.memory_space<vmem>>, %arg4: memref<8x100000xf32, #tpu.memory_space<vmem>>, %arg5: memref<128x1xi32, #tpu.memory_space<vmem>>) attributes {dimension_semantics = [#tpu.dimension_semantics<arbitrary>], iteration_bounds = array<i64: 19>, scalar_prefetch = 0 : i64, scratch_operands = 1 : i64, tpu.core_type = #tpu.core_type<tc>, window_params = [{transform_indices = @transform_0, window_bounds = array<i64: 8, 100000>}, {transform_indices = @transform_1, window_bounds = array<i64: 8, 100000>}, {pipeline_mode = #tpu.pipeline_mode<synchronous>, transform_indices = @transform_2, window_bounds = array<i64: 104, 1>}, {transform_indices = @transform_3, window_bounds = array<i64: 8, 100000>}]} {
    %eq3A = arith.constant 0 : i32
    %eq3A_0 = arith.cmpi eq, %arg0, %eq3A : i32
    %convert_element_type3A = arith.extui %eq3A_0 : i1 to i32
    %cond3A = arith.constant 0 : i32
    %cond3A_1 = arith.cmpi ne, %convert_element_type3A, %cond3A : i32
    scf.if %cond3A_1 {
      %get3A = arith.constant 0 : index
      %get3A_10 = arith.constant 0 : index
      %get3A_11 = vector.load %arg3[%get3A, %get3A_10] : memref<104x1xi32, #tpu.memory_space<vmem>>, vector<104x1xi32>
      %swap3A = arith.constant 0 : index
      %swap3A_12 = arith.constant 0 : index
      %swap3A_13 = vector.load %arg5[%swap3A, %swap3A_12] : memref<128x1xi32, #tpu.memory_space<vmem>>, vector<104x1xi32>
      tpu.vector_store %arg5[%swap3A, %swap3A_12], %get3A_11 {strides = array<i32>} : memref<128x1xi32, #tpu.memory_space<vmem>>, vector<104x1xi32>,
    } else {
    }
    %lt3A = arith.constant 3 : i32
    %lt3A_2 = arith.cmpi slt, %arg0, %lt3A : i32
    %convert_element_type3A_3 = arith.extui %lt3A_2 : i1 to i32
    %cond3A_4 = arith.constant 0 : i32
    %cond3A_5 = arith.cmpi ne, %convert_element_type3A_3, %cond3A_4 : i32
    scf.if %cond3A_5 {
      %iota3A = tpu.iota {dimensions = array<i32: 1>} : vector<8x1024xi32>
      %broadcast_in_dim3A = arith.constant 0xFF800000 : f32
      %broadcast_in_dim3A_10 = vector.broadcast %broadcast_in_dim3A : f32 to vector<8x1024xf32>
      %broadcast_in_dim3A_11 = arith.constant 0 : i32
      %broadcast_in_dim3A_12 = vector.broadcast %broadcast_in_dim3A_11 : i32 to vector<8x1024xi32>
      %scan3A = arith.constant 0 : i32
      %scan3A_13 = arith.constant 97 : i32
      %scan3A_14 = arith.addi %scan3A, %scan3A_13 : i32
      %scan3A_15 = arith.constant 1 : i32
      %scan3A_16:2 = scf.for %scan3A_66 = %scan3A to %scan3A_14 step %scan3A_15 iter_args(%scan3A_67 = %broadcast_in_dim3A_10, %scan3A_68 = %broadcast_in_dim3A_12) -> (vector<8x1024xf32>, vector<8x1024xi32>)  : i32 {
        %mul3A_69 = arith.constant 1024 : i32
        %mul3A_70 = arith.muli %scan3A_66, %mul3A_69 : i32
        %add3A_71 = vector.broadcast %mul3A_70 : i32 to vector<8x1024xi32>
        %add3A_72 = arith.addi %add3A_71, %iota3A : vector<8x1024xi32>
        %mul3A_73 = arith.constant 1024 : i32
        %mul3A_74 = arith.muli %scan3A_66, %mul3A_73 : i32
        %get3A_75 = arith.constant 0 : index
        %get3A_76 = arith.index_cast %mul3A_74 : i32 to index
        %get3A_77 = vector.load %arg2[%get3A_75, %get3A_76] : memref<8x100000xi32, #tpu.memory_space<vmem>>, vector<8x1024xi32>
        %bitcast_convert_type3A_78 = tpu.bitcast %get3A_77 : vector<8x1024xi32> -> vector<8x1024xi32>
        %mul3A_79 = arith.constant 1024 : i32
        %mul3A_80 = arith.muli %scan3A_66, %mul3A_79 : i32
        %get3A_81 = arith.constant 0 : index
        %get3A_82 = arith.index_cast %mul3A_80 : i32 to index
        %get3A_83 = vector.load %arg1[%get3A_81, %get3A_82] : memref<8x100000xf32, #tpu.memory_space<vmem>>, vector<8x1024xf32>
        %shift_right_logical3A_84 = arith.constant 9 : i32
        %shift_right_logical3A_85 = vector.broadcast %shift_right_logical3A_84 : i32 to vector<8x1024xi32>
        %shift_right_logical3A_86 = arith.shrui %bitcast_convert_type3A_78, %shift_right_logical3A_85 : vector<8x1024xi32>
        %or3A_87 = arith.constant 1065353216 : i32
        %or3A_88 = vector.broadcast %or3A_87 : i32 to vector<8x1024xi32>
        %or3A_89 = arith.ori %shift_right_logical3A_86, %or3A_88 : vector<8x1024xi32>
        %bitcast_convert_type3A_90 = tpu.bitcast %or3A_89 : vector<8x1024xi32> -> vector<8x1024xf32>
        %sub3A_91 = arith.constant 1.000000e+00 : f32
        %sub3A_92 = vector.broadcast %sub3A_91 : f32 to vector<8x1024xf32>
        %sub3A_93 = arith.subf %bitcast_convert_type3A_90, %sub3A_92 : vector<8x1024xf32>
        %max3A_94 = arith.constant 1.17549435E-38 : f32
        %max3A_95 = vector.broadcast %max3A_94 : f32 to vector<8x1024xf32>
        %max3A_96 = arith.maximumf %max3A_95, %sub3A_93 : vector<8x1024xf32>
        %log3A_97 = math.log %max3A_96 : vector<8x1024xf32>
        %neg3A_98 = arith.constant 0.000000e+00 : f32
        %neg3A_99 = vector.broadcast %neg3A_98 : f32 to vector<8x1024xf32>
        %neg3A_100 = arith.subf %neg3A_99, %log3A_97 : vector<8x1024xf32>
        %log3A_101 = math.log %neg3A_100 : vector<8x1024xf32>
        %neg3A_102 = arith.constant 0.000000e+00 : f32
        %neg3A_103 = vector.broadcast %neg3A_102 : f32 to vector<8x1024xf32>
        %neg3A_104 = arith.subf %neg3A_103, %log3A_101 : vector<8x1024xf32>
        %add3A_105 = arith.addf %get3A_83, %neg3A_104 : vector<8x1024xf32>
        %gt3A = arith.cmpf ogt, %add3A_105, %scan3A_67 : vector<8x1024xf32>
        %select_n3A_106 = arith.select %gt3A, %add3A_105, %scan3A_67 : vector<8x1024xi1>, vector<8x1024xf32>
        %select_n3A_107 = arith.select %gt3A, %add3A_72, %scan3A_68 : vector<8x1024xi1>, vector<8x1024xi32>
        scf.yield %select_n3A_106, %select_n3A_107 : vector<8x1024xf32>, vector<8x1024xi32>
      }
      %scan3A_17 = arith.constant 97 : i32
      %iota3A_18 = tpu.iota {dimensions = array<i32: 1>} : vector<8x672xi32>
      %add3A = arith.constant 99328 : i32
      %add3A_19 = vector.broadcast %add3A : i32 to vector<8x672xi32>
      %add3A_20 = arith.addi %add3A_19, %iota3A_18 : vector<8x672xi32>
      %get3A = arith.constant 0 : index
      %get3A_21 = arith.constant 99328 : index
      %get3A_22 = vector.load %arg2[%get3A, %get3A_21] : memref<8x100000xi32, #tpu.memory_space<vmem>>, vector<8x672xi32>
      %bitcast_convert_type3A = tpu.bitcast %get3A_22 : vector<8x672xi32> -> vector<8x672xi32>
      %get3A_23 = arith.constant 0 : index
      %get3A_24 = arith.constant 99328 : index
      %get3A_25 = vector.load %arg1[%get3A_23, %get3A_24] : memref<8x100000xf32, #tpu.memory_space<vmem>>, vector<8x672xf32>
      %shift_right_logical3A = arith.constant 9 : i32
      %shift_right_logical3A_26 = vector.broadcast %shift_right_logical3A : i32 to vector<8x672xi32>
      %shift_right_logical3A_27 = arith.shrui %bitcast_convert_type3A, %shift_right_logical3A_26 : vector<8x672xi32>
      %or3A = arith.constant 1065353216 : i32
      %or3A_28 = vector.broadcast %or3A : i32 to vector<8x672xi32>
      %or3A_29 = arith.ori %shift_right_logical3A_27, %or3A_28 : vector<8x672xi32>
      %bitcast_convert_type3A_30 = tpu.bitcast %or3A_29 : vector<8x672xi32> -> vector<8x672xf32>
      %sub3A = arith.constant 1.000000e+00 : f32
      %sub3A_31 = vector.broadcast %sub3A : f32 to vector<8x672xf32>
      %sub3A_32 = arith.subf %bitcast_convert_type3A_30, %sub3A_31 : vector<8x672xf32>
      %max3A = arith.constant 1.17549435E-38 : f32
      %max3A_33 = vector.broadcast %max3A : f32 to vector<8x672xf32>
      %max3A_34 = arith.maximumf %max3A_33, %sub3A_32 : vector<8x672xf32>
      %log3A = math.log %max3A_34 : vector<8x672xf32>
      %neg3A = arith.constant 0.000000e+00 : f32
      %neg3A_35 = vector.broadcast %neg3A : f32 to vector<8x672xf32>
      %neg3A_36 = arith.subf %neg3A_35, %log3A : vector<8x672xf32>
      %log3A_37 = math.log %neg3A_36 : vector<8x672xf32>
      %neg3A_38 = arith.constant 0.000000e+00 : f32
      %neg3A_39 = vector.broadcast %neg3A_38 : f32 to vector<8x672xf32>
      %neg3A_40 = arith.subf %neg3A_39, %log3A_37 : vector<8x672xf32>
      %add3A_41 = arith.addf %get3A_25, %neg3A_40 : vector<8x672xf32>
      %reduce_max3A = arith.constant dense<0xFF800000> : vector<8xf32>
      %reduce_max3A_42 = vector.multi_reduction <maximumf>, %scan3A_16#0, %reduce_max3A [1] : vector<8x1024xf32> to vector<8xf32>
      %broadcast_in_dim3A_43 = vector.shape_cast %reduce_max3A_42 : vector<8xf32> to vector<8x1xf32>
      %reduce_max3A_44 = arith.constant dense<0xFF800000> : vector<8xf32>
      %reduce_max3A_45 = vector.multi_reduction <maximumf>, %add3A_41, %reduce_max3A_44 [1] : vector<8x672xf32> to vector<8xf32>
      %broadcast_in_dim3A_46 = vector.shape_cast %reduce_max3A_45 : vector<8xf32> to vector<8x1xf32>
      %max3A_47 = arith.maximumf %broadcast_in_dim3A_43, %broadcast_in_dim3A_46 : vector<8x1xf32>
      %eq3A_48 = vector.broadcast %max3A_47 : vector<8x1xf32> to vector<8x1024xf32>
      %eq3A_49 = arith.cmpf oeq, %scan3A_16#0, %eq3A_48 : vector<8x1024xf32>
      %jit3A = arith.constant 2147483647 : i32
      %broadcast_in_dim3A_50 = vector.broadcast %jit3A : i32 to vector<8x1024xi32>
      %select_n3A = arith.select %eq3A_49, %scan3A_16#1, %broadcast_in_dim3A_50 : vector<8x1024xi1>, vector<8x1024xi32>
      %reduce_min3A = arith.constant dense<2147483647> : vector<8xi32>
      %reduce_min3A_51 = vector.multi_reduction <minsi>, %select_n3A, %reduce_min3A [1] : vector<8x1024xi32> to vector<8xi32>
      %broadcast_in_dim3A_52 = vector.shape_cast %reduce_min3A_51 : vector<8xi32> to vector<8x1xi32>
      %eq3A_53 = vector.broadcast %max3A_47 : vector<8x1xf32> to vector<8x672xf32>
      %eq3A_54 = arith.cmpf oeq, %add3A_41, %eq3A_53 : vector<8x672xf32>
      %jit3A_55 = arith.constant 2147483647 : i32
      %broadcast_in_dim3A_56 = vector.broadcast %jit3A_55 : i32 to vector<8x672xi32>
      %select_n3A_57 = arith.select %eq3A_54, %add3A_20, %broadcast_in_dim3A_56 : vector<8x672xi1>, vector<8x672xi32>
      %reduce_min3A_58 = arith.constant dense<2147483647> : vector<8xi32>
      %reduce_min3A_59 = vector.multi_reduction <minsi>, %select_n3A_57, %reduce_min3A_58 [1] : vector<8x672xi32> to vector<8xi32>
      %broadcast_in_dim3A_60 = vector.shape_cast %reduce_min3A_59 : vector<8xi32> to vector<8x1xi32>
      %min3A = arith.minsi %broadcast_in_dim3A_52, %broadcast_in_dim3A_60 : vector<8x1xi32>
      %mul3A = arith.constant 8 : i32
      %mul3A_61 = arith.muli %arg0, %mul3A : i32
      %add3A_62 = arith.constant 104 : i32
      %add3A_63 = arith.addi %add3A_62, %mul3A_61 : i32
      %swap3A = arith.index_cast %add3A_63 : i32 to index
      %swap3A_64 = arith.constant 0 : index
      %swap3A_65 = vector.load %arg5[%swap3A, %swap3A_64] : memref<128x1xi32, #tpu.memory_space<vmem>>, vector<8x1xi32>
      tpu.vector_store %arg5[%swap3A, %swap3A_64], %min3A {strides = array<i32>} : memref<128x1xi32, #tpu.memory_space<vmem>>, vector<8x1xi32>,
    } else {
    }
    %ge3A = arith.constant 3 : i32
    %ge3A_6 = arith.cmpi sge, %arg0, %ge3A : i32
    %convert_element_type3A_7 = arith.extui %ge3A_6 : i1 to i32
    %cond3A_8 = arith.constant 0 : i32
    %cond3A_9 = arith.cmpi ne, %convert_element_type3A_7, %cond3A_8 : i32
    scf.if %cond3A_9 {
      %sub3A = arith.constant 3 : i32
      %sub3A_10 = arith.subi %arg0, %sub3A : i32
      %mul3A = arith.constant 8 : i32
      %mul3A_11 = arith.muli %sub3A_10, %mul3A : i32
      %get3A = arith.index_cast %mul3A_11 : i32 to index
      %get3A_12 = arith.constant 0 : index
      %get3A_13 = vector.load %arg5[%get3A, %get3A_12] : memref<128x1xi32, #tpu.memory_space<vmem>>, vector<8x1xi32>
      %iota3A = tpu.iota {dimensions = array<i32: 1>} : vector<8x100000xi32>
      %eq3A_14 = vector.broadcast %get3A_13 : vector<8x1xi32> to vector<8x100000xi32>
      %eq3A_15 = arith.cmpi eq, %iota3A, %eq3A_14 : vector<8x100000xi32>
      %convert_element_type3A_16 = arith.extui %eq3A_15 : vector<8x100000xi1> to vector<8x100000xi32>
      %convert_element_type3A_17 = arith.sitofp %convert_element_type3A_16 : vector<8x100000xi32> to vector<8x100000xf32>
      %swap3A = arith.constant 0 : index
      %swap3A_18 = arith.constant 0 : index
      %swap3A_19 = vector.load %arg4[%swap3A, %swap3A_18] : memref<8x100000xf32, #tpu.memory_space<vmem>>, vector<8x100000xf32>
      tpu.vector_store %arg4[%swap3A, %swap3A_18], %convert_element_type3A_17 {strides = array<i32>} : memref<8x100000xf32, #tpu.memory_space<vmem>>, vector<8x100000xf32>,
    } else {
    }
    return
  }
  func.func @transform_0(%arg0: i32) -> (i32, i32) {
    %min3A = arith.constant 2 : i32
    %min3A_0 = arith.minsi %arg0, %min3A : i32
    %c0_i32 = arith.constant 0 : i32
    %c0_i32_1 = arith.constant 0 : i32
    return %min3A_0, %c0_i32 : i32, i32
  }
  func.func @transform_1(%arg0: i32) -> (i32, i32) {
    %min3A = arith.constant 2 : i32
    %min3A_0 = arith.minsi %arg0, %min3A : i32
    %c0_i32 = arith.constant 0 : i32
    %c0_i32_1 = arith.constant 0 : i32
    return %min3A_0, %c0_i32 : i32, i32
  }
  func.func @transform_2(%arg0: i32) -> (i32, i32) {
    %c0_i32 = arith.constant 0 : i32
    %c0_i32_0 = arith.constant 0 : i32
    %c0_i32_1 = arith.constant 0 : i32
    return %c0_i32, %c0_i32_0 : i32, i32
  }
  func.func @transform_3(%arg0: i32) -> (i32, i32) {
    %sub3A = arith.constant 3 : i32
    %sub3A_0 = arith.subi %arg0, %sub3A : i32
    %max3A = arith.constant 0 : i32
    %max3A_1 = arith.maxsi %sub3A_0, %max3A : i32
    %c0_i32 = arith.constant 0 : i32
    %c0_i32_2 = arith.constant 0 : i32
    return %max3A_1, %c0_i32 : i32, i32
  }
}

</mosaic_0001>

<sc_bundles>
// kernel: kernel.5.cloned.1.call-start
scs
__scs_entry_jumppad:
0x0: {  	(pc) =	sbr.rel $0x88, $3  }
0x1: {  	(tag) =	ssettag $0x0;
	lr =	simm.s32 $0x1  }
0x2: {  	[smem:$0x3FA0] =	sst lr;
	_ =	strace $0xD0000000  }
0x3: {  	_ = 	snop  }
0x4: {  	_ = 	snop  }
0x5: {  	_ = 	snop  }
0x6: {  	_ = 	snop  }
0x7: {  	_ = 	snop  }
__scs_overlays_trampoline_lowered:
0x8: {  	[smem:$0x3FAF] =	sst s0  }
0x9: {  	[smem:$0x3FB0] =	sst s1  }
0xa: {  	[smem:$0x3FB1] =	sst s2  }
0xb: {  	[smem:$0x3FB2] =	sst s3  }
0xc: {  	[smem:$0x3FB3] =	sst s4  }
0xd: {  	[smem:$0x3FB4] =	sst s5  }
0xe: {  	[smem:$0x3FB5] =	sst s6  }
0xf: {  	[smem:$0x3FB6] =	sst s7  }
0x10: {  	[smem:$0x3FB7] =	sst s8  }
0x11: {  	[smem:$0x3FB8] =	sst s9;
	s0 =	simm.s32 @!p0 $0x0  }
0x12: {  	s1 =	sld [smem:$0x3F9E];
	s0 =	simm.s32 @p0 $0x1  }
0x13: {  	[smem:$0x3FB9] =	sst s0;
	s0 =	simm.s32 @!p1 $0x0  }
0x14: {  	s2 =	sld [smem:$0x3F9D];
	s0 =	simm.s32 @p1 $0x1  }
0x15: {  	[smem:$0x3FBA] =	sst s0;
	s0 =	simm.s32 @!p2 $0x0  }
0x16: {  	s3 =	sld [smem:$0x3FDB];
	s0 =	simm.s32 @p2 $0x1  }
0x17: {  	s4 =	simm.s32 $0x1BF5;
	[smem:$0x3FBC] =	sst s0  }
0x18: {  	s0 =	sld [smem:$0x3F9F];
	_ =	swait.ge [sflag:s4], $0x0  }
0x19: {  	s7 =	sld [smem:$0x3FA0]  }
0x1a: {  	s8 =	sadd.s32 $0xFFFFE003, lr  }
0x1b: {  	s9 =	sadd.s32 $0xFFFFFEF7, lr;
	s5 =	simm.s32 $0xFFFFFFFF;
	p2 =	slt.u32 s8, $0xFFFFF086  }
0x1c: {  	p1 =	slt.u32 s9, $0xF7A;
	s5 =	simm.s32 @!p2 $0x0  }
0x1d: {  	s5 =	simm.s32 @p1 $0x1;
	p0 =	seq.s32 s7, s2  }
0x1e: {  	s7 =	smul.u32 @!p0 $0xF7A, s2;
	p2 =	seq.s32 @!p0 s5, $0x0  }
0x1f: {  	s9 =	smul.u32 $0xF7A, s1;
	s8 =	simm.s32 @!p0 $0x1BF5;
	p2 =	por !p2, p0  }
0x20: {  	[sflag:s8] =	ssyncset.s32 @!p0 $0xFFFFF086;
	s6 =	sadd.s32 @!p0 s3, s7;
	s7 =	simm.s32 @!p0 $0x108  }
0x21: {  	s3 =	sadd.s32 s3, s9;
	s6 =	sadd.s32 @!p0 $0x88, s6;
	s7 =	simm.s32 @p2 $0x1082  }
0x22: {  	[simem:s7], [sflag:s8] =	dma.local @!p0 [hbm:s6], $0xF7A  }
0x23: {  	s9 =	sor.u32 $0xD0000000, s2;
	s6 =	simm.s32 $0x108;
	_ =	swait.ge @!p0 [sflag:s8], $0x0  }
0x24: {  	s3 =	sadd.s32 $0x88, s3;
	s6 =	simm.s32 @!p1 $0x1082;
	[sflag:s4] =	ssyncset.s32 $0xFFFFF086  }
0x25: {  	[simem:s6], [sflag:s4] =	dma.local [hbm:s3], $0xF7A  }
0x26: {  	[smem:$0x3FA0] =	sst s1;
	(tag) =	ssettag s2;
	_ =	strace s9  }
0x27: {  	s1 =	sld [smem:$0x3FB0]  }
0x28: {  	s2 =	sld [smem:$0x3FB1]  }
0x29: {  	s4 =	sld [smem:$0x3FB3]  }
0x2a: {  	p0 =	seq.s32 s5, $0x0;
	s5 =	sld [smem:$0x3FB4]  }
0x2b: {  	s6 =	sld [smem:$0x3FB5]  }
0x2c: {  	s7 =	sld [smem:$0x3FB6]  }
0x2d: {  	s3 =	simm.s32 $0x108;
	s8 =	sld [smem:$0x3FB7]  }
0x2e: {  	s3 =	simm.s32 @!p0 $0x1082;
	s9 =	sld [smem:$0x3FB8]  }
0x2f: {  	lr =	sadd.s32 s0, s3;
	s0 =	sld [smem:$0x3FAF]  }
0x30: {  	s3 =	sld [smem:$0x3FB2]  }
0x31: {  	[smem:$0x3FBB] =	sst s10  }
0x32: {  	s10 =	sld [smem:$0x3FB9];
	_ =	sdelay $0x3  }
0x33: {  	p0 =	seq.s32 s10, $0x1;
	s10 =	sld [smem:$0x3FBB];
	_ =	sdelay $0x3  }
0x34: {  	[smem:$0x3FBB] =	sst s10  }
0x35: {  	s10 =	sld [smem:$0x3FBA];
	_ =	sdelay $0x3  }
0x36: {  	p1 =	seq.s32 s10, $0x1;
	s10 =	sld [smem:$0x3FBB];
	_ =	sdelay $0x3  }
0x37: {  	[smem:$0x3FBB] =	sst s10  }
0x38: {  	s10 =	sld [smem:$0x3FBC]  }
0x39: {  	_ = 	snop;
	(pc) =	sbr.ind lr, $3  }
0x3a: {  	_ = 	snop  }
0x3b: {  	_ = 	snop  }
0x3c: {  	p2 =	seq.s32 s10, $0x1;
	s10 =	sld [smem:$0x3FBB]  }
0x3d: {  	_ =	shalt  }
0x3e: {  	_ =	shalt  }
0x3f: {  	_ =	shalt  }
0x40: {  	_ =	shalt  }
0x41: {  	_ =	shalt  }
0x42: {  	_ =	shalt  }
0x43: {  	_ =	shalt  }
0x44: {  	_ =	shalt  }
0x45: {  	_ =	shalt  }
0x46: {  	_ =	shalt  }
0x47: {  	_ =	shalt  }
0x48: {  	_ =	shalt  }
0x49: {  	_ =	shalt  }
0x4a: {  	_ =	shalt  }
0x4b: {  	_ =	shalt  }
0x4c: {  	_ =	shalt  }
0x4d: {  	_ =	shalt  }
0x4e: {  	_ =	shalt  }
0x4f: {  	_ =	shalt  }
0x50: {  	_ =	shalt  }
0x51: {  	_ =	shalt  }
0x52: {  	_ =	shalt  }
0x53: {  	_ =	shalt  }
0x54: {  	_ =	shalt  }
0x55: {  	_ =	shalt  }
0x56: {  	_ =	shalt  }
0x57: {  	_ =	shalt  }
0x58: {  	_ =	shalt  }
0x59: {  	_ =	shalt  }
0x5a: {  	_ =	shalt  }
0x5b: {  	_ =	shalt  }
0x5c: {  	_ =	shalt  }
0x5d: {  	_ =	shalt  }
0x5e: {  	_ =	shalt  }
0x5f: {  	_ =	shalt  }
0x60: {  	_ =	shalt  }
0x61: {  	_ =	shalt  }
0x62: {  	_ =	shalt  }
0x63: {  	_ =	shalt  }
0x64: {  	_ =	shalt  }
0x65: {  	_ =	shalt  }
0x66: {  	_ =	shalt  }
0x67: {  	_ =	shalt  }
0x68: {  	_ =	shalt  }
0x69: {  	_ =	shalt  }
0x6a: {  	_ =	shalt  }
0x6b: {  	_ =	shalt  }
0x6c: {  	_ =	shalt  }
0x6d: {  	_ =	shalt  }
0x6e: {  	_ =	shalt  }
0x6f: {  	_ =	shalt  }
0x70: {  	_ =	shalt  }
0x71: {  	_ =	shalt  }
0x72: {  	_ =	shalt  }
0x73: {  	_ =	shalt  }
0x74: {  	_ =	shalt  }
0x75: {  	_ =	shalt  }
0x76: {  	_ =	shalt  }
0x77: {  	_ =	shalt  }
0x78: {  	_ =	shalt  }
0x79: {  	_ =	shalt  }
0x7a: {  	_ =	shalt  }
0x7b: {  	_ =	shalt  }
0x7c: {  	_ =	shalt  }
0x7d: {  	_ =	shalt  }
0x7e: {  	_ =	shalt  }
0x7f: {  	_ =	shalt  }
0x80: {  	_ =	shalt  }
0x81: {  	_ =	shalt  }
0x82: {  	_ =	shalt  }
0x83: {  	_ =	shalt  }
0x84: {  	_ =	shalt  }
0x85: {  	_ =	shalt  }
0x86: {  	_ =	shalt  }
0x87: {  	_ =	shalt  }
.Lfunc_end0:
.L_simem_size_0:
called_computation_lowered:
.L_overlay_start_0:
0x88: {  	s2 =	sld [smem:$0x3FD9]  }
0x89: {  	s3 =	sld [smem:$0x3FFE];
	_ =	sdelay $0x1  }
0x8a: {  	s1 =	srdreg.scid  }
0x8b: {  	s0 =	sand.u32 $0x1, s1  }
0x8c: {  	s18 =	sshll.u32 s0, $0xA;
	s2 =	sadd.s32 s3, s2  }
0x8d: {  	s2 =	sadd.s32 s2, s18  }
0x8e: {  	[smem:$0x3FC7] =	sst s2  }
0x8f: {  	_ = 	snop  }
0x90: {  	s2 =	sld [smem:$0x3FD0];
	(tm) =	ssettm $0x1  }
0x91: {  	s19 =	sld [smem:$0x3FFB];
	_ =	sdelay $0x3  }
0x92: {  	_ =	strace s19  }
0x93: {  	s3 =	sld [smem:$0x3FFC];
	_ =	sdelay $0x3  }
0x94: {  	_ =	strace s3  }
0x95: {  	s3 =	sld [smem:$0x3FFD];
	_ =	sdelay $0x3  }
0x96: {  	_ =	strace s3  }
0x97: {  	_ =	strace $0x8FFFFFFF  }
0x98: {  	s20 =	sld [smem:$0x3FDB];
	_ =	sdelay $0x1  }
0x99: {  	s4 =	simm.s32 $_scs_section_size  }
0x9a: {  	s5 =	simm.s32 $_size__tile_overlayer_lowered;
	s6 =	simm.s32 $_tile_overlayer_lowered  }
0x9b: {  	s23 =	simm.s32 $0x1BFF;
	s22 =	sshll.u32 s6, $0x1;
	s3 =	sadd.s32 s4, s20  }
0x9c: {  	s7 =	simm.s32 $0x0;
	s21 =	sshll.u32 s5, $0x1;
	s5 =	sadd.s32 s22, s3  }
0x9d: {  	[timem:s7], [sflag:s23] =	dma.local [hbm:s5], s21  }
0x9e: {  	_ =	swait.ge [sflag:s23], s21  }
0x9f: {  	s4 =	ssub.s32 $0x0, s21;
	[sflag:s23] =	ssyncset.done $0x0  }
0xa0: {  	[sflag:s23] =	ssyncadd.s32 s4;
	_ =	sdelay $0x1  }
0xa1: {  	s24 =	simm.s32 $0x1B8B  }
0xa2: {  	_ =	swait.ge [sflag:s24], $0x1  }
0xa3: {  	[sflag:s24] =	ssyncset.done $0x0  }
0xa4: {  	s25 =	simm.s32 $0x1B8E;
	[sflag:s24] =	ssyncadd.s32 $0xFFFFFFFF  }
0xa5: {  	s26 =	simm.s32 $execute0_lowered;
	[smem:$0x3FD2] =	sst s25  }
0xa6: {  	s4 =	sshll.u32 s26, $0x1;
	_ =	strace $0x80000046;
	[dreg:$0x1] =	wrdreg $0xFFFFFFFF  }
0xa7: {  	s28 =	simm.s32 $_size_execute0_lowered;
	s3 =	sadd.s32 s3, s4;
	[dreg:$0x0] =	wrdreg $0x0  }
0xa8: {  	s4 =	sshll.u32 s28, $0x1;
	[dreg:$0x2] =	wrdreg s3  }
0xa9: {  	[dreg:$0x3] =	wrdreg s4  }
0xaa: {  	[dreg:$0x4] =	wrdreg $0xC0  }
0xab: {  	_ =	task [dreg:s7], $0x5FFFF  }
0xac: {  	[dreg:$0x1] =	wrdreg $0xFFFFFFFF  }
0xad: {  	[dreg:$0x0] =	wrdreg $0x60  }
0xae: {  	[dreg:$0x2] =	wrdreg s2  }
0xaf: {  	[dreg:$0x3] =	wrdreg $0x9  }
0xb0: {  	_ =	task.clear_ibuf [dreg:s7], $0x4FFFF;
	_ =	strace $0x90000046  }
0xb1: {  	s29 =	simm.s32 $0x9;
	_ =	strace $0x80000048  }
0xb2: {  	_ =	swait.ge [sflag:s29], $0x1  }
0xb3: {  	[sflag:s29] =	ssyncadd.s32 $0xFFFFFFFF  }
0xb4: {  	_ =	strace $0x90000048  }
0xb5: {  	_ =	sfence  }
0xb6: {  	s30 =	sld [smem:$0x0];
	_ =	sdelay $0x2  }
0xb7: {  	s31 =	sshll.u32 s1, $0xD;
	s1 =	sshrl.u32 s1, $0x2  }
0xb8: {  	s3 =	sand.u32 $0x4000, s31;
	s1 =	sadd.s32 s1, s30  }
0xb9: {  	s0 =	sor.u32 s3, s0;
	s1 =	sshll.u32 s1, $0x11  }
0xba: {  	s0 =	sor.u32 s1, s0  }
0xbb: {  	s0 =	sadd.s32 $0x8F2B, s0  }
0xbc: {  	[sflag:s0] =	ssyncadd.remote.s32 $0x1  }
0xbd: {  	_ =	sfence.sel $0xFFFF  }
0xbe: {  	[dreg:$0x0] =	wrdreg $0xFFFFFFFF;
	(pc) =	sbr.abs _section_cstart, $3  }
0xbf: {  	[dreg:$0x1] =	wrdreg $0xFFFFFFFF  }
0xc0: {  	_ =	task.clear_ibuf [dreg:s7], $0x2FFFF;
	_ =	strace $0x9FFFFFFF  }
0xc1: {  	(tm) =	ssettm $0x7FFFFFFF  }
tec
execute0_lowered:
.L_overlay_start_1:
0x0: {  	(tag) =	ssettag $0x1  }
0x1: {  	s0 =	srdreg.scid  }
0x2: {  	s2 =	rddreg [dreg:$0x0];
	s1 =	stileid.u32;
	s4 =	simm.s32 $0x0  }
.Ltmp0:
0x3: {  	s9 =	simm.s32 $0x0;
	s3 =	sand.u32 $0x1, s0;
	(pc) =	sbr.rel .LBB2_1-.Ltmp0, $4  }
0x4: {  	s0 =	rddreg [dreg:$0x1];
	s7 =	smul.u32 $0xC80, s1;
	s5 =	ssub.s32 $0x2, s3  }
0x5: {  	[smem:$0x7FF] =	sst s4;
	s8 =	smul.u32 $0x640, s3;
	s6 =	sshrl.u32 s5, $0x1  }
0x6: {  	_ =	strace $0x80000047;
	s6 =	ssub.s32 s5, s6;
	s5 =	sshll.u32 s1, $0x1  }
0x7: {  	v0 =	vlaneseq.u32;
	s7 =	sadd.s32 s8, s7;
	s8 =	simm.s32 $0x1;
	s6 =	smax.u32 s6, $0x1  }
.LBB2_7:
0x8: {  	s9 =	sadd.s32 $0x1, s9  }
0x9: {  	p0 =	sne.s32 s9, s6  }
.Ltmp1:
0xa: {  	_ = 	snop;
	(pc) =	sbr.rel @!p0 .LBB2_8-.Ltmp1, $1  }
0xb: {  	_ =	sdelay $0x3  }
.LBB2_1:
.Ltmp2:
0xc: {  	(pc) =	sbr.rel .LBB2_2-.Ltmp2, $2  }
0xd: {  	_ =	sdelay $0x2  }
0xe: {  	[tilespmem:$0x680] =	vst v0;
	s10 =	smov.u32 s7;
	s11 =	simm.s32 $0x0  }
.LBB2_6:
0xf: {  	s11 =	sadd.s32 $0x1, s11  }
0x10: {  	p0 =	sne.s32 s11, $0x2F  }
.Ltmp3:
0x11: {  	_ = 	snop;
	(pc) =	sbr.rel @!p0 .LBB2_7-.Ltmp3, $2  }
0x12: {  	_ =	sdelay $0x2  }
0x13: {  	s10 =	sadd.s32 $0xC800, s10  }
.LBB2_2:
0x14: {  	s12 =	sshll.u32 s11, $0x5  }
0x15: {  	s12 =	sor.u32 s5, s12  }
0x16: {  	p0 =	sgt.u32 s12, $0x5DB  }
.Ltmp4:
0x17: {  	_ = 	snop;
	(pc) =	sbr.rel @p0 .LBB2_6-.Ltmp4, $1  }
0x18: {  	_ =	sdelay $0x3  }
0x19: {  	s12 =	sor.u32 s3, s12  }
0x1a: {  	s13 =	simm.s32 $0x0;
	s14 =	simm.s32 $0x50;
	s12 =	smul.u32 $0x640, s12  }
.LBB2_4:
0x1b: {  	v1 =	vld [tilespmem:$0x680];
	_ =	sdelay $0x2  }
0x1c: {  	s15 =	sadd.s32 s13, s10  }
0x1d: {  	s16 =	sadd.s32 $0x9EB5D2, s15  }
0x1e: {  	v1 =	vadd.s32 s16, v1  }
0x1f: {  	v2 =	vshrl.u32 v1, $0x13;
	v3 =	vshll.u32 v1, $0xD  }
0x20: {  	v2 =	vor.u32 v2, v3  }
0x21: {  	v2 =	vxor.u32 v1, v2  }
0x22: {  	v3 =	vshrl.u32 v2, $0x11;
	v4 =	vshll.u32 v2, $0xF  }
0x23: {  	v1 =	vadd.s32 v1, v2;
	v2 =	vor.u32 v3, v4  }
0x24: {  	v2 =	vxor.u32 v1, v2  }
0x25: {  	v3 =	vshrl.u32 v2, $0x6;
	v17 =	vshll.u32 v2, $0x1A  }
0x26: {  	v1 =	vadd.s32 v1, v2;
	v2 =	vor.u32 v3, v17  }
0x27: {  	v2 =	vxor.u32 v1, v2  }
0x28: {  	v3 =	vshrl.u32 v2, $0x1A;
	v18 =	vshll.u32 v2, $0x6  }
0x29: {  	v1 =	vadd.s32 v1, v2;
	v2 =	vor.u32 v3, v18  }
0x2a: {  	v2 =	vxor.u32 v1, v2  }
0x2b: {  	v2 =	vadd.s32 $0x1BD11F09, v2  }
0x2c: {  	v1 =	vadd.s32 v2, v1;
	v3 =	vshrl.u32 v2, $0xF;
	v2 =	vshll.u32 v2, $0x11  }
0x2d: {  	v1 =	vadd.s32 $0x4D2, v1;
	v2 =	vor.u32 v3, v2  }
0x2e: {  	v2 =	vxor.u32 v1, v2  }
0x2f: {  	v3 =	vshrl.u32 v2, $0x3;
	v19 =	vshll.u32 v2, $0x1D  }
0x30: {  	v1 =	vadd.s32 v1, v2;
	v2 =	vor.u32 v3, v19  }
0x31: {  	v2 =	vxor.u32 v1, v2  }
0x32: {  	v3 =	vshrl.u32 v2, $0x10;
	v20 =	vshll.u32 v2, $0x10  }
0x33: {  	v1 =	vadd.s32 v1, v2;
	v2 =	vor.u32 v3, v20  }
0x34: {  	v2 =	vxor.u32 v1, v2  }
0x35: {  	v3 =	vshrl.u32 v2, $0x8;
	v21 =	vshll.u32 v2, $0x18  }
0x36: {  	v1 =	vadd.s32 v1, v2;
	v2 =	vor.u32 v3, v21  }
0x37: {  	v2 =	vxor.u32 v1, v2  }
0x38: {  	v2 =	vadd.s32 $0x2, v2  }
0x39: {  	v1 =	vadd.s32 v2, v1;
	v3 =	vshrl.u32 v2, $0x13;
	v2 =	vshll.u32 v2, $0xD  }
0x3a: {  	v1 =	vadd.s32 $0x1BD11F08, v1;
	v2 =	vor.u32 v3, v2  }
0x3b: {  	v2 =	vxor.u32 v1, v2  }
0x3c: {  	v3 =	vshrl.u32 v2, $0x11;
	v22 =	vshll.u32 v2, $0xF  }
0x3d: {  	v1 =	vadd.s32 v1, v2;
	v2 =	vor.u32 v3, v22  }
0x3e: {  	v2 =	vxor.u32 v1, v2  }
0x3f: {  	v3 =	vshrl.u32 v2, $0x6;
	v23 =	vshll.u32 v2, $0x1A  }
0x40: {  	v1 =	vadd.s32 v1, v2;
	v2 =	vor.u32 v3, v23  }
0x41: {  	v2 =	vxor.u32 v1, v2  }
0x42: {  	v3 =	vshrl.u32 v2, $0x1A;
	v24 =	vshll.u32 v2, $0x6  }
0x43: {  	v1 =	vadd.s32 v1, v2;
	v2 =	vor.u32 v3, v24  }
0x44: {  	v2 =	vxor.u32 v1, v2  }
0x45: {  	v2 =	vadd.s32 $0x4D5, v2  }
0x46: {  	v3 =	vshrl.u32 v2, $0xF;
	v25 =	vshll.u32 v2, $0x11  }
0x47: {  	v1 =	vadd.s32 v1, v2;
	v2 =	vor.u32 v3, v25  }
0x48: {  	v2 =	vxor.u32 v1, v2  }
0x49: {  	v3 =	vshrl.u32 v2, $0x3;
	v26 =	vshll.u32 v2, $0x1D  }
0x4a: {  	v1 =	vadd.s32 v1, v2;
	v2 =	vor.u32 v3, v26  }
0x4b: {  	v2 =	vxor.u32 v1, v2  }
0x4c: {  	v3 =	vshrl.u32 v2, $0x10;
	v27 =	vshll.u32 v2, $0x10  }
0x4d: {  	v1 =	vadd.s32 v1, v2;
	v2 =	vor.u32 v3, v27  }
0x4e: {  	v2 =	vxor.u32 v1, v2  }
0x4f: {  	v3 =	vshrl.u32 v2, $0x8;
	v28 =	vshll.u32 v2, $0x18  }
0x50: {  	v1 =	vadd.s32 v1, v2;
	v2 =	vor.u32 v3, v28  }
0x51: {  	v2 =	vxor.u32 v1, v2  }
0x52: {  	v2 =	vadd.s32 $0x1BD11F0C, v2  }
0x53: {  	v1 =	vadd.s32 v2, v1;
	v3 =	vshrl.u32 v2, $0x13;
	v2 =	vshll.u32 v2, $0xD  }
0x54: {  	v1 =	vadd.s32 $0x4D2, v1;
	v2 =	vor.u32 v3, v2  }
0x55: {  	v2 =	vxor.u32 v1, v2  }
0x56: {  	v3 =	vshrl.u32 v2, $0x11;
	v29 =	vshll.u32 v2, $0xF  }
0x57: {  	v1 =	vadd.s32 v1, v2;
	v2 =	vor.u32 v3, v29  }
0x58: {  	v2 =	vxor.u32 v1, v2  }
0x59: {  	v3 =	vshrl.u32 v2, $0x6;
	v30 =	vshll.u32 v2, $0x1A  }
0x5a: {  	v1 =	vadd.s32 v1, v2;
	v2 =	vor.u32 v3, v30  }
0x5b: {  	v2 =	vxor.u32 v1, v2  }
0x5c: {  	v3 =	vshrl.u32 v2, $0x1A;
	v31 =	vshll.u32 v2, $0x6  }
0x5d: {  	v1 =	vadd.s32 v1, v2;
	v2 =	vor.u32 v3, v31  }
0x5e: {  	v2 =	vxor.u32 v1, v2  }
0x5f: {  	v1 =	vadd.s32 $0x1BD11F08, v1;
	v2 =	vadd.s32 $0x5, v2  }
0x60: {  	v1 =	vxor.u32 v1, v2  }
0x61: {  	[tilespmem:s14+$0xFFFFFFB0] =	vst v1  }
0x62: {  	v1 =	vld [tilespmem:$0x680];
	_ =	sdelay $0x3  }
0x63: {  	s22 =	sadd.s32 $0x9EB5E2, s15  }
0x64: {  	v1 =	vadd.s32 s22, v1  }
0x65: {  	v2 =	vshrl.u32 v1, $0x13;
	v3 =	vshll.u32 v1, $0xD  }
0x66: {  	v2 =	vor.u32 v2, v3  }
0x67: {  	v2 =	vxor.u32 v1, v2  }
0x68: {  	v3 =	vshrl.u32 v2, $0x11;
	v32 =	vshll.u32 v2, $0xF  }
0x69: {  	v1 =	vadd.s32 v1, v2;
	v2 =	vor.u32 v3, v32  }
0x6a: {  	v2 =	vxor.u32 v1, v2  }
0x6b: {  	v3 =	vshrl.u32 v2, $0x6;
	v33 =	vshll.u32 v2, $0x1A  }
0x6c: {  	v1 =	vadd.s32 v1, v2;
	v2 =	vor.u32 v3, v33  }
0x6d: {  	v2 =	vxor.u32 v1, v2  }
0x6e: {  	v3 =	vshrl.u32 v2, $0x1A;
	v34 =	vshll.u32 v2, $0x6  }
0x6f: {  	v1 =	vadd.s32 v1, v2;
	v2 =	vor.u32 v3, v34  }
0x70: {  	v2 =	vxor.u32 v1, v2  }
0x71: {  	v2 =	vadd.s32 $0x1BD11F09, v2  }
0x72: {  	v1 =	vadd.s32 v2, v1;
	v3 =	vshrl.u32 v2, $0xF;
	v2 =	vshll.u32 v2, $0x11  }
0x73: {  	v1 =	vadd.s32 $0x4D2, v1;
	v2 =	vor.u32 v3, v2  }
0x74: {  	v2 =	vxor.u32 v1, v2  }
0x75: {  	v3 =	vshrl.u32 v2, $0x3;
	v35 =	vshll.u32 v2, $0x1D  }
0x76: {  	v1 =	vadd.s32 v1, v2;
	v2 =	vor.u32 v3, v35  }
0x77: {  	v2 =	vxor.u32 v1, v2  }
0x78: {  	v3 =	vshrl.u32 v2, $0x10;
	v36 =	vshll.u32 v2, $0x10  }
0x79: {  	v1 =	vadd.s32 v1, v2;
	v2 =	vor.u32 v3, v36  }
0x7a: {  	v2 =	vxor.u32 v1, v2  }
0x7b: {  	v3 =	vshrl.u32 v2, $0x8;
	v37 =	vshll.u32 v2, $0x18  }
0x7c: {  	v1 =	vadd.s32 v1, v2;
	v2 =	vor.u32 v3, v37  }
0x7d: {  	v2 =	vxor.u32 v1, v2  }
0x7e: {  	v2 =	vadd.s32 $0x2, v2  }
0x7f: {  	v1 =	vadd.s32 v2, v1;
	v3 =	vshrl.u32 v2, $0x13;
	v2 =	vshll.u32 v2, $0xD  }
0x80: {  	v1 =	vadd.s32 $0x1BD11F08, v1;
	v2 =	vor.u32 v3, v2  }
0x81: {  	v2 =	vxor.u32 v1, v2  }
0x82: {  	v3 =	vshrl.u32 v2, $0x11;
	v38 =	vshll.u32 v2, $0xF  }
0x83: {  	v1 =	vadd.s32 v1, v2;
	v2 =	vor.u32 v3, v38  }
0x84: {  	v2 =	vxor.u32 v1, v2  }
0x85: {  	v3 =	vshrl.u32 v2, $0x6;
	v39 =	vshll.u32 v2, $0x1A  }
0x86: {  	v1 =	vadd.s32 v1, v2;
	v2 =	vor.u32 v3, v39  }
0x87: {  	v2 =	vxor.u32 v1, v2  }
0x88: {  	v3 =	vshrl.u32 v2, $0x1A;
	v40 =	vshll.u32 v2, $0x6  }
0x89: {  	v1 =	vadd.s32 v1, v2;
	v2 =	vor.u32 v3, v40  }
0x8a: {  	v2 =	vxor.u32 v1, v2  }
0x8b: {  	v2 =	vadd.s32 $0x4D5, v2  }
0x8c: {  	v3 =	vshrl.u32 v2, $0xF;
	v41 =	vshll.u32 v2, $0x11  }
0x8d: {  	v1 =	vadd.s32 v1, v2;
	v2 =	vor.u32 v3, v41  }
0x8e: {  	v2 =	vxor.u32 v1, v2  }
0x8f: {  	v3 =	vshrl.u32 v2, $0x3;
	v42 =	vshll.u32 v2, $0x1D  }
0x90: {  	v1 =	vadd.s32 v1, v2;
	v2 =	vor.u32 v3, v42  }
0x91: {  	v2 =	vxor.u32 v1, v2  }
0x92: {  	v3 =	vshrl.u32 v2, $0x10;
	v43 =	vshll.u32 v2, $0x10  }
0x93: {  	v1 =	vadd.s32 v1, v2;
	v2 =	vor.u32 v3, v43  }
0x94: {  	v2 =	vxor.u32 v1, v2  }
0x95: {  	v3 =	vshrl.u32 v2, $0x8;
	v44 =	vshll.u32 v2, $0x18  }
0x96: {  	v1 =	vadd.s32 v1, v2;
	v2 =	vor.u32 v3, v44  }
0x97: {  	v2 =	vxor.u32 v1, v2  }
0x98: {  	v2 =	vadd.s32 $0x1BD11F0C, v2  }
0x99: {  	v1 =	vadd.s32 v2, v1;
	v3 =	vshrl.u32 v2, $0x13;
	v2 =	vshll.u32 v2, $0xD  }
0x9a: {  	v1 =	vadd.s32 $0x4D2, v1;
	v2 =	vor.u32 v3, v2  }
0x9b: {  	v2 =	vxor.u32 v1, v2  }
0x9c: {  	v3 =	vshrl.u32 v2, $0x11;
	v45 =	vshll.u32 v2, $0xF  }
0x9d: {  	v1 =	vadd.s32 v1, v2;
	v2 =	vor.u32 v3, v45  }
0x9e: {  	v2 =	vxor.u32 v1, v2  }
0x9f: {  	v3 =	vshrl.u32 v2, $0x6;
	v46 =	vshll.u32 v2, $0x1A  }
0xa0: {  	v1 =	vadd.s32 v1, v2;
	v2 =	vor.u32 v3, v46  }
0xa1: {  	v2 =	vxor.u32 v1, v2  }
0xa2: {  	v3 =	vshrl.u32 v2, $0x1A;
	v47 =	vshll.u32 v2, $0x6  }
0xa3: {  	v1 =	vadd.s32 v1, v2;
	v2 =	vor.u32 v3, v47  }
0xa4: {  	v2 =	vxor.u32 v1, v2  }
0xa5: {  	v1 =	vadd.s32 $0x1BD11F08, v1;
	v2 =	vadd.s32 $0x5, v2  }
0xa6: {  	v1 =	vxor.u32 v1, v2  }
0xa7: {  	[tilespmem:s14+$0xFFFFFFC0] =	vst v1  }
0xa8: {  	v1 =	vld [tilespmem:$0x680];
	_ =	sdelay $0x3  }
0xa9: {  	s23 =	sadd.s32 $0x9EB5F2, s15  }
0xaa: {  	v1 =	vadd.s32 s23, v1  }
0xab: {  	v2 =	vshrl.u32 v1, $0x13;
	v3 =	vshll.u32 v1, $0xD  }
0xac: {  	v2 =	vor.u32 v2, v3  }
0xad: {  	v2 =	vxor.u32 v1, v2  }
0xae: {  	v3 =	vshrl.u32 v2, $0x11;
	v48 =	vshll.u32 v2, $0xF  }
0xaf: {  	v1 =	vadd.s32 v1, v2;
	v2 =	vor.u32 v3, v48  }
0xb0: {  	v2 =	vxor.u32 v1, v2  }
0xb1: {  	v3 =	vshrl.u32 v2, $0x6;
	v49 =	vshll.u32 v2, $0x1A  }
0xb2: {  	v1 =	vadd.s32 v1, v2;
	v2 =	vor.u32 v3, v49  }
0xb3: {  	v2 =	vxor.u32 v1, v2  }
0xb4: {  	v3 =	vshrl.u32 v2, $0x1A;
	v50 =	vshll.u32 v2, $0x6  }
0xb5: {  	v1 =	vadd.s32 v1, v2;
	v2 =	vor.u32 v3, v50  }
0xb6: {  	v2 =	vxor.u32 v1, v2  }
0xb7: {  	v2 =	vadd.s32 $0x1BD11F09, v2  }
0xb8: {  	v1 =	vadd.s32 v2, v1;
	v3 =	vshrl.u32 v2, $0xF;
	v2 =	vshll.u32 v2, $0x11  }
0xb9: {  	v1 =	vadd.s32 $0x4D2, v1;
	v2 =	vor.u32 v3, v2  }
0xba: {  	v2 =	vxor.u32 v1, v2  }
0xbb: {  	v3 =	vshrl.u32 v2, $0x3;
	v51 =	vshll.u32 v2, $0x1D  }
0xbc: {  	v1 =	vadd.s32 v1, v2;
	v2 =	vor.u32 v3, v51  }
0xbd: {  	v2 =	vxor.u32 v1, v2  }
0xbe: {  	v3 =	vshrl.u32 v2, $0x10;
	v52 =	vshll.u32 v2, $0x10  }
0xbf: {  	v1 =	vadd.s32 v1, v2;
	v2 =	vor.u32 v3, v52  }
0xc0: {  	v2 =	vxor.u32 v1, v2  }
0xc1: {  	v3 =	vshrl.u32 v2, $0x8;
	v53 =	vshll.u32 v2, $0x18  }
0xc2: {  	v1 =	vadd.s32 v1, v2;
	v2 =	vor.u32 v3, v53  }
0xc3: {  	v2 =	vxor.u32 v1, v2  }
0xc4: {  	v2 =	vadd.s32 $0x2, v2  }
0xc5: {  	v1 =	vadd.s32 v2, v1;
	v3 =	vshrl.u32 v2, $0x13;
	v2 =	vshll.u32 v2, $0xD  }
0xc6: {  	v1 =	vadd.s32 $0x1BD11F08, v1;
	v2 =	vor.u32 v3, v2  }
0xc7: {  	v2 =	vxor.u32 v1, v2  }
0xc8: {  	v3 =	vshrl.u32 v2, $0x11;
	v54 =	vshll.u32 v2, $0xF  }
0xc9: {  	v1 =	vadd.s32 v1, v2;
	v2 =	vor.u32 v3, v54  }
0xca: {  	v2 =	vxor.u32 v1, v2  }
0xcb: {  	v3 =	vshrl.u32 v2, $0x6;
	v55 =	vshll.u32 v2, $0x1A  }
0xcc: {  	v1 =	vadd.s32 v1, v2;
	v2 =	vor.u32 v3, v55  }
0xcd: {  	v2 =	vxor.u32 v1, v2  }
0xce: {  	v3 =	vshrl.u32 v2, $0x1A;
	v56 =	vshll.u32 v2, $0x6  }
0xcf: {  	v1 =	vadd.s32 v1, v2;
	v2 =	vor.u32 v3, v56  }
0xd0: {  	v2 =	vxor.u32 v1, v2  }
0xd1: {  	v2 =	vadd.s32 $0x4D5, v2  }
0xd2: {  	v3 =	vshrl.u32 v2, $0xF;
	v57 =	vshll.u32 v2, $0x11  }
0xd3: {  	v1 =	vadd.s32 v1, v2;
	v2 =	vor.u32 v3, v57  }
0xd4: {  	v2 =	vxor.u32 v1, v2  }
0xd5: {  	v3 =	vshrl.u32 v2, $0x3;
	v58 =	vshll.u32 v2, $0x1D  }
0xd6: {  	v1 =	vadd.s32 v1, v2;
	v2 =	vor.u32 v3, v58  }
0xd7: {  	v2 =	vxor.u32 v1, v2  }
0xd8: {  	v3 =	vshrl.u32 v2, $0x10;
	v59 =	vshll.u32 v2, $0x10  }
0xd9: {  	v1 =	vadd.s32 v1, v2;
	v2 =	vor.u32 v3, v59  }
0xda: {  	v2 =	vxor.u32 v1, v2  }
0xdb: {  	v3 =	vshrl.u32 v2, $0x8;
	v60 =	vshll.u32 v2, $0x18  }
0xdc: {  	v1 =	vadd.s32 v1, v2;
	v2 =	vor.u32 v3, v60  }
0xdd: {  	v2 =	vxor.u32 v1, v2  }
0xde: {  	v2 =	vadd.s32 $0x1BD11F0C, v2  }
0xdf: {  	v1 =	vadd.s32 v2, v1;
	v3 =	vshrl.u32 v2, $0x13;
	v2 =	vshll.u32 v2, $0xD  }
0xe0: {  	v1 =	vadd.s32 $0x4D2, v1;
	v2 =	vor.u32 v3, v2  }
0xe1: {  	v2 =	vxor.u32 v1, v2  }
0xe2: {  	v3 =	vshrl.u32 v2, $0x11;
	v61 =	vshll.u32 v2, $0xF  }
0xe3: {  	v1 =	vadd.s32 v1, v2;
	v2 =	vor.u32 v3, v61  }
0xe4: {  	v2 =	vxor.u32 v1, v2  }
0xe5: {  	v3 =	vshrl.u32 v2, $0x6;
	v62 =	vshll.u32 v2, $0x1A  }
0xe6: {  	v1 =	vadd.s32 v1, v2;
	v2 =	vor.u32 v3, v62  }
0xe7: {  	v2 =	vxor.u32 v1, v2  }
0xe8: {  	v3 =	vshrl.u32 v2, $0x1A;
	v63 =	vshll.u32 v2, $0x6  }
0xe9: {  	v1 =	vadd.s32 v1, v2;
	v2 =	vor.u32 v3, v63  }
0xea: {  	v2 =	vxor.u32 v1, v2  }
0xeb: {  	v1 =	vadd.s32 $0x1BD11F08, v1;
	v2 =	vadd.s32 $0x5, v2  }
0xec: {  	v1 =	vxor.u32 v1, v2  }
0xed: {  	[tilespmem:s14+$0xFFFFFFD0] =	vst v1  }
0xee: {  	v1 =	vld [tilespmem:$0x680];
	_ =	sdelay $0x3  }
0xef: {  	s24 =	sadd.s32 $0x9EB602, s15  }
0xf0: {  	v1 =	vadd.s32 s24, v1  }
0xf1: {  	v2 =	vshrl.u32 v1, $0x13;
	v3 =	vshll.u32 v1, $0xD  }
0xf2: {  	v2 =	vor.u32 v2, v3  }
0xf3: {  	v2 =	vxor.u32 v1, v2  }
0xf4: {  	v3 =	vshrl.u32 v2, $0x11;
	v8 =	vshll.u32 v2, $0xF  }
0xf5: {  	v1 =	vadd.s32 v1, v2;
	v2 =	vor.u32 v3, v8  }
0xf6: {  	v2 =	vxor.u32 v1, v2  }
0xf7: {  	v3 =	vshrl.u32 v2, $0x6;
	v9 =	vshll.u32 v2, $0x1A  }
0xf8: {  	v1 =	vadd.s32 v1, v2;
	v2 =	vor.u32 v3, v9  }
0xf9: {  	v2 =	vxor.u32 v1, v2  }
0xfa: {  	v3 =	vshrl.u32 v2, $0x1A;
	v10 =	vshll.u32 v2, $0x6  }
0xfb: {  	v1 =	vadd.s32 v1, v2;
	v2 =	vor.u32 v3, v10  }
0xfc: {  	v2 =	vxor.u32 v1, v2  }
0xfd: {  	v2 =	vadd.s32 $0x1BD11F09, v2  }
0xfe: {  	v1 =	vadd.s32 v2, v1;
	v3 =	vshrl.u32 v2, $0xF;
	v2 =	vshll.u32 v2, $0x11  }
0xff: {  	v1 =	vadd.s32 $0x4D2, v1;
	v2 =	vor.u32 v3, v2  }
0x100: {  	v2 =	vxor.u32 v1, v2  }
0x101: {  	v3 =	vshrl.u32 v2, $0x3;
	v11 =	vshll.u32 v2, $0x1D  }
0x102: {  	v1 =	vadd.s32 v1, v2;
	v2 =	vor.u32 v3, v11  }
0x103: {  	v2 =	vxor.u32 v1, v2  }
0x104: {  	v3 =	vshrl.u32 v2, $0x10;
	v12 =	vshll.u32 v2, $0x10  }
0x105: {  	v1 =	vadd.s32 v1, v2;
	v2 =	vor.u32 v3, v12  }
0x106: {  	v2 =	vxor.u32 v1, v2  }
0x107: {  	v3 =	vshrl.u32 v2, $0x8;
	v13 =	vshll.u32 v2, $0x18  }
0x108: {  	v1 =	vadd.s32 v1, v2;
	v2 =	vor.u32 v3, v13  }
0x109: {  	v2 =	vxor.u32 v1, v2  }
0x10a: {  	v2 =	vadd.s32 $0x2, v2  }
0x10b: {  	v1 =	vadd.s32 v2, v1;
	v3 =	vshrl.u32 v2, $0x13;
	v2 =	vshll.u32 v2, $0xD  }
0x10c: {  	v1 =	vadd.s32 $0x1BD11F08, v1;
	v2 =	vor.u32 v3, v2  }
0x10d: {  	v2 =	vxor.u32 v1, v2  }
0x10e: {  	v3 =	vshrl.u32 v2, $0x11;
	v14 =	vshll.u32 v2, $0xF  }
0x10f: {  	v1 =	vadd.s32 v1, v2;
	v2 =	vor.u32 v3, v14  }
0x110: {  	v2 =	vxor.u32 v1, v2  }
0x111: {  	v3 =	vshrl.u32 v2, $0x6;
	v15 =	vshll.u32 v2, $0x1A  }
0x112: {  	v1 =	vadd.s32 v1, v2;
	v2 =	vor.u32 v3, v15  }
0x113: {  	v2 =	vxor.u32 v1, v2  }
0x114: {  	v3 =	vshrl.u32 v2, $0x1A;
	v16 =	vshll.u32 v2, $0x6  }
0x115: {  	v1 =	vadd.s32 v1, v2;
	v2 =	vor.u32 v3, v16  }
0x116: {  	v2 =	vxor.u32 v1, v2  }
0x117: {  	v2 =	vadd.s32 $0x4D5, v2  }
0x118: {  	v3 =	vshrl.u32 v2, $0xF;
	v17 =	vshll.u32 v2, $0x11  }
0x119: {  	v1 =	vadd.s32 v1, v2;
	v2 =	vor.u32 v3, v17  }
0x11a: {  	v2 =	vxor.u32 v1, v2  }
0x11b: {  	v3 =	vshrl.u32 v2, $0x3;
	v18 =	vshll.u32 v2, $0x1D  }
0x11c: {  	v1 =	vadd.s32 v1, v2;
	v2 =	vor.u32 v3, v18  }
0x11d: {  	v2 =	vxor.u32 v1, v2  }
0x11e: {  	v3 =	vshrl.u32 v2, $0x10;
	v19 =	vshll.u32 v2, $0x10  }
0x11f: {  	v1 =	vadd.s32 v1, v2;
	v2 =	vor.u32 v3, v19  }
0x120: {  	v2 =	vxor.u32 v1, v2  }
0x121: {  	v3 =	vshrl.u32 v2, $0x8;
	v20 =	vshll.u32 v2, $0x18  }
0x122: {  	v1 =	vadd.s32 v1, v2;
	v2 =	vor.u32 v3, v20  }
0x123: {  	v2 =	vxor.u32 v1, v2  }
0x124: {  	v2 =	vadd.s32 $0x1BD11F0C, v2  }
0x125: {  	v1 =	vadd.s32 v2, v1;
	v3 =	vshrl.u32 v2, $0x13;
	v2 =	vshll.u32 v2, $0xD  }
0x126: {  	v1 =	vadd.s32 $0x4D2, v1;
	v2 =	vor.u32 v3, v2  }
0x127: {  	v2 =	vxor.u32 v1, v2  }
0x128: {  	v3 =	vshrl.u32 v2, $0x11;
	v21 =	vshll.u32 v2, $0xF  }
0x129: {  	v1 =	vadd.s32 v1, v2;
	v2 =	vor.u32 v3, v21  }
0x12a: {  	v2 =	vxor.u32 v1, v2  }
0x12b: {  	v3 =	vshrl.u32 v2, $0x6;
	v22 =	vshll.u32 v2, $0x1A  }
0x12c: {  	v1 =	vadd.s32 v1, v2;
	v2 =	vor.u32 v3, v22  }
0x12d: {  	v2 =	vxor.u32 v1, v2  }
0x12e: {  	v3 =	vshrl.u32 v2, $0x1A;
	v23 =	vshll.u32 v2, $0x6  }
0x12f: {  	v1 =	vadd.s32 v1, v2;
	v2 =	vor.u32 v3, v23  }
0x130: {  	v2 =	vxor.u32 v1, v2  }
0x131: {  	v1 =	vadd.s32 $0x1BD11F08, v1;
	v2 =	vadd.s32 $0x5, v2  }
0x132: {  	v1 =	vxor.u32 v1, v2  }
0x133: {  	[tilespmem:s14+$0xFFFFFFE0] =	vst v1  }
0x134: {  	v1 =	vld [tilespmem:$0x680];
	_ =	sdelay $0x3  }
0x135: {  	s25 =	sadd.s32 $0x9EB612, s15  }
0x136: {  	v1 =	vadd.s32 s25, v1  }
0x137: {  	v2 =	vshrl.u32 v1, $0x13;
	v3 =	vshll.u32 v1, $0xD  }
0x138: {  	v2 =	vor.u32 v2, v3  }
0x139: {  	v2 =	vxor.u32 v1, v2  }
0x13a: {  	v3 =	vshrl.u32 v2, $0x11;
	v24 =	vshll.u32 v2, $0xF  }
0x13b: {  	v1 =	vadd.s32 v1, v2;
	v2 =	vor.u32 v3, v24  }
0x13c: {  	v2 =	vxor.u32 v1, v2  }
0x13d: {  	v3 =	vshrl.u32 v2, $0x6;
	v25 =	vshll.u32 v2, $0x1A  }
0x13e: {  	v1 =	vadd.s32 v1, v2;
	v2 =	vor.u32 v3, v25  }
0x13f: {  	v2 =	vxor.u32 v1, v2  }
0x140: {  	v3 =	vshrl.u32 v2, $0x1A;
	v26 =	vshll.u32 v2, $0x6  }
0x141: {  	v1 =	vadd.s32 v1, v2;
	v2 =	vor.u32 v3, v26  }
0x142: {  	v2 =	vxor.u32 v1, v2  }
0x143: {  	v2 =	vadd.s32 $0x1BD11F09, v2  }
0x144: {  	v1 =	vadd.s32 v2, v1;
	v3 =	vshrl.u32 v2, $0xF;
	v2 =	vshll.u32 v2, $0x11  }
0x145: {  	v1 =	vadd.s32 $0x4D2, v1;
	v2 =	vor.u32 v3, v2  }
0x146: {  	v2 =	vxor.u32 v1, v2  }
0x147: {  	v3 =	vshrl.u32 v2, $0x3;
	v27 =	vshll.u32 v2, $0x1D  }
0x148: {  	v1 =	vadd.s32 v1, v2;
	v2 =	vor.u32 v3, v27  }
0x149: {  	v2 =	vxor.u32 v1, v2  }
0x14a: {  	v3 =	vshrl.u32 v2, $0x10;
	v28 =	vshll.u32 v2, $0x10  }
0x14b: {  	v1 =	vadd.s32 v1, v2;
	v2 =	vor.u32 v3, v28  }
0x14c: {  	v2 =	vxor.u32 v1, v2  }
0x14d: {  	v3 =	vshrl.u32 v2, $0x8;
	v29 =	vshll.u32 v2, $0x18  }
0x14e: {  	v1 =	vadd.s32 v1, v2;
	v2 =	vor.u32 v3, v29  }
0x14f: {  	v2 =	vxor.u32 v1, v2  }
0x150: {  	v2 =	vadd.s32 $0x2, v2  }
0x151: {  	v1 =	vadd.s32 v2, v1;
	v3 =	vshrl.u32 v2, $0x13;
	v2 =	vshll.u32 v2, $0xD  }
0x152: {  	v1 =	vadd.s32 $0x1BD11F08, v1;
	v2 =	vor.u32 v3, v2  }
0x153: {  	v2 =	vxor.u32 v1, v2  }
0x154: {  	v3 =	vshrl.u32 v2, $0x11;
	v30 =	vshll.u32 v2, $0xF  }
0x155: {  	v1 =	vadd.s32 v1, v2;
	v2 =	vor.u32 v3, v30  }
0x156: {  	v2 =	vxor.u32 v1, v2  }
0x157: {  	v3 =	vshrl.u32 v2, $0x6;
	v31 =	vshll.u32 v2, $0x1A  }
0x158: {  	v1 =	vadd.s32 v1, v2;
	v2 =	vor.u32 v3, v31  }
0x159: {  	v2 =	vxor.u32 v1, v2  }
0x15a: {  	v3 =	vshrl.u32 v2, $0x1A;
	v32 =	vshll.u32 v2, $0x6  }
0x15b: {  	v1 =	vadd.s32 v1, v2;
	v2 =	vor.u32 v3, v32  }
0x15c: {  	v2 =	vxor.u32 v1, v2  }
0x15d: {  	v2 =	vadd.s32 $0x4D5, v2  }
0x15e: {  	v3 =	vshrl.u32 v2, $0xF;
	v33 =	vshll.u32 v2, $0x11  }
0x15f: {  	v1 =	vadd.s32 v1, v2;
	v2 =	vor.u32 v3, v33  }
0x160: {  	v2 =	vxor.u32 v1, v2  }
0x161: {  	v3 =	vshrl.u32 v2, $0x3;
	v34 =	vshll.u32 v2, $0x1D  }
0x162: {  	v1 =	vadd.s32 v1, v2;
	v2 =	vor.u32 v3, v34  }
0x163: {  	v2 =	vxor.u32 v1, v2  }
0x164: {  	v3 =	vshrl.u32 v2, $0x10;
	v35 =	vshll.u32 v2, $0x10  }
0x165: {  	v1 =	vadd.s32 v1, v2;
	v2 =	vor.u32 v3, v35  }
0x166: {  	v2 =	vxor.u32 v1, v2  }
0x167: {  	v3 =	vshrl.u32 v2, $0x8;
	v36 =	vshll.u32 v2, $0x18  }
0x168: {  	v1 =	vadd.s32 v1, v2;
	v2 =	vor.u32 v3, v36  }
0x169: {  	v2 =	vxor.u32 v1, v2  }
0x16a: {  	v2 =	vadd.s32 $0x1BD11F0C, v2  }
0x16b: {  	v1 =	vadd.s32 v2, v1;
	v3 =	vshrl.u32 v2, $0x13;
	v2 =	vshll.u32 v2, $0xD  }
0x16c: {  	v1 =	vadd.s32 $0x4D2, v1;
	v2 =	vor.u32 v3, v2  }
0x16d: {  	v2 =	vxor.u32 v1, v2  }
0x16e: {  	v3 =	vshrl.u32 v2, $0x11;
	v37 =	vshll.u32 v2, $0xF  }
0x16f: {  	v1 =	vadd.s32 v1, v2;
	v2 =	vor.u32 v3, v37  }
0x170: {  	v2 =	vxor.u32 v1, v2  }
0x171: {  	v3 =	vshrl.u32 v2, $0x6;
	v38 =	vshll.u32 v2, $0x1A  }
0x172: {  	v1 =	vadd.s32 v1, v2;
	v2 =	vor.u32 v3, v38  }
0x173: {  	v2 =	vxor.u32 v1, v2  }
0x174: {  	v3 =	vshrl.u32 v2, $0x1A;
	v39 =	vshll.u32 v2, $0x6  }
0x175: {  	v1 =	vadd.s32 v1, v2;
	v2 =	vor.u32 v3, v39  }
0x176: {  	v2 =	vxor.u32 v1, v2  }
0x177: {  	v1 =	vadd.s32 $0x1BD11F08, v1;
	v2 =	vadd.s32 $0x5, v2  }
0x178: {  	v1 =	vxor.u32 v1, v2  }
0x179: {  	[tilespmem:s14+$0xFFFFFFF0] =	vst v1  }
0x17a: {  	v1 =	vld [tilespmem:$0x680];
	_ =	sdelay $0x3  }
0x17b: {  	s26 =	sadd.s32 $0x9EB622, s15  }
0x17c: {  	v1 =	vadd.s32 s26, v1  }
0x17d: {  	v2 =	vshrl.u32 v1, $0x13;
	v3 =	vshll.u32 v1, $0xD  }
0x17e: {  	v2 =	vor.u32 v2, v3  }
0x17f: {  	v2 =	vxor.u32 v1, v2  }
0x180: {  	v3 =	vshrl.u32 v2, $0x11;
	v40 =	vshll.u32 v2, $0xF  }
0x181: {  	v1 =	vadd.s32 v1, v2;
	v2 =	vor.u32 v3, v40  }
0x182: {  	v2 =	vxor.u32 v1, v2  }
0x183: {  	v3 =	vshrl.u32 v2, $0x6;
	v41 =	vshll.u32 v2, $0x1A  }
0x184: {  	v1 =	vadd.s32 v1, v2;
	v2 =	vor.u32 v3, v41  }
0x185: {  	v2 =	vxor.u32 v1, v2  }
0x186: {  	v3 =	vshrl.u32 v2, $0x1A;
	v42 =	vshll.u32 v2, $0x6  }
0x187: {  	v1 =	vadd.s32 v1, v2;
	v2 =	vor.u32 v3, v42  }
0x188: {  	v2 =	vxor.u32 v1, v2  }
0x189: {  	v2 =	vadd.s32 $0x1BD11F09, v2  }
0x18a: {  	v1 =	vadd.s32 v2, v1;
	v3 =	vshrl.u32 v2, $0xF;
	v2 =	vshll.u32 v2, $0x11  }
0x18b: {  	v1 =	vadd.s32 $0x4D2, v1;
	v2 =	vor.u32 v3, v2  }
0x18c: {  	v2 =	vxor.u32 v1, v2  }
0x18d: {  	v3 =	vshrl.u32 v2, $0x3;
	v43 =	vshll.u32 v2, $0x1D  }
0x18e: {  	v1 =	vadd.s32 v1, v2;
	v2 =	vor.u32 v3, v43  }
0x18f: {  	v2 =	vxor.u32 v1, v2  }
0x190: {  	v3 =	vshrl.u32 v2, $0x10;
	v44 =	vshll.u32 v2, $0x10  }
0x191: {  	v1 =	vadd.s32 v1, v2;
	v2 =	vor.u32 v3, v44  }
0x192: {  	v2 =	vxor.u32 v1, v2  }
0x193: {  	v3 =	vshrl.u32 v2, $0x8;
	v45 =	vshll.u32 v2, $0x18  }
0x194: {  	v1 =	vadd.s32 v1, v2;
	v2 =	vor.u32 v3, v45  }
0x195: {  	v2 =	vxor.u32 v1, v2  }
0x196: {  	v2 =	vadd.s32 $0x2, v2  }
0x197: {  	v1 =	vadd.s32 v2, v1;
	v3 =	vshrl.u32 v2, $0x13;
	v2 =	vshll.u32 v2, $0xD  }
0x198: {  	v1 =	vadd.s32 $0x1BD11F08, v1;
	v2 =	vor.u32 v3, v2  }
0x199: {  	v2 =	vxor.u32 v1, v2  }
0x19a: {  	v3 =	vshrl.u32 v2, $0x11;
	v46 =	vshll.u32 v2, $0xF  }
0x19b: {  	v1 =	vadd.s32 v1, v2;
	v2 =	vor.u32 v3, v46  }
0x19c: {  	v2 =	vxor.u32 v1, v2  }
0x19d: {  	v3 =	vshrl.u32 v2, $0x6;
	v47 =	vshll.u32 v2, $0x1A  }
0x19e: {  	v1 =	vadd.s32 v1, v2;
	v2 =	vor.u32 v3, v47  }
0x19f: {  	v2 =	vxor.u32 v1, v2  }
0x1a0: {  	v3 =	vshrl.u32 v2, $0x1A;
	v48 =	vshll.u32 v2, $0x6  }
0x1a1: {  	v1 =	vadd.s32 v1, v2;
	v2 =	vor.u32 v3, v48  }
0x1a2: {  	v2 =	vxor.u32 v1, v2  }
0x1a3: {  	v2 =	vadd.s32 $0x4D5, v2  }
0x1a4: {  	v3 =	vshrl.u32 v2, $0xF;
	v49 =	vshll.u32 v2, $0x11  }
0x1a5: {  	v1 =	vadd.s32 v1, v2;
	v2 =	vor.u32 v3, v49  }
0x1a6: {  	v2 =	vxor.u32 v1, v2  }
0x1a7: {  	v3 =	vshrl.u32 v2, $0x3;
	v50 =	vshll.u32 v2, $0x1D  }
0x1a8: {  	v1 =	vadd.s32 v1, v2;
	v2 =	vor.u32 v3, v50  }
0x1a9: {  	v2 =	vxor.u32 v1, v2  }
0x1aa: {  	v3 =	vshrl.u32 v2, $0x10;
	v51 =	vshll.u32 v2, $0x10  }
0x1ab: {  	v1 =	vadd.s32 v1, v2;
	v2 =	vor.u32 v3, v51  }
0x1ac: {  	v2 =	vxor.u32 v1, v2  }
0x1ad: {  	v3 =	vshrl.u32 v2, $0x8;
	v52 =	vshll.u32 v2, $0x18  }
0x1ae: {  	v1 =	vadd.s32 v1, v2;
	v2 =	vor.u32 v3, v52  }
0x1af: {  	v2 =	vxor.u32 v1, v2  }
0x1b0: {  	v2 =	vadd.s32 $0x1BD11F0C, v2  }
0x1b1: {  	v1 =	vadd.s32 v2, v1;
	v3 =	vshrl.u32 v2, $0x13;
	v2 =	vshll.u32 v2, $0xD  }
0x1b2: {  	v1 =	vadd.s32 $0x4D2, v1;
	v2 =	vor.u32 v3, v2  }
0x1b3: {  	v2 =	vxor.u32 v1, v2  }
0x1b4: {  	v3 =	vshrl.u32 v2, $0x11;
	v53 =	vshll.u32 v2, $0xF  }
0x1b5: {  	v1 =	vadd.s32 v1, v2;
	v2 =	vor.u32 v3, v53  }
0x1b6: {  	v2 =	vxor.u32 v1, v2  }
0x1b7: {  	v3 =	vshrl.u32 v2, $0x6;
	v54 =	vshll.u32 v2, $0x1A  }
0x1b8: {  	v1 =	vadd.s32 v1, v2;
	v2 =	vor.u32 v3, v54  }
0x1b9: {  	v2 =	vxor.u32 v1, v2  }
0x1ba: {  	v3 =	vshrl.u32 v2, $0x1A;
	v55 =	vshll.u32 v2, $0x6  }
0x1bb: {  	v1 =	vadd.s32 v1, v2;
	v2 =	vor.u32 v3, v55  }
0x1bc: {  	v2 =	vxor.u32 v1, v2  }
0x1bd: {  	v1 =	vadd.s32 $0x1BD11F08, v1;
	v2 =	vadd.s32 $0x5, v2  }
0x1be: {  	v1 =	vxor.u32 v1, v2  }
0x1bf: {  	[tilespmem:s14+$0x0] =	vst v1  }
0x1c0: {  	v1 =	vld [tilespmem:$0x680];
	_ =	sdelay $0x3  }
0x1c1: {  	s28 =	sadd.s32 $0x9EB632, s15  }
0x1c2: {  	v1 =	vadd.s32 s28, v1  }
0x1c3: {  	v2 =	vshrl.u32 v1, $0x13;
	v3 =	vshll.u32 v1, $0xD  }
0x1c4: {  	v2 =	vor.u32 v2, v3  }
0x1c5: {  	v2 =	vxor.u32 v1, v2  }
0x1c6: {  	v3 =	vshrl.u32 v2, $0x11;
	v56 =	vshll.u32 v2, $0xF  }
0x1c7: {  	v1 =	vadd.s32 v1, v2;
	v2 =	vor.u32 v3, v56  }
0x1c8: {  	v2 =	vxor.u32 v1, v2  }
0x1c9: {  	v3 =	vshrl.u32 v2, $0x6;
	v57 =	vshll.u32 v2, $0x1A  }
0x1ca: {  	v1 =	vadd.s32 v1, v2;
	v2 =	vor.u32 v3, v57  }
0x1cb: {  	v2 =	vxor.u32 v1, v2  }
0x1cc: {  	v3 =	vshrl.u32 v2, $0x1A;
	v58 =	vshll.u32 v2, $0x6  }
0x1cd: {  	v1 =	vadd.s32 v1, v2;
	v2 =	vor.u32 v3, v58  }
0x1ce: {  	v2 =	vxor.u32 v1, v2  }
0x1cf: {  	v2 =	vadd.s32 $0x1BD11F09, v2  }
0x1d0: {  	v1 =	vadd.s32 v2, v1;
	v3 =	vshrl.u32 v2, $0xF;
	v2 =	vshll.u32 v2, $0x11  }
0x1d1: {  	v1 =	vadd.s32 $0x4D2, v1;
	v2 =	vor.u32 v3, v2  }
0x1d2: {  	v2 =	vxor.u32 v1, v2  }
0x1d3: {  	v3 =	vshrl.u32 v2, $0x3;
	v59 =	vshll.u32 v2, $0x1D  }
0x1d4: {  	v1 =	vadd.s32 v1, v2;
	v2 =	vor.u32 v3, v59  }
0x1d5: {  	v2 =	vxor.u32 v1, v2  }
0x1d6: {  	v3 =	vshrl.u32 v2, $0x10;
	v60 =	vshll.u32 v2, $0x10  }
0x1d7: {  	v1 =	vadd.s32 v1, v2;
	v2 =	vor.u32 v3, v60  }
0x1d8: {  	v2 =	vxor.u32 v1, v2  }
0x1d9: {  	v3 =	vshrl.u32 v2, $0x8;
	v61 =	vshll.u32 v2, $0x18  }
0x1da: {  	v1 =	vadd.s32 v1, v2;
	v2 =	vor.u32 v3, v61  }
0x1db: {  	v2 =	vxor.u32 v1, v2  }
0x1dc: {  	v2 =	vadd.s32 $0x2, v2  }
0x1dd: {  	v1 =	vadd.s32 v2, v1;
	v3 =	vshrl.u32 v2, $0x13;
	v2 =	vshll.u32 v2, $0xD  }
0x1de: {  	v1 =	vadd.s32 $0x1BD11F08, v1;
	v2 =	vor.u32 v3, v2  }
0x1df: {  	v2 =	vxor.u32 v1, v2  }
0x1e0: {  	v3 =	vshrl.u32 v2, $0x11;
	v62 =	vshll.u32 v2, $0xF  }
0x1e1: {  	v1 =	vadd.s32 v1, v2;
	v2 =	vor.u32 v3, v62  }
0x1e2: {  	v2 =	vxor.u32 v1, v2  }
0x1e3: {  	v3 =	vshrl.u32 v2, $0x6;
	v63 =	vshll.u32 v2, $0x1A  }
0x1e4: {  	v1 =	vadd.s32 v1, v2;
	v2 =	vor.u32 v3, v63  }
0x1e5: {  	v2 =	vxor.u32 v1, v2  }
0x1e6: {  	v3 =	vshrl.u32 v2, $0x1A;
	v8 =	vshll.u32 v2, $0x6  }
0x1e7: {  	v1 =	vadd.s32 v1, v2;
	v2 =	vor.u32 v3, v8  }
0x1e8: {  	v2 =	vxor.u32 v1, v2  }
0x1e9: {  	v2 =	vadd.s32 $0x4D5, v2  }
0x1ea: {  	v3 =	vshrl.u32 v2, $0xF;
	v9 =	vshll.u32 v2, $0x11  }
0x1eb: {  	v1 =	vadd.s32 v1, v2;
	v2 =	vor.u32 v3, v9  }
0x1ec: {  	v2 =	vxor.u32 v1, v2  }
0x1ed: {  	v3 =	vshrl.u32 v2, $0x3;
	v10 =	vshll.u32 v2, $0x1D  }
0x1ee: {  	v1 =	vadd.s32 v1, v2;
	v2 =	vor.u32 v3, v10  }
0x1ef: {  	v2 =	vxor.u32 v1, v2  }
0x1f0: {  	v3 =	vshrl.u32 v2, $0x10;
	v11 =	vshll.u32 v2, $0x10  }
0x1f1: {  	v1 =	vadd.s32 v1, v2;
	v2 =	vor.u32 v3, v11  }
0x1f2: {  	v2 =	vxor.u32 v1, v2  }
0x1f3: {  	v3 =	vshrl.u32 v2, $0x8;
	v12 =	vshll.u32 v2, $0x18  }
0x1f4: {  	v1 =	vadd.s32 v1, v2;
	v2 =	vor.u32 v3, v12  }
0x1f5: {  	v2 =	vxor.u32 v1, v2  }
0x1f6: {  	v2 =	vadd.s32 $0x1BD11F0C, v2  }
0x1f7: {  	v1 =	vadd.s32 v2, v1;
	v3 =	vshrl.u32 v2, $0x13;
	v2 =	vshll.u32 v2, $0xD  }
0x1f8: {  	v1 =	vadd.s32 $0x4D2, v1;
	v2 =	vor.u32 v3, v2  }
0x1f9: {  	v2 =	vxor.u32 v1, v2  }
0x1fa: {  	v3 =	vshrl.u32 v2, $0x11;
	v13 =	vshll.u32 v2, $0xF  }
0x1fb: {  	v1 =	vadd.s32 v1, v2;
	v2 =	vor.u32 v3, v13  }
0x1fc: {  	v2 =	vxor.u32 v1, v2  }
0x1fd: {  	v3 =	vshrl.u32 v2, $0x6;
	v14 =	vshll.u32 v2, $0x1A  }
0x1fe: {  	v1 =	vadd.s32 v1, v2;
	v2 =	vor.u32 v3, v14  }
0x1ff: {  	v2 =	vxor.u32 v1, v2  }
0x200: {  	v3 =	vshrl.u32 v2, $0x1A;
	v15 =	vshll.u32 v2, $0x6  }
0x201: {  	v1 =	vadd.s32 v1, v2;
	v2 =	vor.u32 v3, v15  }
0x202: {  	v2 =	vxor.u32 v1, v2  }
0x203: {  	v1 =	vadd.s32 $0x1BD11F08, v1;
	v2 =	vadd.s32 $0x5, v2  }
0x204: {  	v1 =	vxor.u32 v1, v2  }
0x205: {  	[tilespmem:s14+$0x10] =	vst v1  }
0x206: {  	v1 =	vld [tilespmem:$0x680];
	_ =	sdelay $0x3  }
0x207: {  	s29 =	sadd.s32 $0x9EB642, s15  }
0x208: {  	v1 =	vadd.s32 s29, v1  }
0x209: {  	v2 =	vshrl.u32 v1, $0x13;
	v3 =	vshll.u32 v1, $0xD  }
0x20a: {  	v2 =	vor.u32 v2, v3  }
0x20b: {  	v2 =	vxor.u32 v1, v2  }
0x20c: {  	v3 =	vshrl.u32 v2, $0x11;
	v16 =	vshll.u32 v2, $0xF  }
0x20d: {  	v1 =	vadd.s32 v1, v2;
	v2 =	vor.u32 v3, v16  }
0x20e: {  	v2 =	vxor.u32 v1, v2  }
0x20f: {  	v3 =	vshrl.u32 v2, $0x6;
	v17 =	vshll.u32 v2, $0x1A  }
0x210: {  	v1 =	vadd.s32 v1, v2;
	v2 =	vor.u32 v3, v17  }
0x211: {  	v2 =	vxor.u32 v1, v2  }
0x212: {  	v3 =	vshrl.u32 v2, $0x1A;
	v18 =	vshll.u32 v2, $0x6  }
0x213: {  	v1 =	vadd.s32 v1, v2;
	v2 =	vor.u32 v3, v18  }
0x214: {  	v2 =	vxor.u32 v1, v2  }
0x215: {  	v2 =	vadd.s32 $0x1BD11F09, v2  }
0x216: {  	v1 =	vadd.s32 v2, v1;
	v3 =	vshrl.u32 v2, $0xF;
	v2 =	vshll.u32 v2, $0x11  }
0x217: {  	v1 =	vadd.s32 $0x4D2, v1;
	v2 =	vor.u32 v3, v2  }
0x218: {  	v2 =	vxor.u32 v1, v2  }
0x219: {  	v3 =	vshrl.u32 v2, $0x3;
	v19 =	vshll.u32 v2, $0x1D  }
0x21a: {  	v1 =	vadd.s32 v1, v2;
	v2 =	vor.u32 v3, v19  }
0x21b: {  	v2 =	vxor.u32 v1, v2  }
0x21c: {  	v3 =	vshrl.u32 v2, $0x10;
	v20 =	vshll.u32 v2, $0x10  }
0x21d: {  	v1 =	vadd.s32 v1, v2;
	v2 =	vor.u32 v3, v20  }
0x21e: {  	v2 =	vxor.u32 v1, v2  }
0x21f: {  	v3 =	vshrl.u32 v2, $0x8;
	v21 =	vshll.u32 v2, $0x18  }
0x220: {  	v1 =	vadd.s32 v1, v2;
	v2 =	vor.u32 v3, v21  }
0x221: {  	v2 =	vxor.u32 v1, v2  }
0x222: {  	v2 =	vadd.s32 $0x2, v2  }
0x223: {  	v1 =	vadd.s32 v2, v1;
	v3 =	vshrl.u32 v2, $0x13;
	v2 =	vshll.u32 v2, $0xD  }
0x224: {  	v1 =	vadd.s32 $0x1BD11F08, v1;
	v2 =	vor.u32 v3, v2  }
0x225: {  	v2 =	vxor.u32 v1, v2  }
0x226: {  	v3 =	vshrl.u32 v2, $0x11;
	v22 =	vshll.u32 v2, $0xF  }
0x227: {  	v1 =	vadd.s32 v1, v2;
	v2 =	vor.u32 v3, v22  }
0x228: {  	v2 =	vxor.u32 v1, v2  }
0x229: {  	v3 =	vshrl.u32 v2, $0x6;
	v23 =	vshll.u32 v2, $0x1A  }
0x22a: {  	v1 =	vadd.s32 v1, v2;
	v2 =	vor.u32 v3, v23  }
0x22b: {  	v2 =	vxor.u32 v1, v2  }
0x22c: {  	v3 =	vshrl.u32 v2, $0x1A;
	v24 =	vshll.u32 v2, $0x6  }
0x22d: {  	v1 =	vadd.s32 v1, v2;
	v2 =	vor.u32 v3, v24  }
0x22e: {  	v2 =	vxor.u32 v1, v2  }
0x22f: {  	v2 =	vadd.s32 $0x4D5, v2  }
0x230: {  	v3 =	vshrl.u32 v2, $0xF;
	v25 =	vshll.u32 v2, $0x11  }
0x231: {  	v1 =	vadd.s32 v1, v2;
	v2 =	vor.u32 v3, v25  }
0x232: {  	v2 =	vxor.u32 v1, v2  }
0x233: {  	v3 =	vshrl.u32 v2, $0x3;
	v26 =	vshll.u32 v2, $0x1D  }
0x234: {  	v1 =	vadd.s32 v1, v2;
	v2 =	vor.u32 v3, v26  }
0x235: {  	v2 =	vxor.u32 v1, v2  }
0x236: {  	v3 =	vshrl.u32 v2, $0x10;
	v27 =	vshll.u32 v2, $0x10  }
0x237: {  	v1 =	vadd.s32 v1, v2;
	v2 =	vor.u32 v3, v27  }
0x238: {  	v2 =	vxor.u32 v1, v2  }
0x239: {  	v3 =	vshrl.u32 v2, $0x8;
	v28 =	vshll.u32 v2, $0x18  }
0x23a: {  	v1 =	vadd.s32 v1, v2;
	v2 =	vor.u32 v3, v28  }
0x23b: {  	v2 =	vxor.u32 v1, v2  }
0x23c: {  	v2 =	vadd.s32 $0x1BD11F0C, v2  }
0x23d: {  	v1 =	vadd.s32 v2, v1;
	v3 =	vshrl.u32 v2, $0x13;
	v2 =	vshll.u32 v2, $0xD  }
0x23e: {  	v1 =	vadd.s32 $0x4D2, v1;
	v2 =	vor.u32 v3, v2  }
0x23f: {  	v2 =	vxor.u32 v1, v2  }
0x240: {  	v3 =	vshrl.u32 v2, $0x11;
	v29 =	vshll.u32 v2, $0xF  }
0x241: {  	v1 =	vadd.s32 v1, v2;
	v2 =	vor.u32 v3, v29  }
0x242: {  	v2 =	vxor.u32 v1, v2  }
0x243: {  	v3 =	vshrl.u32 v2, $0x6;
	v30 =	vshll.u32 v2, $0x1A  }
0x244: {  	v1 =	vadd.s32 v1, v2;
	v2 =	vor.u32 v3, v30  }
0x245: {  	v2 =	vxor.u32 v1, v2  }
0x246: {  	v3 =	vshrl.u32 v2, $0x1A;
	v31 =	vshll.u32 v2, $0x6  }
0x247: {  	v1 =	vadd.s32 v1, v2;
	v2 =	vor.u32 v3, v31  }
0x248: {  	v2 =	vxor.u32 v1, v2  }
0x249: {  	v1 =	vadd.s32 $0x1BD11F08, v1;
	v2 =	vadd.s32 $0x5, v2  }
0x24a: {  	v1 =	vxor.u32 v1, v2  }
0x24b: {  	[tilespmem:s14+$0x20] =	vst v1  }
0x24c: {  	v1 =	vld [tilespmem:$0x680];
	_ =	sdelay $0x3  }
0x24d: {  	s30 =	sadd.s32 $0x9EB652, s15  }
0x24e: {  	v1 =	vadd.s32 s30, v1  }
0x24f: {  	v2 =	vshrl.u32 v1, $0x13;
	v3 =	vshll.u32 v1, $0xD  }
0x250: {  	v2 =	vor.u32 v2, v3  }
0x251: {  	v2 =	vxor.u32 v1, v2  }
0x252: {  	v3 =	vshrl.u32 v2, $0x11;
	v32 =	vshll.u32 v2, $0xF  }
0x253: {  	v1 =	vadd.s32 v1, v2;
	v2 =	vor.u32 v3, v32  }
0x254: {  	v2 =	vxor.u32 v1, v2  }
0x255: {  	v3 =	vshrl.u32 v2, $0x6;
	v33 =	vshll.u32 v2, $0x1A  }
0x256: {  	v1 =	vadd.s32 v1, v2;
	v2 =	vor.u32 v3, v33  }
0x257: {  	v2 =	vxor.u32 v1, v2  }
0x258: {  	v3 =	vshrl.u32 v2, $0x1A;
	v34 =	vshll.u32 v2, $0x6  }
0x259: {  	v1 =	vadd.s32 v1, v2;
	v2 =	vor.u32 v3, v34  }
0x25a: {  	v2 =	vxor.u32 v1, v2  }
0x25b: {  	v2 =	vadd.s32 $0x1BD11F09, v2  }
0x25c: {  	v1 =	vadd.s32 v2, v1;
	v3 =	vshrl.u32 v2, $0xF;
	v2 =	vshll.u32 v2, $0x11  }
0x25d: {  	v1 =	vadd.s32 $0x4D2, v1;
	v2 =	vor.u32 v3, v2  }
0x25e: {  	v2 =	vxor.u32 v1, v2  }
0x25f: {  	v3 =	vshrl.u32 v2, $0x3;
	v35 =	vshll.u32 v2, $0x1D  }
0x260: {  	v1 =	vadd.s32 v1, v2;
	v2 =	vor.u32 v3, v35  }
0x261: {  	v2 =	vxor.u32 v1, v2  }
0x262: {  	v3 =	vshrl.u32 v2, $0x10;
	v36 =	vshll.u32 v2, $0x10  }
0x263: {  	v1 =	vadd.s32 v1, v2;
	v2 =	vor.u32 v3, v36  }
0x264: {  	v2 =	vxor.u32 v1, v2  }
0x265: {  	v3 =	vshrl.u32 v2, $0x8;
	v37 =	vshll.u32 v2, $0x18  }
0x266: {  	v1 =	vadd.s32 v1, v2;
	v2 =	vor.u32 v3, v37  }
0x267: {  	v2 =	vxor.u32 v1, v2  }
0x268: {  	v2 =	vadd.s32 $0x2, v2  }
0x269: {  	v1 =	vadd.s32 v2, v1;
	v3 =	vshrl.u32 v2, $0x13;
	v2 =	vshll.u32 v2, $0xD  }
0x26a: {  	v1 =	vadd.s32 $0x1BD11F08, v1;
	v2 =	vor.u32 v3, v2  }
0x26b: {  	v2 =	vxor.u32 v1, v2  }
0x26c: {  	v3 =	vshrl.u32 v2, $0x11;
	v38 =	vshll.u32 v2, $0xF  }
0x26d: {  	v1 =	vadd.s32 v1, v2;
	v2 =	vor.u32 v3, v38  }
0x26e: {  	v2 =	vxor.u32 v1, v2  }
0x26f: {  	v3 =	vshrl.u32 v2, $0x6;
	v39 =	vshll.u32 v2, $0x1A  }
0x270: {  	v1 =	vadd.s32 v1, v2;
	v2 =	vor.u32 v3, v39  }
0x271: {  	v2 =	vxor.u32 v1, v2  }
0x272: {  	v3 =	vshrl.u32 v2, $0x1A;
	v40 =	vshll.u32 v2, $0x6  }
0x273: {  	v1 =	vadd.s32 v1, v2;
	v2 =	vor.u32 v3, v40  }
0x274: {  	v2 =	vxor.u32 v1, v2  }
0x275: {  	v2 =	vadd.s32 $0x4D5, v2  }
0x276: {  	v3 =	vshrl.u32 v2, $0xF;
	v41 =	vshll.u32 v2, $0x11  }
0x277: {  	v1 =	vadd.s32 v1, v2;
	v2 =	vor.u32 v3, v41  }
0x278: {  	v2 =	vxor.u32 v1, v2  }
0x279: {  	v3 =	vshrl.u32 v2, $0x3;
	v42 =	vshll.u32 v2, $0x1D  }
0x27a: {  	v1 =	vadd.s32 v1, v2;
	v2 =	vor.u32 v3, v42  }
0x27b: {  	v2 =	vxor.u32 v1, v2  }
0x27c: {  	v3 =	vshrl.u32 v2, $0x10;
	v43 =	vshll.u32 v2, $0x10  }
0x27d: {  	v1 =	vadd.s32 v1, v2;
	v2 =	vor.u32 v3, v43  }
0x27e: {  	v2 =	vxor.u32 v1, v2  }
0x27f: {  	v3 =	vshrl.u32 v2, $0x8;
	v44 =	vshll.u32 v2, $0x18  }
0x280: {  	v1 =	vadd.s32 v1, v2;
	v2 =	vor.u32 v3, v44  }
0x281: {  	v2 =	vxor.u32 v1, v2  }
0x282: {  	v2 =	vadd.s32 $0x1BD11F0C, v2  }
0x283: {  	v1 =	vadd.s32 v2, v1;
	v3 =	vshrl.u32 v2, $0x13;
	v2 =	vshll.u32 v2, $0xD  }
0x284: {  	v1 =	vadd.s32 $0x4D2, v1;
	v2 =	vor.u32 v3, v2  }
0x285: {  	v2 =	vxor.u32 v1, v2  }
0x286: {  	v3 =	vshrl.u32 v2, $0x11;
	v45 =	vshll.u32 v2, $0xF  }
0x287: {  	v1 =	vadd.s32 v1, v2;
	v2 =	vor.u32 v3, v45  }
0x288: {  	v2 =	vxor.u32 v1, v2  }
0x289: {  	v3 =	vshrl.u32 v2, $0x6;
	v46 =	vshll.u32 v2, $0x1A  }
0x28a: {  	v1 =	vadd.s32 v1, v2;
	v2 =	vor.u32 v3, v46  }
0x28b: {  	v2 =	vxor.u32 v1, v2  }
0x28c: {  	v3 =	vshrl.u32 v2, $0x1A;
	v47 =	vshll.u32 v2, $0x6  }
0x28d: {  	v1 =	vadd.s32 v1, v2;
	v2 =	vor.u32 v3, v47  }
0x28e: {  	s31 =	sadd.s32 $0x80, s13;
	v2 =	vxor.u32 v1, v2  }
0x28f: {  	s17 =	sand.u32 $0x60, s13;
	s16 =	sand.u32 $0x1F80, s31;
	v1 =	vadd.s32 $0x1BD11F08, v1;
	v2 =	vadd.s32 $0x5, v2  }
0x290: {  	s16 =	sor.u32 s17, s16;
	v1 =	vxor.u32 v1, v2  }
0x291: {  	[tilespmem:s16+$0x0] =	vst v1  }
0x292: {  	v1 =	vld [tilespmem:$0x680];
	_ =	sdelay $0x3  }
0x293: {  	s15 =	sadd.s32 $0x9EB662, s15  }
0x294: {  	v1 =	vadd.s32 s15, v1  }
0x295: {  	v2 =	vshrl.u32 v1, $0x13;
	v3 =	vshll.u32 v1, $0xD  }
0x296: {  	v2 =	vor.u32 v2, v3  }
0x297: {  	v2 =	vxor.u32 v1, v2  }
0x298: {  	v3 =	vshrl.u32 v2, $0x11;
	v48 =	vshll.u32 v2, $0xF  }
0x299: {  	v1 =	vadd.s32 v1, v2;
	v2 =	vor.u32 v3, v48  }
0x29a: {  	v2 =	vxor.u32 v1, v2  }
0x29b: {  	v3 =	vshrl.u32 v2, $0x6;
	v49 =	vshll.u32 v2, $0x1A  }
0x29c: {  	v1 =	vadd.s32 v1, v2;
	v2 =	vor.u32 v3, v49  }
0x29d: {  	v2 =	vxor.u32 v1, v2  }
0x29e: {  	v3 =	vshrl.u32 v2, $0x1A;
	v50 =	vshll.u32 v2, $0x6  }
0x29f: {  	v1 =	vadd.s32 v1, v2;
	v2 =	vor.u32 v3, v50  }
0x2a0: {  	v2 =	vxor.u32 v1, v2  }
0x2a1: {  	v2 =	vadd.s32 $0x1BD11F09, v2  }
0x2a2: {  	v1 =	vadd.s32 v2, v1;
	v3 =	vshrl.u32 v2, $0xF;
	v2 =	vshll.u32 v2, $0x11  }
0x2a3: {  	v1 =	vadd.s32 $0x4D2, v1;
	v2 =	vor.u32 v3, v2  }
0x2a4: {  	v2 =	vxor.u32 v1, v2  }
0x2a5: {  	v3 =	vshrl.u32 v2, $0x3;
	v51 =	vshll.u32 v2, $0x1D  }
0x2a6: {  	v1 =	vadd.s32 v1, v2;
	v2 =	vor.u32 v3, v51  }
0x2a7: {  	v2 =	vxor.u32 v1, v2  }
0x2a8: {  	v3 =	vshrl.u32 v2, $0x10;
	v52 =	vshll.u32 v2, $0x10  }
0x2a9: {  	v1 =	vadd.s32 v1, v2;
	v2 =	vor.u32 v3, v52  }
0x2aa: {  	v2 =	vxor.u32 v1, v2  }
0x2ab: {  	v3 =	vshrl.u32 v2, $0x8;
	v53 =	vshll.u32 v2, $0x18  }
0x2ac: {  	v1 =	vadd.s32 v1, v2;
	v2 =	vor.u32 v3, v53  }
0x2ad: {  	v2 =	vxor.u32 v1, v2  }
0x2ae: {  	v2 =	vadd.s32 $0x2, v2  }
0x2af: {  	v1 =	vadd.s32 v2, v1;
	v3 =	vshrl.u32 v2, $0x13;
	v2 =	vshll.u32 v2, $0xD  }
0x2b0: {  	v1 =	vadd.s32 $0x1BD11F08, v1;
	v2 =	vor.u32 v3, v2  }
0x2b1: {  	v2 =	vxor.u32 v1, v2  }
0x2b2: {  	v3 =	vshrl.u32 v2, $0x11;
	v54 =	vshll.u32 v2, $0xF  }
0x2b3: {  	v1 =	vadd.s32 v1, v2;
	v2 =	vor.u32 v3, v54  }
0x2b4: {  	v2 =	vxor.u32 v1, v2  }
0x2b5: {  	v3 =	vshrl.u32 v2, $0x6;
	v55 =	vshll.u32 v2, $0x1A  }
0x2b6: {  	v1 =	vadd.s32 v1, v2;
	v2 =	vor.u32 v3, v55  }
0x2b7: {  	v2 =	vxor.u32 v1, v2  }
0x2b8: {  	v3 =	vshrl.u32 v2, $0x1A;
	v56 =	vshll.u32 v2, $0x6  }
0x2b9: {  	v1 =	vadd.s32 v1, v2;
	v2 =	vor.u32 v3, v56  }
0x2ba: {  	v2 =	vxor.u32 v1, v2  }
0x2bb: {  	v2 =	vadd.s32 $0x4D5, v2  }
0x2bc: {  	v3 =	vshrl.u32 v2, $0xF;
	v57 =	vshll.u32 v2, $0x11  }
0x2bd: {  	v1 =	vadd.s32 v1, v2;
	v2 =	vor.u32 v3, v57  }
0x2be: {  	v2 =	vxor.u32 v1, v2  }
0x2bf: {  	v3 =	vshrl.u32 v2, $0x3;
	v58 =	vshll.u32 v2, $0x1D  }
0x2c0: {  	v1 =	vadd.s32 v1, v2;
	v2 =	vor.u32 v3, v58  }
0x2c1: {  	v2 =	vxor.u32 v1, v2  }
0x2c2: {  	v3 =	vshrl.u32 v2, $0x10;
	v59 =	vshll.u32 v2, $0x10  }
0x2c3: {  	v1 =	vadd.s32 v1, v2;
	v2 =	vor.u32 v3, v59  }
0x2c4: {  	v2 =	vxor.u32 v1, v2  }
0x2c5: {  	v3 =	vshrl.u32 v2, $0x8;
	v60 =	vshll.u32 v2, $0x18  }
0x2c6: {  	v1 =	vadd.s32 v1, v2;
	v2 =	vor.u32 v3, v60  }
0x2c7: {  	v2 =	vxor.u32 v1, v2  }
0x2c8: {  	v2 =	vadd.s32 $0x1BD11F0C, v2  }
0x2c9: {  	v1 =	vadd.s32 v2, v1;
	v3 =	vshrl.u32 v2, $0x13;
	v2 =	vshll.u32 v2, $0xD  }
0x2ca: {  	v1 =	vadd.s32 $0x4D2, v1;
	v2 =	vor.u32 v3, v2  }
0x2cb: {  	v2 =	vxor.u32 v1, v2  }
0x2cc: {  	v3 =	vshrl.u32 v2, $0x11;
	v61 =	vshll.u32 v2, $0xF  }
0x2cd: {  	v1 =	vadd.s32 v1, v2;
	v2 =	vor.u32 v3, v61  }
0x2ce: {  	v2 =	vxor.u32 v1, v2  }
0x2cf: {  	v3 =	vshrl.u32 v2, $0x6;
	v62 =	vshll.u32 v2, $0x1A  }
0x2d0: {  	v1 =	vadd.s32 v1, v2;
	v2 =	vor.u32 v3, v62  }
0x2d1: {  	v2 =	vxor.u32 v1, v2  }
0x2d2: {  	p0 =	sne.s32 s13, $0x5A0;
	v3 =	vshrl.u32 v2, $0x1A;
	v63 =	vshll.u32 v2, $0x6  }
.Ltmp5:
0x2d3: {  	v1 =	vadd.s32 v1, v2;
	v2 =	vor.u32 v3, v63;
	(pc) =	sbr.rel @p0 .LBB2_4-.Ltmp5, $4  }
0x2d4: {  	v2 =	vxor.u32 v1, v2  }
0x2d5: {  	v1 =	vadd.s32 $0x1BD11F08, v1;
	v2 =	vadd.s32 $0x5, v2  }
0x2d6: {  	v1 =	vxor.u32 v1, v2  }
0x2d7: {  	s13 =	sadd.s32 $0xA0, s13;
	[tilespmem:s14+$0x40] =	vst v1;
	s14 =	sadd.s32 $0xA0, s14  }
0x2d8: {  	s12 =	sshrl.u32 s12, $0x3  }
.Ltmp6:
0x2d9: {  	s12 =	sadd.s32 s2, s12;
	(pc) =	sbr.rel .LBB2_6-.Ltmp6, $4  }
0x2da: {  	[hbm4b:s12+s4] =	stream.linear.scatter [tilespmem:s4], [sflag:$0x1], $0x640, $0x38;
	[tilespmem:$0x700] =	vst v63  }
0x2db: {  	_ =	swait.ge [sflag:s8], $0x640  }
0x2dc: {  	[sflag:s8] =	ssyncset.done $0x0  }
0x2dd: {  	[sflag:s8] =	ssyncadd.s32 $0xFFFFF9C0  }
.LBB2_8:
0x2de: {  	_ =	sfence.sel $0x180000  }
0x2df: {  	[bflag:$0x0] =	sbarrier.arrive $0xFFFF  }
0x2e0: {  	p0 =	sne.s32 s1, $0x0;
	_ =	strace $0x90000047  }
0x2e1: {  	s0 =	sadd.s32 @!p0 $0x100000, s0;
	[bflag:$0x2] =	sbarrier.arrive $0xFFFF  }
0x2e2: {  	[sflag:s0] =	ssyncadd.tile.s32 @!p0 $0x1;
	_ =	shalt  }
.Lfunc_end2:
_tile_overlayer_lowered:
.L_overlay_start_2:
0x2e3: {  	(tag) =	ssettag $0x2  }
0x2e4: {  	s0 =	rddreg [dreg:$0x0];
	s2 =	stileid.u32  }
0x2e5: {  	s1 =	rddreg [dreg:$0x1];
	p0 =	sne.s32 s2, $0x0  }
0x2e6: {  	s3 =	rddreg [dreg:$0x2];
	[bflag:$0x3] =	sbarrier.arrive $0xFFFF;
	s2 =	simm.s32 @!p0 $0x1C01  }
0x2e7: {  	[timem:s3], [sflag:s2] =	dma.local @!p0 [hbm:s0], s1  }
0x2e8: {  	s0 =	simm.s32 @!p0 $0x1  }
0x2e9: {  	_ =	swait.ge @!p0 [sflag:s0], s1  }
0x2ea: {  	s1 =	ssub.s32 @!p0 $0x0, s1;
	[sflag:s0] =	ssyncset.done @!p0 $0x0  }
0x2eb: {  	[sflag:s0] =	ssyncadd.s32 @!p0 s1  }
0x2ec: {  	[bflag:$0x3] =	sbarrier.arrive $0xFFFF  }
0x2ed: {  	_ =	shalt  }

</sc_bundles>
